<compile_context>
chip_gen: v7x
topology: tpu7x:2x2x1
jax: 0.10.2.dev20260603
libtpu: 0.0.44.dev20260713+nightly
codegen_flags: <defaults>
</compile_context>

<pallas_src>
import numpy as np

import jax
import jax.numpy as jnp
from jax import lax
from jax.experimental import pallas as pl
from jax.experimental.pallas import tpu as pltpu
from jax.experimental.pallas import tpu_sc as plsc

B, N, C, K = 16, 20000, 80, 300
IMG_H, IMG_W = 640, 640

HALF = N // 2
CAPR = 896
NCH = CAPR // 128
CAPW = 512
M = 2 * CAPW

_I32_MIN = np.int32(-2147483648)
_I32_M7F = np.int32(0x7FFFFFFF)


def _sortable_keys(x):
    i = lax.bitcast_convert_type(x, jnp.int32)
    return jnp.where(i >= 0, i, i ^ _I32_M7F)


def _threshold_kernel(logits_ref, rowmax_ref, t0_ref):
    x = logits_ref[0]
    rm = jnp.max(x, axis=1)
    rowmax_ref[...] = rm.reshape(1, 1, N)

    keys = _sortable_keys(rm)

    def bit_body(i, t_u):
        cand_u = t_u | (jnp.int32(1) << (jnp.int32(31) - i))
        cand_s = cand_u ^ _I32_MIN
        cnt = jnp.sum((keys >= cand_s).astype(jnp.int32))
        return jnp.where(cnt >= K, cand_u, t_u)

    t_u = lax.fori_loop(0, 32, bit_body, jnp.int32(0))
    t_s = t_u ^ _I32_MIN
    f_bits = jnp.where(t_s >= 0, t_s, t_s ^ _I32_M7F)
    t0 = lax.bitcast_convert_type(f_bits, jnp.float32)
    t0_ref[...] = jnp.full((1, 1, 16), t0, jnp.float32)


def _filter_kernel(logits2d, boxes2d, rowmax, t0,
                   cval, cidx, cbox, ccnt,
                   rm_v, t0_v, ridx2d, ridx1d, rows_v, brow_v,
                   cv_v, ci_v, cb_v, cnt_v, sem):
    b = lax.axis_index("s")
    h = lax.axis_index("c")
    w2 = b * 2 + h

    pltpu.sync_copy(rowmax.at[pl.ds(b * N + h * HALF, HALF)], rm_v)
    pltpu.sync_copy(t0.at[pl.ds(b * 16, 16)], t0_v)
    t0v = t0_v[...]

    zeros16 = jnp.zeros((16,), jnp.int32)
    for j in range(NCH):
        for k2 in range(8):
            ridx2d[j, pl.ds(k2 * 16, 16)] = zeros16

    iota16 = lax.iota(jnp.int32, 16)
    grow_base = b * N + h * HALF

    def row_body(i, roff):
        rm16 = rm_v[pl.ds(i * 16, 16)]
        m = rm16 >= t0v
        mi = m.astype(jnp.int32)
        cnt = jnp.sum(mi)
        pos = jnp.full((16,), roff - 1, jnp.int32) + plsc.cumsum(mi)
        posc = jnp.minimum(pos, jnp.full((16,), CAPR - 1, jnp.int32))
        grow = jnp.full((16,), grow_base + i * 16, jnp.int32) + iota16
        plsc.store_scatter(ridx1d, [posc], grow, mask=m)
        plsc.store_scatter(ridx2d, [posc >> 7, posc & 127], grow, mask=m)
        return roff + cnt

    roff = lax.fori_loop(0, HALF // 16, row_body, jnp.int32(0))
    nrows = jnp.minimum(roff, jnp.int32(CAPR))

    for j in range(NCH):
        @pl.when(j * 128 < nrows)
        def _():
            pltpu.async_copy(logits2d.at[ridx2d.at[j]],
                             rows_v.at[pl.ds(j * 128, 128)], sem)
            pltpu.async_copy(boxes2d.at[ridx2d.at[j]],
                             brow_v.at[pl.ds(j * 128, 128)], sem)
    for j in range(NCH):
        @pl.when(j * 128 < nrows)
        def _():
            pltpu.make_async_copy(logits2d.at[ridx2d.at[j]],
                                  rows_v.at[pl.ds(j * 128, 128)], sem).wait()
            pltpu.make_async_copy(boxes2d.at[ridx2d.at[j]],
                                  brow_v.at[pl.ds(j * 128, 128)], sem).wait()

    def elem_body(s, eoff):
        svec = jnp.full((16,), s, jnp.int32)
        growv = plsc.load_gather(ridx1d, [svec])
        qidxv = growv - jnp.full((16,), b * N, jnp.int32)
        acc = eoff
        for g in range(C // 16):
            vals = rows_v[s, pl.ds(g * 16, 16)]
            m = vals >= t0v
            mi = m.astype(jnp.int32)
            cntg = jnp.sum(mi)

            @pl.when(cntg > 0)
            def _():
                pos = jnp.full((16,), acc - 1, jnp.int32) + plsc.cumsum(mi)
                posc = jnp.minimum(pos, jnp.full((16,), CAPW - 1, jnp.int32))
                flat = qidxv * jnp.full((16,), C, jnp.int32) + (
                    jnp.full((16,), g * 16, jnp.int32) + iota16)
                plsc.store_scatter(cv_v, [posc], vals, mask=m)
                plsc.store_scatter(ci_v, [posc], flat, mask=m)
                for k in range(4):
                    kvec = jnp.full((16,), k, jnp.int32)
                    comp = plsc.load_gather(brow_v, [svec, kvec])
                    plsc.store_scatter(cb_v, [posc, kvec], comp, mask=m)

            acc = acc + cntg
        return acc

    eoff = lax.fori_loop(0, nrows, elem_body, jnp.int32(0))

    cnt_v[...] = jnp.full((16,), jnp.minimum(eoff, jnp.int32(CAPW)),
                          jnp.int32)
    pltpu.sync_copy(cv_v, cval.at[pl.ds(w2 * CAPW, CAPW)])
    pltpu.sync_copy(ci_v, cidx.at[pl.ds(w2 * CAPW, CAPW)])
    pltpu.sync_copy(cb_v, cbox.at[pl.ds(w2 * CAPW, CAPW)])
    pltpu.sync_copy(cnt_v, ccnt.at[pl.ds(w2 * 16, 16)])


_filter_cache = []


def _get_filter():
    if not _filter_cache:
        _filter_cache.append(_make_filter())
    return _filter_cache[0]


def _make_filter():
    return pl.kernel(
        _filter_kernel,
        compiler_params=pltpu.CompilerParams(
            needs_layout_passes=False, use_tc_tiling_on_sc=False),
        out_type=[
        jax.ShapeDtypeStruct((B * 2 * CAPW,), jnp.float32),
        jax.ShapeDtypeStruct((B * 2 * CAPW,), jnp.int32),
        jax.ShapeDtypeStruct((B * 2 * CAPW, 4), jnp.float32),
        jax.ShapeDtypeStruct((B * 2 * 16,), jnp.int32),
    ],
    mesh=plsc.VectorSubcoreMesh(core_axis_name="c", subcore_axis_name="s"),
    scratch_types=[
        pltpu.VMEM((HALF,), jnp.float32),
        pltpu.VMEM((16,), jnp.float32),
        pltpu.VMEM((NCH, 128), jnp.int32),
        pltpu.VMEM((CAPR,), jnp.int32),
        pltpu.VMEM((CAPR, C), jnp.float32),
        pltpu.VMEM((CAPR, 16), jnp.float32),
        pltpu.VMEM((CAPW,), jnp.float32),
        pltpu.VMEM((CAPW,), jnp.int32),
        pltpu.VMEM((CAPW, 4), jnp.float32),
        pltpu.VMEM((16,), jnp.int32),
        pltpu.SemaphoreType.DMA,
    ],
    )


def _select_kernel(vrow_ref, vcol_ref, irow_ref, icol_ref, bx4_ref, ccnt_ref,
                   scale_ref, pad_ref, ori_ref,
                   scores_ref, labels_ref, boxes_ref):
    vr = vrow_ref[0]
    vc = vcol_ref[0]
    ir = irow_ref[0]
    ic = icol_ref[0]
    bx = bx4_ref[0]
    cnt0 = ccnt_ref[0, 0, 0]
    cnt1 = ccnt_ref[0, 1, 0]

    def valid_of(im):
        seg0 = im < CAPW
        local = jnp.where(seg0, im, im - CAPW)
        return local < jnp.where(seg0, cnt0, cnt1)

    imr = lax.broadcasted_iota(jnp.int32, (1, M), 1)
    imc = lax.broadcasted_iota(jnp.int32, (M, 1), 0)
    validr = valid_of(imr)
    validc = valid_of(imc)

    neg = jnp.float32(-3.4e38)
    vre = jnp.where(validr, vr, neg)
    vce = jnp.where(validc, vc, neg)
    ire = jnp.where(validr, ir, 10_000_000 + imr)
    ice = jnp.where(validc, ic, 10_000_000 + imc)

    beats = (vre > vce) | ((vre == vce) & (ire < ice))
    rank = jnp.sum(beats.astype(jnp.int32), axis=1, keepdims=True)

    kio = lax.broadcasted_iota(jnp.int32, (1, K), 1)
    p = ((rank == kio) & validc).astype(jnp.float32)

    dot = lambda a, b: lax.dot_general(
        a, b, (((1,), (0,)), ((), ())),
        precision=lax.Precision.HIGHEST,
        preferred_element_type=jnp.float32)
    vsel = dot(jnp.where(validr, vr, 0.0), p)
    isel = dot(jnp.where(validr, ir, 0).astype(jnp.float32), p)
    bsel = dot(jnp.where(validr, bx, 0.0), p)

    idx_i = isel.astype(jnp.int32)
    labels = idx_i - (idx_i // C) * C

    cxn = bsel[0:1, :] * np.float32(IMG_W)
    cyn = bsel[1:2, :] * np.float32(IMG_H)
    wn = bsel[2:3, :] * np.float32(IMG_W)
    hn = bsel[3:4, :] * np.float32(IMG_H)
    x1 = cxn - wn * 0.5
    y1 = cyn - hn * 0.5
    x2 = cxn + wn * 0.5
    y2 = cyn + hn * 0.5
    top_pad = pad_ref[0, 0, 0]
    left_pad = pad_ref[0, 0, 2]
    sw = scale_ref[0, 0, 0]
    sh = scale_ref[0, 0, 1]
    x1 = (x1 - left_pad) / sw
    y1 = (y1 - top_pad) / sh
    x2 = (x2 - left_pad) / sw
    y2 = (y2 - top_pad) / sh
    max_y = ori_ref[0, 0, 0].astype(jnp.float32)
    max_x = ori_ref[0, 0, 1].astype(jnp.float32)
    x1c = jnp.clip(x1, 0.0, max_x)
    y1c = jnp.clip(y1, 0.0, max_y)
    x2c = jnp.clip(x2, 0.0, max_x)
    y2c = jnp.clip(y2, 0.0, max_y)

    scores_ref[...] = jax.nn.sigmoid(vsel).reshape(1, 1, K)
    labels_ref[...] = labels.reshape(1, 1, K)
    boxes_ref[0, 0:1, :] = x1c
    boxes_ref[0, 1:2, :] = y1c
    boxes_ref[0, 2:3, :] = x2c - x1c
    boxes_ref[0, 3:4, :] = y2c - y1c


def kernel(pred_logits, pred_boxes, scale_factors, pad_params, ori_shapes):
    rowmax, t0 = pl.pallas_call(
        _threshold_kernel,
        compiler_params=pltpu.CompilerParams(
            vmem_limit_bytes=100 * 1024 * 1024),
        out_shape=[
            jax.ShapeDtypeStruct((B, 1, N), jnp.float32),
            jax.ShapeDtypeStruct((B, 1, 16), jnp.float32),
        ],
        grid=(B,),
        in_specs=[pl.BlockSpec((1, N, C), lambda b: (b, 0, 0))],
        out_specs=[
            pl.BlockSpec((1, 1, N), lambda b: (b, 0, 0)),
            pl.BlockSpec((1, 1, 16), lambda b: (b, 0, 0)),
        ],
    )(pred_logits)

    logits2d = pred_logits.reshape(B * N, C)
    boxes2d = jnp.concatenate(
        [pred_boxes.reshape(B * N, 4),
         jnp.zeros((B * N, 12), jnp.float32)], axis=1)

    rowmax = rowmax.reshape(B * N)
    t0 = t0.reshape(B * 16)
    cval, cidx, cbox, ccnt = _get_filter()(logits2d, boxes2d, rowmax, t0)
    vrow = cval.reshape(B, 1, M)
    vcol = cval.reshape(B, M, 1)
    irow = cidx.reshape(B, 1, M)
    icol = cidx.reshape(B, M, 1)
    bx4 = cbox.reshape(B, M, 4).transpose(0, 2, 1)
    ccnt = ccnt.reshape(B, 2, 16)

    top_scores, labels, boxes4 = pl.pallas_call(
        _select_kernel,
        out_shape=[
            jax.ShapeDtypeStruct((B, 1, K), jnp.float32),
            jax.ShapeDtypeStruct((B, 1, K), jnp.int32),
            jax.ShapeDtypeStruct((B, 4, K), jnp.float32),
        ],
        grid=(B,),
        in_specs=[
            pl.BlockSpec((1, 1, M), lambda b: (b, 0, 0)),
            pl.BlockSpec((1, M, 1), lambda b: (b, 0, 0)),
            pl.BlockSpec((1, 1, M), lambda b: (b, 0, 0)),
            pl.BlockSpec((1, M, 1), lambda b: (b, 0, 0)),
            pl.BlockSpec((1, 4, M), lambda b: (b, 0, 0)),
            pl.BlockSpec((1, 2, 16), lambda b: (b, 0, 0),
                         memory_space=pltpu.SMEM),
            pl.BlockSpec((1, 1, 2), lambda b: (b, 0, 0),
                         memory_space=pltpu.SMEM),
            pl.BlockSpec((1, 1, 4), lambda b: (b, 0, 0),
                         memory_space=pltpu.SMEM),
            pl.BlockSpec((1, 1, 2), lambda b: (b, 0, 0),
                         memory_space=pltpu.SMEM),
        ],
        out_specs=[
            pl.BlockSpec((1, 1, K), lambda b: (b, 0, 0)),
            pl.BlockSpec((1, 1, K), lambda b: (b, 0, 0)),
            pl.BlockSpec((1, 4, K), lambda b: (b, 0, 0)),
        ],
    )(vrow, vcol, irow, icol, bx4, ccnt, scale_factors.reshape(B, 1, 2),
      pad_params.reshape(B, 1, 4), ori_shapes.reshape(B, 1, 2))

    return (top_scores.reshape(B, K), labels.reshape(B, K),
            boxes4.transpose(0, 2, 1))

# --- scband reference (transcript-rebuilt; emitter-appended) ---
"""Pipeline reference for scband-ovdeimpost-processor-59914793779591 (READ-ONLY COPY).

The authoritative reference and input builder live on the scoring server;
editing this copy changes nothing except your own understanding.
"""

import jax, jax.numpy as jnp
import numpy as np

B, N, C, K = 16, 20000, 80, 300
IMG_H, IMG_W = 640, 640

def setup_inputs(seed: int = 0) -> dict:
    key = jax.random.key(seed)
    k1, k2, k3, k4, k5 = jax.random.split(key, 5)
    pred_logits = jax.random.normal(k1, (B, N, C), dtype=jnp.float32)
    pred_boxes = jax.random.uniform(k2, (B, N, 4), dtype=jnp.float32)
    scale_factors = jax.random.uniform(k3, (B, 2), dtype=jnp.float32)
    pad_params = jax.random.uniform(k4, (B, 4), dtype=jnp.float32)
    ori_shapes = jax.random.randint(k5, (B, 2), 0, 1280, dtype=jnp.int32)
    return {"pred_logits": pred_logits, "pred_boxes": pred_boxes,
            "scale_factors": scale_factors, "pad_params": pad_params,
            "ori_shapes": ori_shapes}

def _restore_pred_boxes(boxes, scale_factors, pad_params, ori_shapes):
    norm = jnp.array([IMG_W, IMG_H, IMG_W, IMG_H], dtype=jnp.float32)
    b = boxes * norm
    cx, cy, w, h = b[..., 0], b[..., 1], b[..., 2], b[..., 3]
    x1 = cx - w / 2
    y1 = cy - h / 2
    x2 = cx + w / 2
    y2 = cy + h / 2
    xyxy = jnp.stack([x1, y1, x2, y2], axis=-1)
    top_pad = pad_params[:, 0:1]
    left_pad = pad_params[:, 2:3]
    pad_adjust = jnp.concatenate([left_pad, top_pad, left_pad, top_pad], axis=-1)[:, None, :]
    sw = scale_factors[:, 0:1]
    sh = scale_factors[:, 1:2]
    scale_adjust = jnp.concatenate([sw, sh, sw, sh], axis=-1)[:, None, :]
    xyxy = (xyxy - pad_adjust) / scale_adjust
    max_y = ori_shapes[:, 0].astype(jnp.float32)[:, None]
    max_x = ori_shapes[:, 1].astype(jnp.float32)[:, None]
    x1c = jnp.clip(xyxy[..., 0], 0.0, max_x)
    y1c = jnp.clip(xyxy[..., 1], 0.0, max_y)
    x2c = jnp.clip(xyxy[..., 2], 0.0, max_x)
    y2c = jnp.clip(xyxy[..., 3], 0.0, max_y)
    bw = x2c - x1c
    bh = y2c - y1c
    return jnp.stack([x1c, y1c, bw, bh], axis=-1)

def reference(pred_logits, pred_boxes, scale_factors, pad_params, ori_shapes):
    bbox_pred = _restore_pred_boxes(pred_boxes, scale_factors, pad_params, ori_shapes)
    scores = jax.nn.sigmoid(pred_logits)
    flat = scores.reshape(scores.shape[0], -1)
    top_scores, index = jax.lax.top_k(flat, K)
    labels = index - (index // C) * C
    qidx = index // C
    gather_index = jnp.broadcast_to(qidx[:, :, None], (qidx.shape[0], K, 4))
    top_boxes = jnp.take_along_axis(bbox_pred, gather_index, axis=1)
    return top_scores, labels, top_boxes

if __name__ == "__main__":
    import jax
    _d = setup_inputs()
    print(jax.jit(kernel)(*tuple(_d.values())))

</pallas_src>

<mosaic_0001>
#map = affine_map<(d0, d1) -> (0, 0)>
#map1 = affine_map<(d0, d1) -> (0)>
module attributes {stable_mosaic.version = 14 : i64} {
  func.func @_filter_kernel(%arg0: i32, %arg1: i32, %arg2: memref<320000x80xf32, #tpu.memory_space<hbm>>, %arg3: memref<320000x16xf32, #tpu.memory_space<hbm>>, %arg4: memref<320000xf32, #tpu.memory_space<hbm>>, %arg5: memref<256xf32, #tpu.memory_space<hbm>>, %arg6: memref<16384xf32, #tpu.memory_space<hbm>>, %arg7: memref<16384xi32, #tpu.memory_space<hbm>>, %arg8: memref<16384x4xf32, #tpu.memory_space<hbm>>, %arg9: memref<512xi32, #tpu.memory_space<hbm>>, %arg10: memref<10000xf32, #tpu.memory_space<vmem>>, %arg11: memref<16xf32, #tpu.memory_space<vmem>>, %arg12: memref<7x128xi32, #tpu.memory_space<vmem>>, %arg13: memref<896xi32, #tpu.memory_space<vmem>>, %arg14: memref<896x80xf32, #tpu.memory_space<vmem>>, %arg15: memref<896x16xf32, #tpu.memory_space<vmem>>, %arg16: memref<512xf32, #tpu.memory_space<vmem>>, %arg17: memref<512xi32, #tpu.memory_space<vmem>>, %arg18: memref<512x4xf32, #tpu.memory_space<vmem>>, %arg19: memref<16xi32, #tpu.memory_space<vmem>>, %arg20: memref<!tpu.dma_semaphore, #tpu.memory_space<semaphore_mem>>) attributes {dimension_semantics = [#tpu.dimension_semantics<core_parallel>, #tpu.dimension_semantics<subcore_parallel>], iteration_bounds = array<i64: 2, 16>, scalar_prefetch = 0 : i64, scratch_operands = 11 : i64, tpu.core_type = #tpu.core_type<sc_vector_subcore>, window_params = [{transform_indices = #map}, {transform_indices = #map}, {transform_indices = #map1}, {transform_indices = #map1}, {transform_indices = #map1}, {transform_indices = #map1}, {transform_indices = #map}, {transform_indices = #map1}]} {
    %mul3A = arith.constant 2 : i32
    %mul3A_0 = arith.muli %arg1, %mul3A : i32
    %add3A = arith.addi %mul3A_0, %arg0 : i32
    %mul3A_1 = arith.constant 20000 : i32
    %mul3A_2 = arith.muli %arg1, %mul3A_1 : i32
    %mul3A_3 = arith.constant 10000 : i32
    %mul3A_4 = arith.muli %arg0, %mul3A_3 : i32
    %add3A_5 = arith.addi %mul3A_2, %mul3A_4 : i32
    "tpu.region"() ({
      %run_scoped3A = tpu.sem_alloc : memref<!tpu.dma_semaphore, #tpu.memory_space<semaphore_mem>>
      %dma_start3A = tpu.memref_slice %arg4[%add3A_5] : memref<320000xf32, #tpu.memory_space<hbm>> -> memref<10000xf32, #tpu.memory_space<hbm>>
      %dma_start3A_336 = tpu.memref_slice %arg4[%add3A_5] : memref<320000xf32, #tpu.memory_space<hbm>> -> memref<10000xf32, #tpu.memory_space<hbm>>
      tpu.enqueue_dma source(%dma_start3A_336 : memref<10000xf32, #tpu.memory_space<hbm>>) target(%arg10 : memref<10000xf32, #tpu.memory_space<vmem>>) target_semaphore(%run_scoped3A : memref<!tpu.dma_semaphore, #tpu.memory_space<semaphore_mem>>)
      %dma_wait3A = tpu.memref_slice %arg4[%add3A_5] : memref<320000xf32, #tpu.memory_space<hbm>> -> memref<10000xf32, #tpu.memory_space<hbm>>
      %dma_wait3A_337 = tpu.memref_slice %arg4[%add3A_5] : memref<320000xf32, #tpu.memory_space<hbm>> -> memref<10000xf32, #tpu.memory_space<hbm>>
      tpu.wait_dma2 semaphore(%run_scoped3A : memref<!tpu.dma_semaphore, #tpu.memory_space<semaphore_mem>>) src(%dma_wait3A_337 : memref<10000xf32, #tpu.memory_space<hbm>>) dst(%arg10 : memref<10000xf32, #tpu.memory_space<vmem>>)
      tpu.yield
    }) : () -> ()
    %mul3A_6 = arith.constant 16 : i32
    %mul3A_7 = arith.muli %arg1, %mul3A_6 : i32
    "tpu.region"() ({
      %run_scoped3A = tpu.sem_alloc : memref<!tpu.dma_semaphore, #tpu.memory_space<semaphore_mem>>
      %dma_start3A = tpu.memref_slice %arg5[%mul3A_7] : memref<256xf32, #tpu.memory_space<hbm>> -> memref<16xf32, #tpu.memory_space<hbm>>
      %dma_start3A_336 = tpu.memref_slice %arg5[%mul3A_7] : memref<256xf32, #tpu.memory_space<hbm>> -> memref<16xf32, #tpu.memory_space<hbm>>
      tpu.enqueue_dma source(%dma_start3A_336 : memref<16xf32, #tpu.memory_space<hbm>>) target(%arg11 : memref<16xf32, #tpu.memory_space<vmem>>) target_semaphore(%run_scoped3A : memref<!tpu.dma_semaphore, #tpu.memory_space<semaphore_mem>>)
      %dma_wait3A = tpu.memref_slice %arg5[%mul3A_7] : memref<256xf32, #tpu.memory_space<hbm>> -> memref<16xf32, #tpu.memory_space<hbm>>
      %dma_wait3A_337 = tpu.memref_slice %arg5[%mul3A_7] : memref<256xf32, #tpu.memory_space<hbm>> -> memref<16xf32, #tpu.memory_space<hbm>>
      tpu.wait_dma2 semaphore(%run_scoped3A : memref<!tpu.dma_semaphore, #tpu.memory_space<semaphore_mem>>) src(%dma_wait3A_337 : memref<16xf32, #tpu.memory_space<hbm>>) dst(%arg11 : memref<16xf32, #tpu.memory_space<vmem>>)
      tpu.yield
    }) : () -> ()
    %get3A = arith.constant 0 : index
    %get3A_8 = tpu.vector_load %arg11[%get3A] {strides = array<i32>} : memref<16xf32, #tpu.memory_space<vmem>>, vector<16xf32>,
    %broadcast_in_dim3A = arith.constant 0 : i32
    %broadcast_in_dim3A_9 = vector.broadcast %broadcast_in_dim3A : i32 to vector<16xi32>
    %swap3A = arith.constant 0 : i32
    %swap3A_10 = arith.index_cast %swap3A : i32 to index
    %swap3A_11 = arith.constant 0 : index
    %swap3A_12 = tpu.vector_load %arg12[%swap3A_10, %swap3A_11] {strides = array<i32>} : memref<7x128xi32, #tpu.memory_space<vmem>>, vector<16xi32>,
    tpu.vector_store %arg12[%swap3A_10, %swap3A_11], %broadcast_in_dim3A_9 {strides = array<i32>} : memref<7x128xi32, #tpu.memory_space<vmem>>, vector<16xi32>,
    %swap3A_13 = arith.constant 0 : i32
    %swap3A_14 = arith.index_cast %swap3A_13 : i32 to index
    %swap3A_15 = arith.constant 16 : index
    %swap3A_16 = tpu.vector_load %arg12[%swap3A_14, %swap3A_15] {strides = array<i32>} : memref<7x128xi32, #tpu.memory_space<vmem>>, vector<16xi32>,
    tpu.vector_store %arg12[%swap3A_14, %swap3A_15], %broadcast_in_dim3A_9 {strides = array<i32>} : memref<7x128xi32, #tpu.memory_space<vmem>>, vector<16xi32>,
    %swap3A_17 = arith.constant 0 : i32
    %swap3A_18 = arith.index_cast %swap3A_17 : i32 to index
    %swap3A_19 = arith.constant 32 : index
    %swap3A_20 = tpu.vector_load %arg12[%swap3A_18, %swap3A_19] {strides = array<i32>} : memref<7x128xi32, #tpu.memory_space<vmem>>, vector<16xi32>,
    tpu.vector_store %arg12[%swap3A_18, %swap3A_19], %broadcast_in_dim3A_9 {strides = array<i32>} : memref<7x128xi32, #tpu.memory_space<vmem>>, vector<16xi32>,
    %swap3A_21 = arith.constant 0 : i32
    %swap3A_22 = arith.index_cast %swap3A_21 : i32 to index
    %swap3A_23 = arith.constant 48 : index
    %swap3A_24 = tpu.vector_load %arg12[%swap3A_22, %swap3A_23] {strides = array<i32>} : memref<7x128xi32, #tpu.memory_space<vmem>>, vector<16xi32>,
    tpu.vector_store %arg12[%swap3A_22, %swap3A_23], %broadcast_in_dim3A_9 {strides = array<i32>} : memref<7x128xi32, #tpu.memory_space<vmem>>, vector<16xi32>,
    %swap3A_25 = arith.constant 0 : i32
    %swap3A_26 = arith.index_cast %swap3A_25 : i32 to index
    %swap3A_27 = arith.constant 64 : index
    %swap3A_28 = tpu.vector_load %arg12[%swap3A_26, %swap3A_27] {strides = array<i32>} : memref<7x128xi32, #tpu.memory_space<vmem>>, vector<16xi32>,
    tpu.vector_store %arg12[%swap3A_26, %swap3A_27], %broadcast_in_dim3A_9 {strides = array<i32>} : memref<7x128xi32, #tpu.memory_space<vmem>>, vector<16xi32>,
    %swap3A_29 = arith.constant 0 : i32
    %swap3A_30 = arith.index_cast %swap3A_29 : i32 to index
    %swap3A_31 = arith.constant 80 : index
    %swap3A_32 = tpu.vector_load %arg12[%swap3A_30, %swap3A_31] {strides = array<i32>} : memref<7x128xi32, #tpu.memory_space<vmem>>, vector<16xi32>,
    tpu.vector_store %arg12[%swap3A_30, %swap3A_31], %broadcast_in_dim3A_9 {strides = array<i32>} : memref<7x128xi32, #tpu.memory_space<vmem>>, vector<16xi32>,
    %swap3A_33 = arith.constant 0 : i32
    %swap3A_34 = arith.index_cast %swap3A_33 : i32 to index
    %swap3A_35 = arith.constant 96 : index
    %swap3A_36 = tpu.vector_load %arg12[%swap3A_34, %swap3A_35] {strides = array<i32>} : memref<7x128xi32, #tpu.memory_space<vmem>>, vector<16xi32>,
    tpu.vector_store %arg12[%swap3A_34, %swap3A_35], %broadcast_in_dim3A_9 {strides = array<i32>} : memref<7x128xi32, #tpu.memory_space<vmem>>, vector<16xi32>,
    %swap3A_37 = arith.constant 0 : i32
    %swap3A_38 = arith.index_cast %swap3A_37 : i32 to index
    %swap3A_39 = arith.constant 112 : index
    %swap3A_40 = tpu.vector_load %arg12[%swap3A_38, %swap3A_39] {strides = array<i32>} : memref<7x128xi32, #tpu.memory_space<vmem>>, vector<16xi32>,
    tpu.vector_store %arg12[%swap3A_38, %swap3A_39], %broadcast_in_dim3A_9 {strides = array<i32>} : memref<7x128xi32, #tpu.memory_space<vmem>>, vector<16xi32>,
    %swap3A_41 = arith.constant 1 : i32
    %swap3A_42 = arith.index_cast %swap3A_41 : i32 to index
    %swap3A_43 = arith.constant 0 : index
    %swap3A_44 = tpu.vector_load %arg12[%swap3A_42, %swap3A_43] {strides = array<i32>} : memref<7x128xi32, #tpu.memory_space<vmem>>, vector<16xi32>,
    tpu.vector_store %arg12[%swap3A_42, %swap3A_43], %broadcast_in_dim3A_9 {strides = array<i32>} : memref<7x128xi32, #tpu.memory_space<vmem>>, vector<16xi32>,
    %swap3A_45 = arith.constant 1 : i32
    %swap3A_46 = arith.index_cast %swap3A_45 : i32 to index
    %swap3A_47 = arith.constant 16 : index
    %swap3A_48 = tpu.vector_load %arg12[%swap3A_46, %swap3A_47] {strides = array<i32>} : memref<7x128xi32, #tpu.memory_space<vmem>>, vector<16xi32>,
    tpu.vector_store %arg12[%swap3A_46, %swap3A_47], %broadcast_in_dim3A_9 {strides = array<i32>} : memref<7x128xi32, #tpu.memory_space<vmem>>, vector<16xi32>,
    %swap3A_49 = arith.constant 1 : i32
    %swap3A_50 = arith.index_cast %swap3A_49 : i32 to index
    %swap3A_51 = arith.constant 32 : index
    %swap3A_52 = tpu.vector_load %arg12[%swap3A_50, %swap3A_51] {strides = array<i32>} : memref<7x128xi32, #tpu.memory_space<vmem>>, vector<16xi32>,
    tpu.vector_store %arg12[%swap3A_50, %swap3A_51], %broadcast_in_dim3A_9 {strides = array<i32>} : memref<7x128xi32, #tpu.memory_space<vmem>>, vector<16xi32>,
    %swap3A_53 = arith.constant 1 : i32
    %swap3A_54 = arith.index_cast %swap3A_53 : i32 to index
    %swap3A_55 = arith.constant 48 : index
    %swap3A_56 = tpu.vector_load %arg12[%swap3A_54, %swap3A_55] {strides = array<i32>} : memref<7x128xi32, #tpu.memory_space<vmem>>, vector<16xi32>,
    tpu.vector_store %arg12[%swap3A_54, %swap3A_55], %broadcast_in_dim3A_9 {strides = array<i32>} : memref<7x128xi32, #tpu.memory_space<vmem>>, vector<16xi32>,
    %swap3A_57 = arith.constant 1 : i32
    %swap3A_58 = arith.index_cast %swap3A_57 : i32 to index
    %swap3A_59 = arith.constant 64 : index
    %swap3A_60 = tpu.vector_load %arg12[%swap3A_58, %swap3A_59] {strides = array<i32>} : memref<7x128xi32, #tpu.memory_space<vmem>>, vector<16xi32>,
    tpu.vector_store %arg12[%swap3A_58, %swap3A_59], %broadcast_in_dim3A_9 {strides = array<i32>} : memref<7x128xi32, #tpu.memory_space<vmem>>, vector<16xi32>,
    %swap3A_61 = arith.constant 1 : i32
    %swap3A_62 = arith.index_cast %swap3A_61 : i32 to index
    %swap3A_63 = arith.constant 80 : index
    %swap3A_64 = tpu.vector_load %arg12[%swap3A_62, %swap3A_63] {strides = array<i32>} : memref<7x128xi32, #tpu.memory_space<vmem>>, vector<16xi32>,
    tpu.vector_store %arg12[%swap3A_62, %swap3A_63], %broadcast_in_dim3A_9 {strides = array<i32>} : memref<7x128xi32, #tpu.memory_space<vmem>>, vector<16xi32>,
    %swap3A_65 = arith.constant 1 : i32
    %swap3A_66 = arith.index_cast %swap3A_65 : i32 to index
    %swap3A_67 = arith.constant 96 : index
    %swap3A_68 = tpu.vector_load %arg12[%swap3A_66, %swap3A_67] {strides = array<i32>} : memref<7x128xi32, #tpu.memory_space<vmem>>, vector<16xi32>,
    tpu.vector_store %arg12[%swap3A_66, %swap3A_67], %broadcast_in_dim3A_9 {strides = array<i32>} : memref<7x128xi32, #tpu.memory_space<vmem>>, vector<16xi32>,
    %swap3A_69 = arith.constant 1 : i32
    %swap3A_70 = arith.index_cast %swap3A_69 : i32 to index
    %swap3A_71 = arith.constant 112 : index
    %swap3A_72 = tpu.vector_load %arg12[%swap3A_70, %swap3A_71] {strides = array<i32>} : memref<7x128xi32, #tpu.memory_space<vmem>>, vector<16xi32>,
    tpu.vector_store %arg12[%swap3A_70, %swap3A_71], %broadcast_in_dim3A_9 {strides = array<i32>} : memref<7x128xi32, #tpu.memory_space<vmem>>, vector<16xi32>,
    %swap3A_73 = arith.constant 2 : i32
    %swap3A_74 = arith.index_cast %swap3A_73 : i32 to index
    %swap3A_75 = arith.constant 0 : index
    %swap3A_76 = tpu.vector_load %arg12[%swap3A_74, %swap3A_75] {strides = array<i32>} : memref<7x128xi32, #tpu.memory_space<vmem>>, vector<16xi32>,
    tpu.vector_store %arg12[%swap3A_74, %swap3A_75], %broadcast_in_dim3A_9 {strides = array<i32>} : memref<7x128xi32, #tpu.memory_space<vmem>>, vector<16xi32>,
    %swap3A_77 = arith.constant 2 : i32
    %swap3A_78 = arith.index_cast %swap3A_77 : i32 to index
    %swap3A_79 = arith.constant 16 : index
    %swap3A_80 = tpu.vector_load %arg12[%swap3A_78, %swap3A_79] {strides = array<i32>} : memref<7x128xi32, #tpu.memory_space<vmem>>, vector<16xi32>,
    tpu.vector_store %arg12[%swap3A_78, %swap3A_79], %broadcast_in_dim3A_9 {strides = array<i32>} : memref<7x128xi32, #tpu.memory_space<vmem>>, vector<16xi32>,
    %swap3A_81 = arith.constant 2 : i32
    %swap3A_82 = arith.index_cast %swap3A_81 : i32 to index
    %swap3A_83 = arith.constant 32 : index
    %swap3A_84 = tpu.vector_load %arg12[%swap3A_82, %swap3A_83] {strides = array<i32>} : memref<7x128xi32, #tpu.memory_space<vmem>>, vector<16xi32>,
    tpu.vector_store %arg12[%swap3A_82, %swap3A_83], %broadcast_in_dim3A_9 {strides = array<i32>} : memref<7x128xi32, #tpu.memory_space<vmem>>, vector<16xi32>,
    %swap3A_85 = arith.constant 2 : i32
    %swap3A_86 = arith.index_cast %swap3A_85 : i32 to index
    %swap3A_87 = arith.constant 48 : index
    %swap3A_88 = tpu.vector_load %arg12[%swap3A_86, %swap3A_87] {strides = array<i32>} : memref<7x128xi32, #tpu.memory_space<vmem>>, vector<16xi32>,
    tpu.vector_store %arg12[%swap3A_86, %swap3A_87], %broadcast_in_dim3A_9 {strides = array<i32>} : memref<7x128xi32, #tpu.memory_space<vmem>>, vector<16xi32>,
    %swap3A_89 = arith.constant 2 : i32
    %swap3A_90 = arith.index_cast %swap3A_89 : i32 to index
    %swap3A_91 = arith.constant 64 : index
    %swap3A_92 = tpu.vector_load %arg12[%swap3A_90, %swap3A_91] {strides = array<i32>} : memref<7x128xi32, #tpu.memory_space<vmem>>, vector<16xi32>,
    tpu.vector_store %arg12[%swap3A_90, %swap3A_91], %broadcast_in_dim3A_9 {strides = array<i32>} : memref<7x128xi32, #tpu.memory_space<vmem>>, vector<16xi32>,
    %swap3A_93 = arith.constant 2 : i32
    %swap3A_94 = arith.index_cast %swap3A_93 : i32 to index
    %swap3A_95 = arith.constant 80 : index
    %swap3A_96 = tpu.vector_load %arg12[%swap3A_94, %swap3A_95] {strides = array<i32>} : memref<7x128xi32, #tpu.memory_space<vmem>>, vector<16xi32>,
    tpu.vector_store %arg12[%swap3A_94, %swap3A_95], %broadcast_in_dim3A_9 {strides = array<i32>} : memref<7x128xi32, #tpu.memory_space<vmem>>, vector<16xi32>,
    %swap3A_97 = arith.constant 2 : i32
    %swap3A_98 = arith.index_cast %swap3A_97 : i32 to index
    %swap3A_99 = arith.constant 96 : index
    %swap3A_100 = tpu.vector_load %arg12[%swap3A_98, %swap3A_99] {strides = array<i32>} : memref<7x128xi32, #tpu.memory_space<vmem>>, vector<16xi32>,
    tpu.vector_store %arg12[%swap3A_98, %swap3A_99], %broadcast_in_dim3A_9 {strides = array<i32>} : memref<7x128xi32, #tpu.memory_space<vmem>>, vector<16xi32>,
    %swap3A_101 = arith.constant 2 : i32
    %swap3A_102 = arith.index_cast %swap3A_101 : i32 to index
    %swap3A_103 = arith.constant 112 : index
    %swap3A_104 = tpu.vector_load %arg12[%swap3A_102, %swap3A_103] {strides = array<i32>} : memref<7x128xi32, #tpu.memory_space<vmem>>, vector<16xi32>,
    tpu.vector_store %arg12[%swap3A_102, %swap3A_103], %broadcast_in_dim3A_9 {strides = array<i32>} : memref<7x128xi32, #tpu.memory_space<vmem>>, vector<16xi32>,
    %swap3A_105 = arith.constant 3 : i32
    %swap3A_106 = arith.index_cast %swap3A_105 : i32 to index
    %swap3A_107 = arith.constant 0 : index
    %swap3A_108 = tpu.vector_load %arg12[%swap3A_106, %swap3A_107] {strides = array<i32>} : memref<7x128xi32, #tpu.memory_space<vmem>>, vector<16xi32>,
    tpu.vector_store %arg12[%swap3A_106, %swap3A_107], %broadcast_in_dim3A_9 {strides = array<i32>} : memref<7x128xi32, #tpu.memory_space<vmem>>, vector<16xi32>,
    %swap3A_109 = arith.constant 3 : i32
    %swap3A_110 = arith.index_cast %swap3A_109 : i32 to index
    %swap3A_111 = arith.constant 16 : index
    %swap3A_112 = tpu.vector_load %arg12[%swap3A_110, %swap3A_111] {strides = array<i32>} : memref<7x128xi32, #tpu.memory_space<vmem>>, vector<16xi32>,
    tpu.vector_store %arg12[%swap3A_110, %swap3A_111], %broadcast_in_dim3A_9 {strides = array<i32>} : memref<7x128xi32, #tpu.memory_space<vmem>>, vector<16xi32>,
    %swap3A_113 = arith.constant 3 : i32
    %swap3A_114 = arith.index_cast %swap3A_113 : i32 to index
    %swap3A_115 = arith.constant 32 : index
    %swap3A_116 = tpu.vector_load %arg12[%swap3A_114, %swap3A_115] {strides = array<i32>} : memref<7x128xi32, #tpu.memory_space<vmem>>, vector<16xi32>,
    tpu.vector_store %arg12[%swap3A_114, %swap3A_115], %broadcast_in_dim3A_9 {strides = array<i32>} : memref<7x128xi32, #tpu.memory_space<vmem>>, vector<16xi32>,
    %swap3A_117 = arith.constant 3 : i32
    %swap3A_118 = arith.index_cast %swap3A_117 : i32 to index
    %swap3A_119 = arith.constant 48 : index
    %swap3A_120 = tpu.vector_load %arg12[%swap3A_118, %swap3A_119] {strides = array<i32>} : memref<7x128xi32, #tpu.memory_space<vmem>>, vector<16xi32>,
    tpu.vector_store %arg12[%swap3A_118, %swap3A_119], %broadcast_in_dim3A_9 {strides = array<i32>} : memref<7x128xi32, #tpu.memory_space<vmem>>, vector<16xi32>,
    %swap3A_121 = arith.constant 3 : i32
    %swap3A_122 = arith.index_cast %swap3A_121 : i32 to index
    %swap3A_123 = arith.constant 64 : index
    %swap3A_124 = tpu.vector_load %arg12[%swap3A_122, %swap3A_123] {strides = array<i32>} : memref<7x128xi32, #tpu.memory_space<vmem>>, vector<16xi32>,
    tpu.vector_store %arg12[%swap3A_122, %swap3A_123], %broadcast_in_dim3A_9 {strides = array<i32>} : memref<7x128xi32, #tpu.memory_space<vmem>>, vector<16xi32>,
    %swap3A_125 = arith.constant 3 : i32
    %swap3A_126 = arith.index_cast %swap3A_125 : i32 to index
    %swap3A_127 = arith.constant 80 : index
    %swap3A_128 = tpu.vector_load %arg12[%swap3A_126, %swap3A_127] {strides = array<i32>} : memref<7x128xi32, #tpu.memory_space<vmem>>, vector<16xi32>,
    tpu.vector_store %arg12[%swap3A_126, %swap3A_127], %broadcast_in_dim3A_9 {strides = array<i32>} : memref<7x128xi32, #tpu.memory_space<vmem>>, vector<16xi32>,
    %swap3A_129 = arith.constant 3 : i32
    %swap3A_130 = arith.index_cast %swap3A_129 : i32 to index
    %swap3A_131 = arith.constant 96 : index
    %swap3A_132 = tpu.vector_load %arg12[%swap3A_130, %swap3A_131] {strides = array<i32>} : memref<7x128xi32, #tpu.memory_space<vmem>>, vector<16xi32>,
    tpu.vector_store %arg12[%swap3A_130, %swap3A_131], %broadcast_in_dim3A_9 {strides = array<i32>} : memref<7x128xi32, #tpu.memory_space<vmem>>, vector<16xi32>,
    %swap3A_133 = arith.constant 3 : i32
    %swap3A_134 = arith.index_cast %swap3A_133 : i32 to index
    %swap3A_135 = arith.constant 112 : index
    %swap3A_136 = tpu.vector_load %arg12[%swap3A_134, %swap3A_135] {strides = array<i32>} : memref<7x128xi32, #tpu.memory_space<vmem>>, vector<16xi32>,
    tpu.vector_store %arg12[%swap3A_134, %swap3A_135], %broadcast_in_dim3A_9 {strides = array<i32>} : memref<7x128xi32, #tpu.memory_space<vmem>>, vector<16xi32>,
    %swap3A_137 = arith.constant 4 : i32
    %swap3A_138 = arith.index_cast %swap3A_137 : i32 to index
    %swap3A_139 = arith.constant 0 : index
    %swap3A_140 = tpu.vector_load %arg12[%swap3A_138, %swap3A_139] {strides = array<i32>} : memref<7x128xi32, #tpu.memory_space<vmem>>, vector<16xi32>,
    tpu.vector_store %arg12[%swap3A_138, %swap3A_139], %broadcast_in_dim3A_9 {strides = array<i32>} : memref<7x128xi32, #tpu.memory_space<vmem>>, vector<16xi32>,
    %swap3A_141 = arith.constant 4 : i32
    %swap3A_142 = arith.index_cast %swap3A_141 : i32 to index
    %swap3A_143 = arith.constant 16 : index
    %swap3A_144 = tpu.vector_load %arg12[%swap3A_142, %swap3A_143] {strides = array<i32>} : memref<7x128xi32, #tpu.memory_space<vmem>>, vector<16xi32>,
    tpu.vector_store %arg12[%swap3A_142, %swap3A_143], %broadcast_in_dim3A_9 {strides = array<i32>} : memref<7x128xi32, #tpu.memory_space<vmem>>, vector<16xi32>,
    %swap3A_145 = arith.constant 4 : i32
    %swap3A_146 = arith.index_cast %swap3A_145 : i32 to index
    %swap3A_147 = arith.constant 32 : index
    %swap3A_148 = tpu.vector_load %arg12[%swap3A_146, %swap3A_147] {strides = array<i32>} : memref<7x128xi32, #tpu.memory_space<vmem>>, vector<16xi32>,
    tpu.vector_store %arg12[%swap3A_146, %swap3A_147], %broadcast_in_dim3A_9 {strides = array<i32>} : memref<7x128xi32, #tpu.memory_space<vmem>>, vector<16xi32>,
    %swap3A_149 = arith.constant 4 : i32
    %swap3A_150 = arith.index_cast %swap3A_149 : i32 to index
    %swap3A_151 = arith.constant 48 : index
    %swap3A_152 = tpu.vector_load %arg12[%swap3A_150, %swap3A_151] {strides = array<i32>} : memref<7x128xi32, #tpu.memory_space<vmem>>, vector<16xi32>,
    tpu.vector_store %arg12[%swap3A_150, %swap3A_151], %broadcast_in_dim3A_9 {strides = array<i32>} : memref<7x128xi32, #tpu.memory_space<vmem>>, vector<16xi32>,
    %swap3A_153 = arith.constant 4 : i32
    %swap3A_154 = arith.index_cast %swap3A_153 : i32 to index
    %swap3A_155 = arith.constant 64 : index
    %swap3A_156 = tpu.vector_load %arg12[%swap3A_154, %swap3A_155] {strides = array<i32>} : memref<7x128xi32, #tpu.memory_space<vmem>>, vector<16xi32>,
    tpu.vector_store %arg12[%swap3A_154, %swap3A_155], %broadcast_in_dim3A_9 {strides = array<i32>} : memref<7x128xi32, #tpu.memory_space<vmem>>, vector<16xi32>,
    %swap3A_157 = arith.constant 4 : i32
    %swap3A_158 = arith.index_cast %swap3A_157 : i32 to index
    %swap3A_159 = arith.constant 80 : index
    %swap3A_160 = tpu.vector_load %arg12[%swap3A_158, %swap3A_159] {strides = array<i32>} : memref<7x128xi32, #tpu.memory_space<vmem>>, vector<16xi32>,
    tpu.vector_store %arg12[%swap3A_158, %swap3A_159], %broadcast_in_dim3A_9 {strides = array<i32>} : memref<7x128xi32, #tpu.memory_space<vmem>>, vector<16xi32>,
    %swap3A_161 = arith.constant 4 : i32
    %swap3A_162 = arith.index_cast %swap3A_161 : i32 to index
    %swap3A_163 = arith.constant 96 : index
    %swap3A_164 = tpu.vector_load %arg12[%swap3A_162, %swap3A_163] {strides = array<i32>} : memref<7x128xi32, #tpu.memory_space<vmem>>, vector<16xi32>,
    tpu.vector_store %arg12[%swap3A_162, %swap3A_163], %broadcast_in_dim3A_9 {strides = array<i32>} : memref<7x128xi32, #tpu.memory_space<vmem>>, vector<16xi32>,
    %swap3A_165 = arith.constant 4 : i32
    %swap3A_166 = arith.index_cast %swap3A_165 : i32 to index
    %swap3A_167 = arith.constant 112 : index
    %swap3A_168 = tpu.vector_load %arg12[%swap3A_166, %swap3A_167] {strides = array<i32>} : memref<7x128xi32, #tpu.memory_space<vmem>>, vector<16xi32>,
    tpu.vector_store %arg12[%swap3A_166, %swap3A_167], %broadcast_in_dim3A_9 {strides = array<i32>} : memref<7x128xi32, #tpu.memory_space<vmem>>, vector<16xi32>,
    %swap3A_169 = arith.constant 5 : i32
    %swap3A_170 = arith.index_cast %swap3A_169 : i32 to index
    %swap3A_171 = arith.constant 0 : index
    %swap3A_172 = tpu.vector_load %arg12[%swap3A_170, %swap3A_171] {strides = array<i32>} : memref<7x128xi32, #tpu.memory_space<vmem>>, vector<16xi32>,
    tpu.vector_store %arg12[%swap3A_170, %swap3A_171], %broadcast_in_dim3A_9 {strides = array<i32>} : memref<7x128xi32, #tpu.memory_space<vmem>>, vector<16xi32>,
    %swap3A_173 = arith.constant 5 : i32
    %swap3A_174 = arith.index_cast %swap3A_173 : i32 to index
    %swap3A_175 = arith.constant 16 : index
    %swap3A_176 = tpu.vector_load %arg12[%swap3A_174, %swap3A_175] {strides = array<i32>} : memref<7x128xi32, #tpu.memory_space<vmem>>, vector<16xi32>,
    tpu.vector_store %arg12[%swap3A_174, %swap3A_175], %broadcast_in_dim3A_9 {strides = array<i32>} : memref<7x128xi32, #tpu.memory_space<vmem>>, vector<16xi32>,
    %swap3A_177 = arith.constant 5 : i32
    %swap3A_178 = arith.index_cast %swap3A_177 : i32 to index
    %swap3A_179 = arith.constant 32 : index
    %swap3A_180 = tpu.vector_load %arg12[%swap3A_178, %swap3A_179] {strides = array<i32>} : memref<7x128xi32, #tpu.memory_space<vmem>>, vector<16xi32>,
    tpu.vector_store %arg12[%swap3A_178, %swap3A_179], %broadcast_in_dim3A_9 {strides = array<i32>} : memref<7x128xi32, #tpu.memory_space<vmem>>, vector<16xi32>,
    %swap3A_181 = arith.constant 5 : i32
    %swap3A_182 = arith.index_cast %swap3A_181 : i32 to index
    %swap3A_183 = arith.constant 48 : index
    %swap3A_184 = tpu.vector_load %arg12[%swap3A_182, %swap3A_183] {strides = array<i32>} : memref<7x128xi32, #tpu.memory_space<vmem>>, vector<16xi32>,
    tpu.vector_store %arg12[%swap3A_182, %swap3A_183], %broadcast_in_dim3A_9 {strides = array<i32>} : memref<7x128xi32, #tpu.memory_space<vmem>>, vector<16xi32>,
    %swap3A_185 = arith.constant 5 : i32
    %swap3A_186 = arith.index_cast %swap3A_185 : i32 to index
    %swap3A_187 = arith.constant 64 : index
    %swap3A_188 = tpu.vector_load %arg12[%swap3A_186, %swap3A_187] {strides = array<i32>} : memref<7x128xi32, #tpu.memory_space<vmem>>, vector<16xi32>,
    tpu.vector_store %arg12[%swap3A_186, %swap3A_187], %broadcast_in_dim3A_9 {strides = array<i32>} : memref<7x128xi32, #tpu.memory_space<vmem>>, vector<16xi32>,
    %swap3A_189 = arith.constant 5 : i32
    %swap3A_190 = arith.index_cast %swap3A_189 : i32 to index
    %swap3A_191 = arith.constant 80 : index
    %swap3A_192 = tpu.vector_load %arg12[%swap3A_190, %swap3A_191] {strides = array<i32>} : memref<7x128xi32, #tpu.memory_space<vmem>>, vector<16xi32>,
    tpu.vector_store %arg12[%swap3A_190, %swap3A_191], %broadcast_in_dim3A_9 {strides = array<i32>} : memref<7x128xi32, #tpu.memory_space<vmem>>, vector<16xi32>,
    %swap3A_193 = arith.constant 5 : i32
    %swap3A_194 = arith.index_cast %swap3A_193 : i32 to index
    %swap3A_195 = arith.constant 96 : index
    %swap3A_196 = tpu.vector_load %arg12[%swap3A_194, %swap3A_195] {strides = array<i32>} : memref<7x128xi32, #tpu.memory_space<vmem>>, vector<16xi32>,
    tpu.vector_store %arg12[%swap3A_194, %swap3A_195], %broadcast_in_dim3A_9 {strides = array<i32>} : memref<7x128xi32, #tpu.memory_space<vmem>>, vector<16xi32>,
    %swap3A_197 = arith.constant 5 : i32
    %swap3A_198 = arith.index_cast %swap3A_197 : i32 to index
    %swap3A_199 = arith.constant 112 : index
    %swap3A_200 = tpu.vector_load %arg12[%swap3A_198, %swap3A_199] {strides = array<i32>} : memref<7x128xi32, #tpu.memory_space<vmem>>, vector<16xi32>,
    tpu.vector_store %arg12[%swap3A_198, %swap3A_199], %broadcast_in_dim3A_9 {strides = array<i32>} : memref<7x128xi32, #tpu.memory_space<vmem>>, vector<16xi32>,
    %swap3A_201 = arith.constant 6 : i32
    %swap3A_202 = arith.index_cast %swap3A_201 : i32 to index
    %swap3A_203 = arith.constant 0 : index
    %swap3A_204 = tpu.vector_load %arg12[%swap3A_202, %swap3A_203] {strides = array<i32>} : memref<7x128xi32, #tpu.memory_space<vmem>>, vector<16xi32>,
    tpu.vector_store %arg12[%swap3A_202, %swap3A_203], %broadcast_in_dim3A_9 {strides = array<i32>} : memref<7x128xi32, #tpu.memory_space<vmem>>, vector<16xi32>,
    %swap3A_205 = arith.constant 6 : i32
    %swap3A_206 = arith.index_cast %swap3A_205 : i32 to index
    %swap3A_207 = arith.constant 16 : index
    %swap3A_208 = tpu.vector_load %arg12[%swap3A_206, %swap3A_207] {strides = array<i32>} : memref<7x128xi32, #tpu.memory_space<vmem>>, vector<16xi32>,
    tpu.vector_store %arg12[%swap3A_206, %swap3A_207], %broadcast_in_dim3A_9 {strides = array<i32>} : memref<7x128xi32, #tpu.memory_space<vmem>>, vector<16xi32>,
    %swap3A_209 = arith.constant 6 : i32
    %swap3A_210 = arith.index_cast %swap3A_209 : i32 to index
    %swap3A_211 = arith.constant 32 : index
    %swap3A_212 = tpu.vector_load %arg12[%swap3A_210, %swap3A_211] {strides = array<i32>} : memref<7x128xi32, #tpu.memory_space<vmem>>, vector<16xi32>,
    tpu.vector_store %arg12[%swap3A_210, %swap3A_211], %broadcast_in_dim3A_9 {strides = array<i32>} : memref<7x128xi32, #tpu.memory_space<vmem>>, vector<16xi32>,
    %swap3A_213 = arith.constant 6 : i32
    %swap3A_214 = arith.index_cast %swap3A_213 : i32 to index
    %swap3A_215 = arith.constant 48 : index
    %swap3A_216 = tpu.vector_load %arg12[%swap3A_214, %swap3A_215] {strides = array<i32>} : memref<7x128xi32, #tpu.memory_space<vmem>>, vector<16xi32>,
    tpu.vector_store %arg12[%swap3A_214, %swap3A_215], %broadcast_in_dim3A_9 {strides = array<i32>} : memref<7x128xi32, #tpu.memory_space<vmem>>, vector<16xi32>,
    %swap3A_217 = arith.constant 6 : i32
    %swap3A_218 = arith.index_cast %swap3A_217 : i32 to index
    %swap3A_219 = arith.constant 64 : index
    %swap3A_220 = tpu.vector_load %arg12[%swap3A_218, %swap3A_219] {strides = array<i32>} : memref<7x128xi32, #tpu.memory_space<vmem>>, vector<16xi32>,
    tpu.vector_store %arg12[%swap3A_218, %swap3A_219], %broadcast_in_dim3A_9 {strides = array<i32>} : memref<7x128xi32, #tpu.memory_space<vmem>>, vector<16xi32>,
    %swap3A_221 = arith.constant 6 : i32
    %swap3A_222 = arith.index_cast %swap3A_221 : i32 to index
    %swap3A_223 = arith.constant 80 : index
    %swap3A_224 = tpu.vector_load %arg12[%swap3A_222, %swap3A_223] {strides = array<i32>} : memref<7x128xi32, #tpu.memory_space<vmem>>, vector<16xi32>,
    tpu.vector_store %arg12[%swap3A_222, %swap3A_223], %broadcast_in_dim3A_9 {strides = array<i32>} : memref<7x128xi32, #tpu.memory_space<vmem>>, vector<16xi32>,
    %swap3A_225 = arith.constant 6 : i32
    %swap3A_226 = arith.index_cast %swap3A_225 : i32 to index
    %swap3A_227 = arith.constant 96 : index
    %swap3A_228 = tpu.vector_load %arg12[%swap3A_226, %swap3A_227] {strides = array<i32>} : memref<7x128xi32, #tpu.memory_space<vmem>>, vector<16xi32>,
    tpu.vector_store %arg12[%swap3A_226, %swap3A_227], %broadcast_in_dim3A_9 {strides = array<i32>} : memref<7x128xi32, #tpu.memory_space<vmem>>, vector<16xi32>,
    %swap3A_229 = arith.constant 6 : i32
    %swap3A_230 = arith.index_cast %swap3A_229 : i32 to index
    %swap3A_231 = arith.constant 112 : index
    %swap3A_232 = tpu.vector_load %arg12[%swap3A_230, %swap3A_231] {strides = array<i32>} : memref<7x128xi32, #tpu.memory_space<vmem>>, vector<16xi32>,
    tpu.vector_store %arg12[%swap3A_230, %swap3A_231], %broadcast_in_dim3A_9 {strides = array<i32>} : memref<7x128xi32, #tpu.memory_space<vmem>>, vector<16xi32>,
    %iota3A = tpu.iota {dimensions = array<i32: 0>} : vector<16xi32>
    %mul3A_233 = arith.constant 20000 : i32
    %mul3A_234 = arith.muli %arg1, %mul3A_233 : i32
    %mul3A_235 = arith.constant 10000 : i32
    %mul3A_236 = arith.muli %arg0, %mul3A_235 : i32
    %add3A_237 = arith.addi %mul3A_234, %mul3A_236 : i32
    %scan3A = arith.constant 0 : i32
    %scan3A_238 = arith.constant 0 : i32
    %scan3A_239 = arith.constant 625 : i32
    %scan3A_240 = arith.addi %scan3A_238, %scan3A_239 : i32
    %scan3A_241 = arith.constant 1 : i32
    %scan3A_242 = scf.for %scan3A_336 = %scan3A_238 to %scan3A_240 step %scan3A_241 iter_args(%scan3A_337 = %scan3A) -> (i32)  : i32 {
      %mul3A_338 = arith.constant 16 : i32
      %mul3A_339 = arith.muli %scan3A_336, %mul3A_338 : i32
      %get3A_340 = arith.index_cast %mul3A_339 : i32 to index
      %get3A_341 = tpu.vector_load %arg10[%get3A_340] {strides = array<i32>} : memref<10000xf32, #tpu.memory_space<vmem>>, vector<16xf32>,
      %ge3A = arith.cmpf oge, %get3A_341, %get3A_8 : vector<16xf32>
      %convert_element_type3A_342 = arith.extui %ge3A : vector<16xi1> to vector<16xi32>
      %reduce_sum3A = arith.constant true
      %reduce_sum3A_343 = vector.broadcast %reduce_sum3A : i1 to vector<16xi1>
      %reduce_sum3A_344 = tpu.scan <sum>, %convert_element_type3A_342 masked %reduce_sum3A_343 : vector<16xi32>, vector<16xi1> -> vector<16xi32>
      %reduce_sum3A_345 = vector.extract %reduce_sum3A_344[15] : i32 from vector<16xi32>
      %sub3A = arith.constant 1 : i32
      %sub3A_346 = arith.subi %scan3A_337, %sub3A : i32
      %broadcast_in_dim3A_347 = vector.broadcast %sub3A_346 : i32 to vector<16xi32>
      %broadcast_in_dim3A_348 = arith.constant true
      %broadcast_in_dim3A_349 = vector.broadcast %broadcast_in_dim3A_348 : i1 to vector<16xi1>
      %masked_cumsum3A = tpu.scan <sum>, %convert_element_type3A_342 masked %broadcast_in_dim3A_349 : vector<16xi32>, vector<16xi1> -> vector<16xi32>
      %add3A_350 = arith.addi %broadcast_in_dim3A_347, %masked_cumsum3A : vector<16xi32>
      %broadcast_in_dim3A_351 = arith.constant 895 : i32
      %broadcast_in_dim3A_352 = vector.broadcast %broadcast_in_dim3A_351 : i32 to vector<16xi32>
      %min3A_353 = arith.minsi %add3A_350, %broadcast_in_dim3A_352 : vector<16xi32>
      %mul3A_354 = arith.constant 16 : i32
      %mul3A_355 = arith.muli %scan3A_336, %mul3A_354 : i32
      %add3A_356 = arith.addi %add3A_237, %mul3A_355 : i32
      %broadcast_in_dim3A_357 = vector.broadcast %add3A_356 : i32 to vector<16xi32>
      %add3A_358 = arith.addi %broadcast_in_dim3A_357, %iota3A : vector<16xi32>
      tpu.vector_store_idx %arg13[%min3A_353], %add3A_358 masked %ge3A : memref<896xi32, #tpu.memory_space<vmem>>[vector<16xi32>], vector<16xi32>, vector<16xi1>
      %shift_right_arithmetic3A = arith.constant 7 : i32
      %shift_right_arithmetic3A_359 = vector.broadcast %shift_right_arithmetic3A : i32 to vector<16xi32>
      %shift_right_arithmetic3A_360 = arith.shrsi %min3A_353, %shift_right_arithmetic3A_359 : vector<16xi32>
      %and3A = arith.constant 127 : i32
      %and3A_361 = vector.broadcast %and3A : i32 to vector<16xi32>
      %and3A_362 = arith.andi %min3A_353, %and3A_361 : vector<16xi32>
      tpu.vector_store_idx %arg12[%shift_right_arithmetic3A_360, %and3A_362], %add3A_358 masked %ge3A : memref<7x128xi32, #tpu.memory_space<vmem>>[vector<16xi32>, vector<16xi32>], vector<16xi32>, vector<16xi1>
      %add3A_363 = arith.addi %scan3A_337, %reduce_sum3A_345 : i32
      scf.yield %add3A_363 : i32
    }
    %scan3A_243 = arith.constant 625 : i32
    %min3A = arith.constant 896 : i32
    %min3A_244 = arith.minsi %scan3A_242, %min3A : i32
    %gt3A = arith.constant 0 : i32
    %gt3A_245 = arith.cmpi sgt, %min3A_244, %gt3A : i32
    %convert_element_type3A = arith.extui %gt3A_245 : i1 to i32
    %cond3A = arith.constant 0 : i32
    %cond3A_246 = arith.cmpi ne, %convert_element_type3A, %cond3A : i32
    scf.if %cond3A_246 {
      %dma_start3A = arith.constant 0 : i32
      %dma_start3A_336 = arith.constant 0 : i32
      %dma_start3A_337 = arith.constant 0 : i32
      %dma_start3A_338 = tpu.memref_slice %arg14[%dma_start3A_336, %dma_start3A_337] : memref<896x80xf32, #tpu.memory_space<vmem>> -> memref<128x80xf32, #tpu.memory_space<vmem>>
      %dma_start3A_339 = arith.constant 0 : i32
      %dma_start3A_340 = tpu.memref_slice %arg12[%dma_start3A, %dma_start3A_339] : memref<7x128xi32, #tpu.memory_space<vmem>> -> memref<1x128xi32, #tpu.memory_space<vmem>>
      %dma_start3A_341 = tpu.memref_squeeze %dma_start3A_340 : memref<1x128xi32, #tpu.memory_space<vmem>> -> memref<128xi32, #tpu.memory_space<vmem>>
      %dma_start3A_342 = arith.constant 0 : i32
      %dma_start3A_343 = arith.constant 0 : i32
      %dma_start3A_344 = tpu.memref_slice %arg2[%dma_start3A_342, %dma_start3A_343] : memref<320000x80xf32, #tpu.memory_space<hbm>> -> memref<320000x80xf32, #tpu.memory_space<hbm>>
      tpu.enqueue_indirect_dma source(%dma_start3A_344 : memref<320000x80xf32, #tpu.memory_space<hbm>>) target(%dma_start3A_338 : memref<128x80xf32, #tpu.memory_space<vmem>>) offsets(%dma_start3A_341 : memref<128xi32, #tpu.memory_space<vmem>>) semaphore(%arg20 : memref<!tpu.dma_semaphore, #tpu.memory_space<semaphore_mem>>)
      %dma_start3A_345 = arith.constant 0 : i32
      %dma_start3A_346 = arith.constant 0 : i32
      %dma_start3A_347 = arith.constant 0 : i32
      %dma_start3A_348 = tpu.memref_slice %arg15[%dma_start3A_346, %dma_start3A_347] : memref<896x16xf32, #tpu.memory_space<vmem>> -> memref<128x16xf32, #tpu.memory_space<vmem>>
      %dma_start3A_349 = arith.constant 0 : i32
      %dma_start3A_350 = tpu.memref_slice %arg12[%dma_start3A_345, %dma_start3A_349] : memref<7x128xi32, #tpu.memory_space<vmem>> -> memref<1x128xi32, #tpu.memory_space<vmem>>
      %dma_start3A_351 = tpu.memref_squeeze %dma_start3A_350 : memref<1x128xi32, #tpu.memory_space<vmem>> -> memref<128xi32, #tpu.memory_space<vmem>>
      %dma_start3A_352 = arith.constant 0 : i32
      %dma_start3A_353 = arith.constant 0 : i32
      %dma_start3A_354 = tpu.memref_slice %arg3[%dma_start3A_352, %dma_start3A_353] : memref<320000x16xf32, #tpu.memory_space<hbm>> -> memref<320000x16xf32, #tpu.memory_space<hbm>>
      tpu.enqueue_indirect_dma source(%dma_start3A_354 : memref<320000x16xf32, #tpu.memory_space<hbm>>) target(%dma_start3A_348 : memref<128x16xf32, #tpu.memory_space<vmem>>) offsets(%dma_start3A_351 : memref<128xi32, #tpu.memory_space<vmem>>) semaphore(%arg20 : memref<!tpu.dma_semaphore, #tpu.memory_space<semaphore_mem>>)
    } else {
    }
    %gt3A_247 = arith.constant 128 : i32
    %gt3A_248 = arith.cmpi sgt, %min3A_244, %gt3A_247 : i32
    %convert_element_type3A_249 = arith.extui %gt3A_248 : i1 to i32
    %cond3A_250 = arith.constant 0 : i32
    %cond3A_251 = arith.cmpi ne, %convert_element_type3A_249, %cond3A_250 : i32
    scf.if %cond3A_251 {
      %dma_start3A = arith.constant 1 : i32
      %dma_start3A_336 = arith.constant 128 : i32
      %dma_start3A_337 = arith.constant 0 : i32
      %dma_start3A_338 = tpu.memref_slice %arg14[%dma_start3A_336, %dma_start3A_337] : memref<896x80xf32, #tpu.memory_space<vmem>> -> memref<128x80xf32, #tpu.memory_space<vmem>>
      %dma_start3A_339 = arith.constant 0 : i32
      %dma_start3A_340 = tpu.memref_slice %arg12[%dma_start3A, %dma_start3A_339] : memref<7x128xi32, #tpu.memory_space<vmem>> -> memref<1x128xi32, #tpu.memory_space<vmem>>
      %dma_start3A_341 = tpu.memref_squeeze %dma_start3A_340 : memref<1x128xi32, #tpu.memory_space<vmem>> -> memref<128xi32, #tpu.memory_space<vmem>>
      %dma_start3A_342 = arith.constant 0 : i32
      %dma_start3A_343 = arith.constant 0 : i32
      %dma_start3A_344 = tpu.memref_slice %arg2[%dma_start3A_342, %dma_start3A_343] : memref<320000x80xf32, #tpu.memory_space<hbm>> -> memref<320000x80xf32, #tpu.memory_space<hbm>>
      tpu.enqueue_indirect_dma source(%dma_start3A_344 : memref<320000x80xf32, #tpu.memory_space<hbm>>) target(%dma_start3A_338 : memref<128x80xf32, #tpu.memory_space<vmem>>) offsets(%dma_start3A_341 : memref<128xi32, #tpu.memory_space<vmem>>) semaphore(%arg20 : memref<!tpu.dma_semaphore, #tpu.memory_space<semaphore_mem>>)
      %dma_start3A_345 = arith.constant 1 : i32
      %dma_start3A_346 = arith.constant 128 : i32
      %dma_start3A_347 = arith.constant 0 : i32
      %dma_start3A_348 = tpu.memref_slice %arg15[%dma_start3A_346, %dma_start3A_347] : memref<896x16xf32, #tpu.memory_space<vmem>> -> memref<128x16xf32, #tpu.memory_space<vmem>>
      %dma_start3A_349 = arith.constant 0 : i32
      %dma_start3A_350 = tpu.memref_slice %arg12[%dma_start3A_345, %dma_start3A_349] : memref<7x128xi32, #tpu.memory_space<vmem>> -> memref<1x128xi32, #tpu.memory_space<vmem>>
      %dma_start3A_351 = tpu.memref_squeeze %dma_start3A_350 : memref<1x128xi32, #tpu.memory_space<vmem>> -> memref<128xi32, #tpu.memory_space<vmem>>
      %dma_start3A_352 = arith.constant 0 : i32
      %dma_start3A_353 = arith.constant 0 : i32
      %dma_start3A_354 = tpu.memref_slice %arg3[%dma_start3A_352, %dma_start3A_353] : memref<320000x16xf32, #tpu.memory_space<hbm>> -> memref<320000x16xf32, #tpu.memory_space<hbm>>
      tpu.enqueue_indirect_dma source(%dma_start3A_354 : memref<320000x16xf32, #tpu.memory_space<hbm>>) target(%dma_start3A_348 : memref<128x16xf32, #tpu.memory_space<vmem>>) offsets(%dma_start3A_351 : memref<128xi32, #tpu.memory_space<vmem>>) semaphore(%arg20 : memref<!tpu.dma_semaphore, #tpu.memory_space<semaphore_mem>>)
    } else {
    }
    %gt3A_252 = arith.constant 256 : i32
    %gt3A_253 = arith.cmpi sgt, %min3A_244, %gt3A_252 : i32
    %convert_element_type3A_254 = arith.extui %gt3A_253 : i1 to i32
    %cond3A_255 = arith.constant 0 : i32
    %cond3A_256 = arith.cmpi ne, %convert_element_type3A_254, %cond3A_255 : i32
    scf.if %cond3A_256 {
      %dma_start3A = arith.constant 2 : i32
      %dma_start3A_336 = arith.constant 256 : i32
      %dma_start3A_337 = arith.constant 0 : i32
      %dma_start3A_338 = tpu.memref_slice %arg14[%dma_start3A_336, %dma_start3A_337] : memref<896x80xf32, #tpu.memory_space<vmem>> -> memref<128x80xf32, #tpu.memory_space<vmem>>
      %dma_start3A_339 = arith.constant 0 : i32
      %dma_start3A_340 = tpu.memref_slice %arg12[%dma_start3A, %dma_start3A_339] : memref<7x128xi32, #tpu.memory_space<vmem>> -> memref<1x128xi32, #tpu.memory_space<vmem>>
      %dma_start3A_341 = tpu.memref_squeeze %dma_start3A_340 : memref<1x128xi32, #tpu.memory_space<vmem>> -> memref<128xi32, #tpu.memory_space<vmem>>
      %dma_start3A_342 = arith.constant 0 : i32
      %dma_start3A_343 = arith.constant 0 : i32
      %dma_start3A_344 = tpu.memref_slice %arg2[%dma_start3A_342, %dma_start3A_343] : memref<320000x80xf32, #tpu.memory_space<hbm>> -> memref<320000x80xf32, #tpu.memory_space<hbm>>
      tpu.enqueue_indirect_dma source(%dma_start3A_344 : memref<320000x80xf32, #tpu.memory_space<hbm>>) target(%dma_start3A_338 : memref<128x80xf32, #tpu.memory_space<vmem>>) offsets(%dma_start3A_341 : memref<128xi32, #tpu.memory_space<vmem>>) semaphore(%arg20 : memref<!tpu.dma_semaphore, #tpu.memory_space<semaphore_mem>>)
      %dma_start3A_345 = arith.constant 2 : i32
      %dma_start3A_346 = arith.constant 256 : i32
      %dma_start3A_347 = arith.constant 0 : i32
      %dma_start3A_348 = tpu.memref_slice %arg15[%dma_start3A_346, %dma_start3A_347] : memref<896x16xf32, #tpu.memory_space<vmem>> -> memref<128x16xf32, #tpu.memory_space<vmem>>
      %dma_start3A_349 = arith.constant 0 : i32
      %dma_start3A_350 = tpu.memref_slice %arg12[%dma_start3A_345, %dma_start3A_349] : memref<7x128xi32, #tpu.memory_space<vmem>> -> memref<1x128xi32, #tpu.memory_space<vmem>>
      %dma_start3A_351 = tpu.memref_squeeze %dma_start3A_350 : memref<1x128xi32, #tpu.memory_space<vmem>> -> memref<128xi32, #tpu.memory_space<vmem>>
      %dma_start3A_352 = arith.constant 0 : i32
      %dma_start3A_353 = arith.constant 0 : i32
      %dma_start3A_354 = tpu.memref_slice %arg3[%dma_start3A_352, %dma_start3A_353] : memref<320000x16xf32, #tpu.memory_space<hbm>> -> memref<320000x16xf32, #tpu.memory_space<hbm>>
      tpu.enqueue_indirect_dma source(%dma_start3A_354 : memref<320000x16xf32, #tpu.memory_space<hbm>>) target(%dma_start3A_348 : memref<128x16xf32, #tpu.memory_space<vmem>>) offsets(%dma_start3A_351 : memref<128xi32, #tpu.memory_space<vmem>>) semaphore(%arg20 : memref<!tpu.dma_semaphore, #tpu.memory_space<semaphore_mem>>)
    } else {
    }
    %gt3A_257 = arith.constant 384 : i32
    %gt3A_258 = arith.cmpi sgt, %min3A_244, %gt3A_257 : i32
    %convert_element_type3A_259 = arith.extui %gt3A_258 : i1 to i32
    %cond3A_260 = arith.constant 0 : i32
    %cond3A_261 = arith.cmpi ne, %convert_element_type3A_259, %cond3A_260 : i32
    scf.if %cond3A_261 {
      %dma_start3A = arith.constant 3 : i32
      %dma_start3A_336 = arith.constant 384 : i32
      %dma_start3A_337 = arith.constant 0 : i32
      %dma_start3A_338 = tpu.memref_slice %arg14[%dma_start3A_336, %dma_start3A_337] : memref<896x80xf32, #tpu.memory_space<vmem>> -> memref<128x80xf32, #tpu.memory_space<vmem>>
      %dma_start3A_339 = arith.constant 0 : i32
      %dma_start3A_340 = tpu.memref_slice %arg12[%dma_start3A, %dma_start3A_339] : memref<7x128xi32, #tpu.memory_space<vmem>> -> memref<1x128xi32, #tpu.memory_space<vmem>>
      %dma_start3A_341 = tpu.memref_squeeze %dma_start3A_340 : memref<1x128xi32, #tpu.memory_space<vmem>> -> memref<128xi32, #tpu.memory_space<vmem>>
      %dma_start3A_342 = arith.constant 0 : i32
      %dma_start3A_343 = arith.constant 0 : i32
      %dma_start3A_344 = tpu.memref_slice %arg2[%dma_start3A_342, %dma_start3A_343] : memref<320000x80xf32, #tpu.memory_space<hbm>> -> memref<320000x80xf32, #tpu.memory_space<hbm>>
      tpu.enqueue_indirect_dma source(%dma_start3A_344 : memref<320000x80xf32, #tpu.memory_space<hbm>>) target(%dma_start3A_338 : memref<128x80xf32, #tpu.memory_space<vmem>>) offsets(%dma_start3A_341 : memref<128xi32, #tpu.memory_space<vmem>>) semaphore(%arg20 : memref<!tpu.dma_semaphore, #tpu.memory_space<semaphore_mem>>)
      %dma_start3A_345 = arith.constant 3 : i32
      %dma_start3A_346 = arith.constant 384 : i32
      %dma_start3A_347 = arith.constant 0 : i32
      %dma_start3A_348 = tpu.memref_slice %arg15[%dma_start3A_346, %dma_start3A_347] : memref<896x16xf32, #tpu.memory_space<vmem>> -> memref<128x16xf32, #tpu.memory_space<vmem>>
      %dma_start3A_349 = arith.constant 0 : i32
      %dma_start3A_350 = tpu.memref_slice %arg12[%dma_start3A_345, %dma_start3A_349] : memref<7x128xi32, #tpu.memory_space<vmem>> -> memref<1x128xi32, #tpu.memory_space<vmem>>
      %dma_start3A_351 = tpu.memref_squeeze %dma_start3A_350 : memref<1x128xi32, #tpu.memory_space<vmem>> -> memref<128xi32, #tpu.memory_space<vmem>>
      %dma_start3A_352 = arith.constant 0 : i32
      %dma_start3A_353 = arith.constant 0 : i32
      %dma_start3A_354 = tpu.memref_slice %arg3[%dma_start3A_352, %dma_start3A_353] : memref<320000x16xf32, #tpu.memory_space<hbm>> -> memref<320000x16xf32, #tpu.memory_space<hbm>>
      tpu.enqueue_indirect_dma source(%dma_start3A_354 : memref<320000x16xf32, #tpu.memory_space<hbm>>) target(%dma_start3A_348 : memref<128x16xf32, #tpu.memory_space<vmem>>) offsets(%dma_start3A_351 : memref<128xi32, #tpu.memory_space<vmem>>) semaphore(%arg20 : memref<!tpu.dma_semaphore, #tpu.memory_space<semaphore_mem>>)
    } else {
    }
    %gt3A_262 = arith.constant 512 : i32
    %gt3A_263 = arith.cmpi sgt, %min3A_244, %gt3A_262 : i32
    %convert_element_type3A_264 = arith.extui %gt3A_263 : i1 to i32
    %cond3A_265 = arith.constant 0 : i32
    %cond3A_266 = arith.cmpi ne, %convert_element_type3A_264, %cond3A_265 : i32
    scf.if %cond3A_266 {
      %dma_start3A = arith.constant 4 : i32
      %dma_start3A_336 = arith.constant 512 : i32
      %dma_start3A_337 = arith.constant 0 : i32
      %dma_start3A_338 = tpu.memref_slice %arg14[%dma_start3A_336, %dma_start3A_337] : memref<896x80xf32, #tpu.memory_space<vmem>> -> memref<128x80xf32, #tpu.memory_space<vmem>>
      %dma_start3A_339 = arith.constant 0 : i32
      %dma_start3A_340 = tpu.memref_slice %arg12[%dma_start3A, %dma_start3A_339] : memref<7x128xi32, #tpu.memory_space<vmem>> -> memref<1x128xi32, #tpu.memory_space<vmem>>
      %dma_start3A_341 = tpu.memref_squeeze %dma_start3A_340 : memref<1x128xi32, #tpu.memory_space<vmem>> -> memref<128xi32, #tpu.memory_space<vmem>>
      %dma_start3A_342 = arith.constant 0 : i32
      %dma_start3A_343 = arith.constant 0 : i32
      %dma_start3A_344 = tpu.memref_slice %arg2[%dma_start3A_342, %dma_start3A_343] : memref<320000x80xf32, #tpu.memory_space<hbm>> -> memref<320000x80xf32, #tpu.memory_space<hbm>>
      tpu.enqueue_indirect_dma source(%dma_start3A_344 : memref<320000x80xf32, #tpu.memory_space<hbm>>) target(%dma_start3A_338 : memref<128x80xf32, #tpu.memory_space<vmem>>) offsets(%dma_start3A_341 : memref<128xi32, #tpu.memory_space<vmem>>) semaphore(%arg20 : memref<!tpu.dma_semaphore, #tpu.memory_space<semaphore_mem>>)
      %dma_start3A_345 = arith.constant 4 : i32
      %dma_start3A_346 = arith.constant 512 : i32
      %dma_start3A_347 = arith.constant 0 : i32
      %dma_start3A_348 = tpu.memref_slice %arg15[%dma_start3A_346, %dma_start3A_347] : memref<896x16xf32, #tpu.memory_space<vmem>> -> memref<128x16xf32, #tpu.memory_space<vmem>>
      %dma_start3A_349 = arith.constant 0 : i32
      %dma_start3A_350 = tpu.memref_slice %arg12[%dma_start3A_345, %dma_start3A_349] : memref<7x128xi32, #tpu.memory_space<vmem>> -> memref<1x128xi32, #tpu.memory_space<vmem>>
      %dma_start3A_351 = tpu.memref_squeeze %dma_start3A_350 : memref<1x128xi32, #tpu.memory_space<vmem>> -> memref<128xi32, #tpu.memory_space<vmem>>
      %dma_start3A_352 = arith.constant 0 : i32
      %dma_start3A_353 = arith.constant 0 : i32
      %dma_start3A_354 = tpu.memref_slice %arg3[%dma_start3A_352, %dma_start3A_353] : memref<320000x16xf32, #tpu.memory_space<hbm>> -> memref<320000x16xf32, #tpu.memory_space<hbm>>
      tpu.enqueue_indirect_dma source(%dma_start3A_354 : memref<320000x16xf32, #tpu.memory_space<hbm>>) target(%dma_start3A_348 : memref<128x16xf32, #tpu.memory_space<vmem>>) offsets(%dma_start3A_351 : memref<128xi32, #tpu.memory_space<vmem>>) semaphore(%arg20 : memref<!tpu.dma_semaphore, #tpu.memory_space<semaphore_mem>>)
    } else {
    }
    %gt3A_267 = arith.constant 640 : i32
    %gt3A_268 = arith.cmpi sgt, %min3A_244, %gt3A_267 : i32
    %convert_element_type3A_269 = arith.extui %gt3A_268 : i1 to i32
    %cond3A_270 = arith.constant 0 : i32
    %cond3A_271 = arith.cmpi ne, %convert_element_type3A_269, %cond3A_270 : i32
    scf.if %cond3A_271 {
      %dma_start3A = arith.constant 5 : i32
      %dma_start3A_336 = arith.constant 640 : i32
      %dma_start3A_337 = arith.constant 0 : i32
      %dma_start3A_338 = tpu.memref_slice %arg14[%dma_start3A_336, %dma_start3A_337] : memref<896x80xf32, #tpu.memory_space<vmem>> -> memref<128x80xf32, #tpu.memory_space<vmem>>
      %dma_start3A_339 = arith.constant 0 : i32
      %dma_start3A_340 = tpu.memref_slice %arg12[%dma_start3A, %dma_start3A_339] : memref<7x128xi32, #tpu.memory_space<vmem>> -> memref<1x128xi32, #tpu.memory_space<vmem>>
      %dma_start3A_341 = tpu.memref_squeeze %dma_start3A_340 : memref<1x128xi32, #tpu.memory_space<vmem>> -> memref<128xi32, #tpu.memory_space<vmem>>
      %dma_start3A_342 = arith.constant 0 : i32
      %dma_start3A_343 = arith.constant 0 : i32
      %dma_start3A_344 = tpu.memref_slice %arg2[%dma_start3A_342, %dma_start3A_343] : memref<320000x80xf32, #tpu.memory_space<hbm>> -> memref<320000x80xf32, #tpu.memory_space<hbm>>
      tpu.enqueue_indirect_dma source(%dma_start3A_344 : memref<320000x80xf32, #tpu.memory_space<hbm>>) target(%dma_start3A_338 : memref<128x80xf32, #tpu.memory_space<vmem>>) offsets(%dma_start3A_341 : memref<128xi32, #tpu.memory_space<vmem>>) semaphore(%arg20 : memref<!tpu.dma_semaphore, #tpu.memory_space<semaphore_mem>>)
      %dma_start3A_345 = arith.constant 5 : i32
      %dma_start3A_346 = arith.constant 640 : i32
      %dma_start3A_347 = arith.constant 0 : i32
      %dma_start3A_348 = tpu.memref_slice %arg15[%dma_start3A_346, %dma_start3A_347] : memref<896x16xf32, #tpu.memory_space<vmem>> -> memref<128x16xf32, #tpu.memory_space<vmem>>
      %dma_start3A_349 = arith.constant 0 : i32
      %dma_start3A_350 = tpu.memref_slice %arg12[%dma_start3A_345, %dma_start3A_349] : memref<7x128xi32, #tpu.memory_space<vmem>> -> memref<1x128xi32, #tpu.memory_space<vmem>>
      %dma_start3A_351 = tpu.memref_squeeze %dma_start3A_350 : memref<1x128xi32, #tpu.memory_space<vmem>> -> memref<128xi32, #tpu.memory_space<vmem>>
      %dma_start3A_352 = arith.constant 0 : i32
      %dma_start3A_353 = arith.constant 0 : i32
      %dma_start3A_354 = tpu.memref_slice %arg3[%dma_start3A_352, %dma_start3A_353] : memref<320000x16xf32, #tpu.memory_space<hbm>> -> memref<320000x16xf32, #tpu.memory_space<hbm>>
      tpu.enqueue_indirect_dma source(%dma_start3A_354 : memref<320000x16xf32, #tpu.memory_space<hbm>>) target(%dma_start3A_348 : memref<128x16xf32, #tpu.memory_space<vmem>>) offsets(%dma_start3A_351 : memref<128xi32, #tpu.memory_space<vmem>>) semaphore(%arg20 : memref<!tpu.dma_semaphore, #tpu.memory_space<semaphore_mem>>)
    } else {
    }
    %gt3A_272 = arith.constant 768 : i32
    %gt3A_273 = arith.cmpi sgt, %min3A_244, %gt3A_272 : i32
    %convert_element_type3A_274 = arith.extui %gt3A_273 : i1 to i32
    %cond3A_275 = arith.constant 0 : i32
    %cond3A_276 = arith.cmpi ne, %convert_element_type3A_274, %cond3A_275 : i32
    scf.if %cond3A_276 {
      %dma_start3A = arith.constant 6 : i32
      %dma_start3A_336 = arith.constant 768 : i32
      %dma_start3A_337 = arith.constant 0 : i32
      %dma_start3A_338 = tpu.memref_slice %arg14[%dma_start3A_336, %dma_start3A_337] : memref<896x80xf32, #tpu.memory_space<vmem>> -> memref<128x80xf32, #tpu.memory_space<vmem>>
      %dma_start3A_339 = arith.constant 0 : i32
      %dma_start3A_340 = tpu.memref_slice %arg12[%dma_start3A, %dma_start3A_339] : memref<7x128xi32, #tpu.memory_space<vmem>> -> memref<1x128xi32, #tpu.memory_space<vmem>>
      %dma_start3A_341 = tpu.memref_squeeze %dma_start3A_340 : memref<1x128xi32, #tpu.memory_space<vmem>> -> memref<128xi32, #tpu.memory_space<vmem>>
      %dma_start3A_342 = arith.constant 0 : i32
      %dma_start3A_343 = arith.constant 0 : i32
      %dma_start3A_344 = tpu.memref_slice %arg2[%dma_start3A_342, %dma_start3A_343] : memref<320000x80xf32, #tpu.memory_space<hbm>> -> memref<320000x80xf32, #tpu.memory_space<hbm>>
      tpu.enqueue_indirect_dma source(%dma_start3A_344 : memref<320000x80xf32, #tpu.memory_space<hbm>>) target(%dma_start3A_338 : memref<128x80xf32, #tpu.memory_space<vmem>>) offsets(%dma_start3A_341 : memref<128xi32, #tpu.memory_space<vmem>>) semaphore(%arg20 : memref<!tpu.dma_semaphore, #tpu.memory_space<semaphore_mem>>)
      %dma_start3A_345 = arith.constant 6 : i32
      %dma_start3A_346 = arith.constant 768 : i32
      %dma_start3A_347 = arith.constant 0 : i32
      %dma_start3A_348 = tpu.memref_slice %arg15[%dma_start3A_346, %dma_start3A_347] : memref<896x16xf32, #tpu.memory_space<vmem>> -> memref<128x16xf32, #tpu.memory_space<vmem>>
      %dma_start3A_349 = arith.constant 0 : i32
      %dma_start3A_350 = tpu.memref_slice %arg12[%dma_start3A_345, %dma_start3A_349] : memref<7x128xi32, #tpu.memory_space<vmem>> -> memref<1x128xi32, #tpu.memory_space<vmem>>
      %dma_start3A_351 = tpu.memref_squeeze %dma_start3A_350 : memref<1x128xi32, #tpu.memory_space<vmem>> -> memref<128xi32, #tpu.memory_space<vmem>>
      %dma_start3A_352 = arith.constant 0 : i32
      %dma_start3A_353 = arith.constant 0 : i32
      %dma_start3A_354 = tpu.memref_slice %arg3[%dma_start3A_352, %dma_start3A_353] : memref<320000x16xf32, #tpu.memory_space<hbm>> -> memref<320000x16xf32, #tpu.memory_space<hbm>>
      tpu.enqueue_indirect_dma source(%dma_start3A_354 : memref<320000x16xf32, #tpu.memory_space<hbm>>) target(%dma_start3A_348 : memref<128x16xf32, #tpu.memory_space<vmem>>) offsets(%dma_start3A_351 : memref<128xi32, #tpu.memory_space<vmem>>) semaphore(%arg20 : memref<!tpu.dma_semaphore, #tpu.memory_space<semaphore_mem>>)
    } else {
    }
    %gt3A_277 = arith.constant 0 : i32
    %gt3A_278 = arith.cmpi sgt, %min3A_244, %gt3A_277 : i32
    %convert_element_type3A_279 = arith.extui %gt3A_278 : i1 to i32
    %cond3A_280 = arith.constant 0 : i32
    %cond3A_281 = arith.cmpi ne, %convert_element_type3A_279, %cond3A_280 : i32
    scf.if %cond3A_281 {
      %dma_wait3A = arith.constant 0 : i32
      %dma_wait3A_336 = arith.constant 0 : i32
      %dma_wait3A_337 = arith.constant 0 : i32
      %dma_wait3A_338 = tpu.memref_slice %arg14[%dma_wait3A_336, %dma_wait3A_337] : memref<896x80xf32, #tpu.memory_space<vmem>> -> memref<128x80xf32, #tpu.memory_space<vmem>>
      %dma_wait3A_339 = arith.constant 0 : i32
      %dma_wait3A_340 = tpu.memref_slice %arg12[%dma_wait3A, %dma_wait3A_339] : memref<7x128xi32, #tpu.memory_space<vmem>> -> memref<1x128xi32, #tpu.memory_space<vmem>>
      %dma_wait3A_341 = tpu.memref_squeeze %dma_wait3A_340 : memref<1x128xi32, #tpu.memory_space<vmem>> -> memref<128xi32, #tpu.memory_space<vmem>>
      %dma_wait3A_342 = arith.constant 0 : i32
      %dma_wait3A_343 = arith.constant 0 : i32
      %dma_wait3A_344 = tpu.memref_slice %arg2[%dma_wait3A_342, %dma_wait3A_343] : memref<320000x80xf32, #tpu.memory_space<hbm>> -> memref<320000x80xf32, #tpu.memory_space<hbm>>
      tpu.wait_indirect_dma semaphore(%arg20 : memref<!tpu.dma_semaphore, #tpu.memory_space<semaphore_mem>>) src(%dma_wait3A_344 : memref<320000x80xf32, #tpu.memory_space<hbm>>) dst(%dma_wait3A_338 : memref<128x80xf32, #tpu.memory_space<vmem>>)
      %dma_wait3A_345 = arith.constant 0 : i32
      %dma_wait3A_346 = arith.constant 0 : i32
      %dma_wait3A_347 = arith.constant 0 : i32
      %dma_wait3A_348 = tpu.memref_slice %arg15[%dma_wait3A_346, %dma_wait3A_347] : memref<896x16xf32, #tpu.memory_space<vmem>> -> memref<128x16xf32, #tpu.memory_space<vmem>>
      %dma_wait3A_349 = arith.constant 0 : i32
      %dma_wait3A_350 = tpu.memref_slice %arg12[%dma_wait3A_345, %dma_wait3A_349] : memref<7x128xi32, #tpu.memory_space<vmem>> -> memref<1x128xi32, #tpu.memory_space<vmem>>
      %dma_wait3A_351 = tpu.memref_squeeze %dma_wait3A_350 : memref<1x128xi32, #tpu.memory_space<vmem>> -> memref<128xi32, #tpu.memory_space<vmem>>
      %dma_wait3A_352 = arith.constant 0 : i32
      %dma_wait3A_353 = arith.constant 0 : i32
      %dma_wait3A_354 = tpu.memref_slice %arg3[%dma_wait3A_352, %dma_wait3A_353] : memref<320000x16xf32, #tpu.memory_space<hbm>> -> memref<320000x16xf32, #tpu.memory_space<hbm>>
      tpu.wait_indirect_dma semaphore(%arg20 : memref<!tpu.dma_semaphore, #tpu.memory_space<semaphore_mem>>) src(%dma_wait3A_354 : memref<320000x16xf32, #tpu.memory_space<hbm>>) dst(%dma_wait3A_348 : memref<128x16xf32, #tpu.memory_space<vmem>>)
    } else {
    }
    %gt3A_282 = arith.constant 128 : i32
    %gt3A_283 = arith.cmpi sgt, %min3A_244, %gt3A_282 : i32
    %convert_element_type3A_284 = arith.extui %gt3A_283 : i1 to i32
    %cond3A_285 = arith.constant 0 : i32
    %cond3A_286 = arith.cmpi ne, %convert_element_type3A_284, %cond3A_285 : i32
    scf.if %cond3A_286 {
      %dma_wait3A = arith.constant 1 : i32
      %dma_wait3A_336 = arith.constant 128 : i32
      %dma_wait3A_337 = arith.constant 0 : i32
      %dma_wait3A_338 = tpu.memref_slice %arg14[%dma_wait3A_336, %dma_wait3A_337] : memref<896x80xf32, #tpu.memory_space<vmem>> -> memref<128x80xf32, #tpu.memory_space<vmem>>
      %dma_wait3A_339 = arith.constant 0 : i32
      %dma_wait3A_340 = tpu.memref_slice %arg12[%dma_wait3A, %dma_wait3A_339] : memref<7x128xi32, #tpu.memory_space<vmem>> -> memref<1x128xi32, #tpu.memory_space<vmem>>
      %dma_wait3A_341 = tpu.memref_squeeze %dma_wait3A_340 : memref<1x128xi32, #tpu.memory_space<vmem>> -> memref<128xi32, #tpu.memory_space<vmem>>
      %dma_wait3A_342 = arith.constant 0 : i32
      %dma_wait3A_343 = arith.constant 0 : i32
      %dma_wait3A_344 = tpu.memref_slice %arg2[%dma_wait3A_342, %dma_wait3A_343] : memref<320000x80xf32, #tpu.memory_space<hbm>> -> memref<320000x80xf32, #tpu.memory_space<hbm>>
      tpu.wait_indirect_dma semaphore(%arg20 : memref<!tpu.dma_semaphore, #tpu.memory_space<semaphore_mem>>) src(%dma_wait3A_344 : memref<320000x80xf32, #tpu.memory_space<hbm>>) dst(%dma_wait3A_338 : memref<128x80xf32, #tpu.memory_space<vmem>>)
      %dma_wait3A_345 = arith.constant 1 : i32
      %dma_wait3A_346 = arith.constant 128 : i32
      %dma_wait3A_347 = arith.constant 0 : i32
      %dma_wait3A_348 = tpu.memref_slice %arg15[%dma_wait3A_346, %dma_wait3A_347] : memref<896x16xf32, #tpu.memory_space<vmem>> -> memref<128x16xf32, #tpu.memory_space<vmem>>
      %dma_wait3A_349 = arith.constant 0 : i32
      %dma_wait3A_350 = tpu.memref_slice %arg12[%dma_wait3A_345, %dma_wait3A_349] : memref<7x128xi32, #tpu.memory_space<vmem>> -> memref<1x128xi32, #tpu.memory_space<vmem>>
      %dma_wait3A_351 = tpu.memref_squeeze %dma_wait3A_350 : memref<1x128xi32, #tpu.memory_space<vmem>> -> memref<128xi32, #tpu.memory_space<vmem>>
      %dma_wait3A_352 = arith.constant 0 : i32
      %dma_wait3A_353 = arith.constant 0 : i32
      %dma_wait3A_354 = tpu.memref_slice %arg3[%dma_wait3A_352, %dma_wait3A_353] : memref<320000x16xf32, #tpu.memory_space<hbm>> -> memref<320000x16xf32, #tpu.memory_space<hbm>>
      tpu.wait_indirect_dma semaphore(%arg20 : memref<!tpu.dma_semaphore, #tpu.memory_space<semaphore_mem>>) src(%dma_wait3A_354 : memref<320000x16xf32, #tpu.memory_space<hbm>>) dst(%dma_wait3A_348 : memref<128x16xf32, #tpu.memory_space<vmem>>)
    } else {
    }
    %gt3A_287 = arith.constant 256 : i32
    %gt3A_288 = arith.cmpi sgt, %min3A_244, %gt3A_287 : i32
    %convert_element_type3A_289 = arith.extui %gt3A_288 : i1 to i32
    %cond3A_290 = arith.constant 0 : i32
    %cond3A_291 = arith.cmpi ne, %convert_element_type3A_289, %cond3A_290 : i32
    scf.if %cond3A_291 {
      %dma_wait3A = arith.constant 2 : i32
      %dma_wait3A_336 = arith.constant 256 : i32
      %dma_wait3A_337 = arith.constant 0 : i32
      %dma_wait3A_338 = tpu.memref_slice %arg14[%dma_wait3A_336, %dma_wait3A_337] : memref<896x80xf32, #tpu.memory_space<vmem>> -> memref<128x80xf32, #tpu.memory_space<vmem>>
      %dma_wait3A_339 = arith.constant 0 : i32
      %dma_wait3A_340 = tpu.memref_slice %arg12[%dma_wait3A, %dma_wait3A_339] : memref<7x128xi32, #tpu.memory_space<vmem>> -> memref<1x128xi32, #tpu.memory_space<vmem>>
      %dma_wait3A_341 = tpu.memref_squeeze %dma_wait3A_340 : memref<1x128xi32, #tpu.memory_space<vmem>> -> memref<128xi32, #tpu.memory_space<vmem>>
      %dma_wait3A_342 = arith.constant 0 : i32
      %dma_wait3A_343 = arith.constant 0 : i32
      %dma_wait3A_344 = tpu.memref_slice %arg2[%dma_wait3A_342, %dma_wait3A_343] : memref<320000x80xf32, #tpu.memory_space<hbm>> -> memref<320000x80xf32, #tpu.memory_space<hbm>>
      tpu.wait_indirect_dma semaphore(%arg20 : memref<!tpu.dma_semaphore, #tpu.memory_space<semaphore_mem>>) src(%dma_wait3A_344 : memref<320000x80xf32, #tpu.memory_space<hbm>>) dst(%dma_wait3A_338 : memref<128x80xf32, #tpu.memory_space<vmem>>)
      %dma_wait3A_345 = arith.constant 2 : i32
      %dma_wait3A_346 = arith.constant 256 : i32
      %dma_wait3A_347 = arith.constant 0 : i32
      %dma_wait3A_348 = tpu.memref_slice %arg15[%dma_wait3A_346, %dma_wait3A_347] : memref<896x16xf32, #tpu.memory_space<vmem>> -> memref<128x16xf32, #tpu.memory_space<vmem>>
      %dma_wait3A_349 = arith.constant 0 : i32
      %dma_wait3A_350 = tpu.memref_slice %arg12[%dma_wait3A_345, %dma_wait3A_349] : memref<7x128xi32, #tpu.memory_space<vmem>> -> memref<1x128xi32, #tpu.memory_space<vmem>>
      %dma_wait3A_351 = tpu.memref_squeeze %dma_wait3A_350 : memref<1x128xi32, #tpu.memory_space<vmem>> -> memref<128xi32, #tpu.memory_space<vmem>>
      %dma_wait3A_352 = arith.constant 0 : i32
      %dma_wait3A_353 = arith.constant 0 : i32
      %dma_wait3A_354 = tpu.memref_slice %arg3[%dma_wait3A_352, %dma_wait3A_353] : memref<320000x16xf32, #tpu.memory_space<hbm>> -> memref<320000x16xf32, #tpu.memory_space<hbm>>
      tpu.wait_indirect_dma semaphore(%arg20 : memref<!tpu.dma_semaphore, #tpu.memory_space<semaphore_mem>>) src(%dma_wait3A_354 : memref<320000x16xf32, #tpu.memory_space<hbm>>) dst(%dma_wait3A_348 : memref<128x16xf32, #tpu.memory_space<vmem>>)
    } else {
    }
    %gt3A_292 = arith.constant 384 : i32
    %gt3A_293 = arith.cmpi sgt, %min3A_244, %gt3A_292 : i32
    %convert_element_type3A_294 = arith.extui %gt3A_293 : i1 to i32
    %cond3A_295 = arith.constant 0 : i32
    %cond3A_296 = arith.cmpi ne, %convert_element_type3A_294, %cond3A_295 : i32
    scf.if %cond3A_296 {
      %dma_wait3A = arith.constant 3 : i32
      %dma_wait3A_336 = arith.constant 384 : i32
      %dma_wait3A_337 = arith.constant 0 : i32
      %dma_wait3A_338 = tpu.memref_slice %arg14[%dma_wait3A_336, %dma_wait3A_337] : memref<896x80xf32, #tpu.memory_space<vmem>> -> memref<128x80xf32, #tpu.memory_space<vmem>>
      %dma_wait3A_339 = arith.constant 0 : i32
      %dma_wait3A_340 = tpu.memref_slice %arg12[%dma_wait3A, %dma_wait3A_339] : memref<7x128xi32, #tpu.memory_space<vmem>> -> memref<1x128xi32, #tpu.memory_space<vmem>>
      %dma_wait3A_341 = tpu.memref_squeeze %dma_wait3A_340 : memref<1x128xi32, #tpu.memory_space<vmem>> -> memref<128xi32, #tpu.memory_space<vmem>>
      %dma_wait3A_342 = arith.constant 0 : i32
      %dma_wait3A_343 = arith.constant 0 : i32
      %dma_wait3A_344 = tpu.memref_slice %arg2[%dma_wait3A_342, %dma_wait3A_343] : memref<320000x80xf32, #tpu.memory_space<hbm>> -> memref<320000x80xf32, #tpu.memory_space<hbm>>
      tpu.wait_indirect_dma semaphore(%arg20 : memref<!tpu.dma_semaphore, #tpu.memory_space<semaphore_mem>>) src(%dma_wait3A_344 : memref<320000x80xf32, #tpu.memory_space<hbm>>) dst(%dma_wait3A_338 : memref<128x80xf32, #tpu.memory_space<vmem>>)
      %dma_wait3A_345 = arith.constant 3 : i32
      %dma_wait3A_346 = arith.constant 384 : i32
      %dma_wait3A_347 = arith.constant 0 : i32
      %dma_wait3A_348 = tpu.memref_slice %arg15[%dma_wait3A_346, %dma_wait3A_347] : memref<896x16xf32, #tpu.memory_space<vmem>> -> memref<128x16xf32, #tpu.memory_space<vmem>>
      %dma_wait3A_349 = arith.constant 0 : i32
      %dma_wait3A_350 = tpu.memref_slice %arg12[%dma_wait3A_345, %dma_wait3A_349] : memref<7x128xi32, #tpu.memory_space<vmem>> -> memref<1x128xi32, #tpu.memory_space<vmem>>
      %dma_wait3A_351 = tpu.memref_squeeze %dma_wait3A_350 : memref<1x128xi32, #tpu.memory_space<vmem>> -> memref<128xi32, #tpu.memory_space<vmem>>
      %dma_wait3A_352 = arith.constant 0 : i32
      %dma_wait3A_353 = arith.constant 0 : i32
      %dma_wait3A_354 = tpu.memref_slice %arg3[%dma_wait3A_352, %dma_wait3A_353] : memref<320000x16xf32, #tpu.memory_space<hbm>> -> memref<320000x16xf32, #tpu.memory_space<hbm>>
      tpu.wait_indirect_dma semaphore(%arg20 : memref<!tpu.dma_semaphore, #tpu.memory_space<semaphore_mem>>) src(%dma_wait3A_354 : memref<320000x16xf32, #tpu.memory_space<hbm>>) dst(%dma_wait3A_348 : memref<128x16xf32, #tpu.memory_space<vmem>>)
    } else {
    }
    %gt3A_297 = arith.constant 512 : i32
    %gt3A_298 = arith.cmpi sgt, %min3A_244, %gt3A_297 : i32
    %convert_element_type3A_299 = arith.extui %gt3A_298 : i1 to i32
    %cond3A_300 = arith.constant 0 : i32
    %cond3A_301 = arith.cmpi ne, %convert_element_type3A_299, %cond3A_300 : i32
    scf.if %cond3A_301 {
      %dma_wait3A = arith.constant 4 : i32
      %dma_wait3A_336 = arith.constant 512 : i32
      %dma_wait3A_337 = arith.constant 0 : i32
      %dma_wait3A_338 = tpu.memref_slice %arg14[%dma_wait3A_336, %dma_wait3A_337] : memref<896x80xf32, #tpu.memory_space<vmem>> -> memref<128x80xf32, #tpu.memory_space<vmem>>
      %dma_wait3A_339 = arith.constant 0 : i32
      %dma_wait3A_340 = tpu.memref_slice %arg12[%dma_wait3A, %dma_wait3A_339] : memref<7x128xi32, #tpu.memory_space<vmem>> -> memref<1x128xi32, #tpu.memory_space<vmem>>
      %dma_wait3A_341 = tpu.memref_squeeze %dma_wait3A_340 : memref<1x128xi32, #tpu.memory_space<vmem>> -> memref<128xi32, #tpu.memory_space<vmem>>
      %dma_wait3A_342 = arith.constant 0 : i32
      %dma_wait3A_343 = arith.constant 0 : i32
      %dma_wait3A_344 = tpu.memref_slice %arg2[%dma_wait3A_342, %dma_wait3A_343] : memref<320000x80xf32, #tpu.memory_space<hbm>> -> memref<320000x80xf32, #tpu.memory_space<hbm>>
      tpu.wait_indirect_dma semaphore(%arg20 : memref<!tpu.dma_semaphore, #tpu.memory_space<semaphore_mem>>) src(%dma_wait3A_344 : memref<320000x80xf32, #tpu.memory_space<hbm>>) dst(%dma_wait3A_338 : memref<128x80xf32, #tpu.memory_space<vmem>>)
      %dma_wait3A_345 = arith.constant 4 : i32
      %dma_wait3A_346 = arith.constant 512 : i32
      %dma_wait3A_347 = arith.constant 0 : i32
      %dma_wait3A_348 = tpu.memref_slice %arg15[%dma_wait3A_346, %dma_wait3A_347] : memref<896x16xf32, #tpu.memory_space<vmem>> -> memref<128x16xf32, #tpu.memory_space<vmem>>
      %dma_wait3A_349 = arith.constant 0 : i32
      %dma_wait3A_350 = tpu.memref_slice %arg12[%dma_wait3A_345, %dma_wait3A_349] : memref<7x128xi32, #tpu.memory_space<vmem>> -> memref<1x128xi32, #tpu.memory_space<vmem>>
      %dma_wait3A_351 = tpu.memref_squeeze %dma_wait3A_350 : memref<1x128xi32, #tpu.memory_space<vmem>> -> memref<128xi32, #tpu.memory_space<vmem>>
      %dma_wait3A_352 = arith.constant 0 : i32
      %dma_wait3A_353 = arith.constant 0 : i32
      %dma_wait3A_354 = tpu.memref_slice %arg3[%dma_wait3A_352, %dma_wait3A_353] : memref<320000x16xf32, #tpu.memory_space<hbm>> -> memref<320000x16xf32, #tpu.memory_space<hbm>>
      tpu.wait_indirect_dma semaphore(%arg20 : memref<!tpu.dma_semaphore, #tpu.memory_space<semaphore_mem>>) src(%dma_wait3A_354 : memref<320000x16xf32, #tpu.memory_space<hbm>>) dst(%dma_wait3A_348 : memref<128x16xf32, #tpu.memory_space<vmem>>)
    } else {
    }
    %gt3A_302 = arith.constant 640 : i32
    %gt3A_303 = arith.cmpi sgt, %min3A_244, %gt3A_302 : i32
    %convert_element_type3A_304 = arith.extui %gt3A_303 : i1 to i32
    %cond3A_305 = arith.constant 0 : i32
    %cond3A_306 = arith.cmpi ne, %convert_element_type3A_304, %cond3A_305 : i32
    scf.if %cond3A_306 {
      %dma_wait3A = arith.constant 5 : i32
      %dma_wait3A_336 = arith.constant 640 : i32
      %dma_wait3A_337 = arith.constant 0 : i32
      %dma_wait3A_338 = tpu.memref_slice %arg14[%dma_wait3A_336, %dma_wait3A_337] : memref<896x80xf32, #tpu.memory_space<vmem>> -> memref<128x80xf32, #tpu.memory_space<vmem>>
      %dma_wait3A_339 = arith.constant 0 : i32
      %dma_wait3A_340 = tpu.memref_slice %arg12[%dma_wait3A, %dma_wait3A_339] : memref<7x128xi32, #tpu.memory_space<vmem>> -> memref<1x128xi32, #tpu.memory_space<vmem>>
      %dma_wait3A_341 = tpu.memref_squeeze %dma_wait3A_340 : memref<1x128xi32, #tpu.memory_space<vmem>> -> memref<128xi32, #tpu.memory_space<vmem>>
      %dma_wait3A_342 = arith.constant 0 : i32
      %dma_wait3A_343 = arith.constant 0 : i32
      %dma_wait3A_344 = tpu.memref_slice %arg2[%dma_wait3A_342, %dma_wait3A_343] : memref<320000x80xf32, #tpu.memory_space<hbm>> -> memref<320000x80xf32, #tpu.memory_space<hbm>>
      tpu.wait_indirect_dma semaphore(%arg20 : memref<!tpu.dma_semaphore, #tpu.memory_space<semaphore_mem>>) src(%dma_wait3A_344 : memref<320000x80xf32, #tpu.memory_space<hbm>>) dst(%dma_wait3A_338 : memref<128x80xf32, #tpu.memory_space<vmem>>)
      %dma_wait3A_345 = arith.constant 5 : i32
      %dma_wait3A_346 = arith.constant 640 : i32
      %dma_wait3A_347 = arith.constant 0 : i32
      %dma_wait3A_348 = tpu.memref_slice %arg15[%dma_wait3A_346, %dma_wait3A_347] : memref<896x16xf32, #tpu.memory_space<vmem>> -> memref<128x16xf32, #tpu.memory_space<vmem>>
      %dma_wait3A_349 = arith.constant 0 : i32
      %dma_wait3A_350 = tpu.memref_slice %arg12[%dma_wait3A_345, %dma_wait3A_349] : memref<7x128xi32, #tpu.memory_space<vmem>> -> memref<1x128xi32, #tpu.memory_space<vmem>>
      %dma_wait3A_351 = tpu.memref_squeeze %dma_wait3A_350 : memref<1x128xi32, #tpu.memory_space<vmem>> -> memref<128xi32, #tpu.memory_space<vmem>>
      %dma_wait3A_352 = arith.constant 0 : i32
      %dma_wait3A_353 = arith.constant 0 : i32
      %dma_wait3A_354 = tpu.memref_slice %arg3[%dma_wait3A_352, %dma_wait3A_353] : memref<320000x16xf32, #tpu.memory_space<hbm>> -> memref<320000x16xf32, #tpu.memory_space<hbm>>
      tpu.wait_indirect_dma semaphore(%arg20 : memref<!tpu.dma_semaphore, #tpu.memory_space<semaphore_mem>>) src(%dma_wait3A_354 : memref<320000x16xf32, #tpu.memory_space<hbm>>) dst(%dma_wait3A_348 : memref<128x16xf32, #tpu.memory_space<vmem>>)
    } else {
    }
    %gt3A_307 = arith.constant 768 : i32
    %gt3A_308 = arith.cmpi sgt, %min3A_244, %gt3A_307 : i32
    %convert_element_type3A_309 = arith.extui %gt3A_308 : i1 to i32
    %cond3A_310 = arith.constant 0 : i32
    %cond3A_311 = arith.cmpi ne, %convert_element_type3A_309, %cond3A_310 : i32
    scf.if %cond3A_311 {
      %dma_wait3A = arith.constant 6 : i32
      %dma_wait3A_336 = arith.constant 768 : i32
      %dma_wait3A_337 = arith.constant 0 : i32
      %dma_wait3A_338 = tpu.memref_slice %arg14[%dma_wait3A_336, %dma_wait3A_337] : memref<896x80xf32, #tpu.memory_space<vmem>> -> memref<128x80xf32, #tpu.memory_space<vmem>>
      %dma_wait3A_339 = arith.constant 0 : i32
      %dma_wait3A_340 = tpu.memref_slice %arg12[%dma_wait3A, %dma_wait3A_339] : memref<7x128xi32, #tpu.memory_space<vmem>> -> memref<1x128xi32, #tpu.memory_space<vmem>>
      %dma_wait3A_341 = tpu.memref_squeeze %dma_wait3A_340 : memref<1x128xi32, #tpu.memory_space<vmem>> -> memref<128xi32, #tpu.memory_space<vmem>>
      %dma_wait3A_342 = arith.constant 0 : i32
      %dma_wait3A_343 = arith.constant 0 : i32
      %dma_wait3A_344 = tpu.memref_slice %arg2[%dma_wait3A_342, %dma_wait3A_343] : memref<320000x80xf32, #tpu.memory_space<hbm>> -> memref<320000x80xf32, #tpu.memory_space<hbm>>
      tpu.wait_indirect_dma semaphore(%arg20 : memref<!tpu.dma_semaphore, #tpu.memory_space<semaphore_mem>>) src(%dma_wait3A_344 : memref<320000x80xf32, #tpu.memory_space<hbm>>) dst(%dma_wait3A_338 : memref<128x80xf32, #tpu.memory_space<vmem>>)
      %dma_wait3A_345 = arith.constant 6 : i32
      %dma_wait3A_346 = arith.constant 768 : i32
      %dma_wait3A_347 = arith.constant 0 : i32
      %dma_wait3A_348 = tpu.memref_slice %arg15[%dma_wait3A_346, %dma_wait3A_347] : memref<896x16xf32, #tpu.memory_space<vmem>> -> memref<128x16xf32, #tpu.memory_space<vmem>>
      %dma_wait3A_349 = arith.constant 0 : i32
      %dma_wait3A_350 = tpu.memref_slice %arg12[%dma_wait3A_345, %dma_wait3A_349] : memref<7x128xi32, #tpu.memory_space<vmem>> -> memref<1x128xi32, #tpu.memory_space<vmem>>
      %dma_wait3A_351 = tpu.memref_squeeze %dma_wait3A_350 : memref<1x128xi32, #tpu.memory_space<vmem>> -> memref<128xi32, #tpu.memory_space<vmem>>
      %dma_wait3A_352 = arith.constant 0 : i32
      %dma_wait3A_353 = arith.constant 0 : i32
      %dma_wait3A_354 = tpu.memref_slice %arg3[%dma_wait3A_352, %dma_wait3A_353] : memref<320000x16xf32, #tpu.memory_space<hbm>> -> memref<320000x16xf32, #tpu.memory_space<hbm>>
      tpu.wait_indirect_dma semaphore(%arg20 : memref<!tpu.dma_semaphore, #tpu.memory_space<semaphore_mem>>) src(%dma_wait3A_354 : memref<320000x16xf32, #tpu.memory_space<hbm>>) dst(%dma_wait3A_348 : memref<128x16xf32, #tpu.memory_space<vmem>>)
    } else {
    }
    %while3A = arith.constant 0 : i32
    %while3A_312 = arith.constant 0 : i32
    %while3A_313 = arith.subi %min3A_244, %while3A : i32
    %while3A_314 = arith.addi %while3A, %while3A_313 : i32
    %while3A_315 = arith.constant 1 : i32
    %while3A_316 = arith.divsi %while3A_313, %while3A_315 : i32
    %while3A_317 = arith.muli %while3A_316, %while3A_315 : i32
    %while3A_318 = arith.addi %while3A, %while3A_317 : i32
    %while3A_319 = arith.constant 1 : i32
    %while3A_320 = scf.for %while3A_336 = %while3A to %while3A_318 step %while3A_319 iter_args(%while3A_337 = %while3A_312) -> (i32)  : i32 {
      %broadcast_in_dim3A_338 = vector.broadcast %while3A_336 : i32 to vector<16xi32>
      %gather3A = tpu.vector_load_idx %arg13[%broadcast_in_dim3A_338] : memref<896xi32, #tpu.memory_space<vmem>>[vector<16xi32>], vector<16xi32>,
      %mul3A_339 = arith.constant 20000 : i32
      %mul3A_340 = arith.muli %arg1, %mul3A_339 : i32
      %broadcast_in_dim3A_341 = vector.broadcast %mul3A_340 : i32 to vector<16xi32>
      %sub3A = arith.subi %gather3A, %broadcast_in_dim3A_341 : vector<16xi32>
      %get3A_342 = arith.index_cast %while3A_336 : i32 to index
      %get3A_343 = arith.constant 0 : index
      %get3A_344 = tpu.vector_load %arg14[%get3A_342, %get3A_343] {strides = array<i32>} : memref<896x80xf32, #tpu.memory_space<vmem>>, vector<16xf32>,
      %ge3A = arith.cmpf oge, %get3A_344, %get3A_8 : vector<16xf32>
      %convert_element_type3A_345 = arith.extui %ge3A : vector<16xi1> to vector<16xi32>
      %reduce_sum3A = arith.constant true
      %reduce_sum3A_346 = vector.broadcast %reduce_sum3A : i1 to vector<16xi1>
      %reduce_sum3A_347 = tpu.scan <sum>, %convert_element_type3A_345 masked %reduce_sum3A_346 : vector<16xi32>, vector<16xi1> -> vector<16xi32>
      %reduce_sum3A_348 = vector.extract %reduce_sum3A_347[15] : i32 from vector<16xi32>
      %gt3A_349 = arith.constant 0 : i32
      %gt3A_350 = arith.cmpi sgt, %reduce_sum3A_348, %gt3A_349 : i32
      %convert_element_type3A_351 = arith.extui %gt3A_350 : i1 to i32
      %cond3A_352 = arith.constant 0 : i32
      %cond3A_353 = arith.cmpi ne, %convert_element_type3A_351, %cond3A_352 : i32
      scf.if %cond3A_353 {
        %sub3A_415 = arith.constant 1 : i32
        %sub3A_416 = arith.subi %while3A_337, %sub3A_415 : i32
        %broadcast_in_dim3A_417 = vector.broadcast %sub3A_416 : i32 to vector<16xi32>
        %broadcast_in_dim3A_418 = arith.constant true
        %broadcast_in_dim3A_419 = vector.broadcast %broadcast_in_dim3A_418 : i1 to vector<16xi1>
        %masked_cumsum3A = tpu.scan <sum>, %convert_element_type3A_345 masked %broadcast_in_dim3A_419 : vector<16xi32>, vector<16xi1> -> vector<16xi32>
        %add3A_420 = arith.addi %broadcast_in_dim3A_417, %masked_cumsum3A : vector<16xi32>
        %broadcast_in_dim3A_421 = arith.constant 511 : i32
        %broadcast_in_dim3A_422 = vector.broadcast %broadcast_in_dim3A_421 : i32 to vector<16xi32>
        %min3A_423 = arith.minsi %add3A_420, %broadcast_in_dim3A_422 : vector<16xi32>
        %broadcast_in_dim3A_424 = arith.constant 80 : i32
        %broadcast_in_dim3A_425 = vector.broadcast %broadcast_in_dim3A_424 : i32 to vector<16xi32>
        %mul3A_426 = arith.muli %sub3A, %broadcast_in_dim3A_425 : vector<16xi32>
        %broadcast_in_dim3A_427 = arith.constant 0 : i32
        %broadcast_in_dim3A_428 = vector.broadcast %broadcast_in_dim3A_427 : i32 to vector<16xi32>
        %add3A_429 = arith.addi %broadcast_in_dim3A_428, %iota3A : vector<16xi32>
        %add3A_430 = arith.addi %mul3A_426, %add3A_429 : vector<16xi32>
        tpu.vector_store_idx %arg16[%min3A_423], %get3A_344 masked %ge3A : memref<512xf32, #tpu.memory_space<vmem>>[vector<16xi32>], vector<16xf32>, vector<16xi1>
        tpu.vector_store_idx %arg17[%min3A_423], %add3A_430 masked %ge3A : memref<512xi32, #tpu.memory_space<vmem>>[vector<16xi32>], vector<16xi32>, vector<16xi1>
        %broadcast_in_dim3A_431 = arith.constant 0 : i32
        %broadcast_in_dim3A_432 = vector.broadcast %broadcast_in_dim3A_431 : i32 to vector<16xi32>
        %gather3A_433 = tpu.vector_load_idx %arg15[%broadcast_in_dim3A_338, %broadcast_in_dim3A_432] : memref<896x16xf32, #tpu.memory_space<vmem>>[vector<16xi32>, vector<16xi32>], vector<16xf32>,
        tpu.vector_store_idx %arg18[%min3A_423, %broadcast_in_dim3A_432], %gather3A_433 masked %ge3A : memref<512x4xf32, #tpu.memory_space<vmem>>[vector<16xi32>, vector<16xi32>], vector<16xf32>, vector<16xi1>
        %broadcast_in_dim3A_434 = arith.constant 1 : i32
        %broadcast_in_dim3A_435 = vector.broadcast %broadcast_in_dim3A_434 : i32 to vector<16xi32>
        %gather3A_436 = tpu.vector_load_idx %arg15[%broadcast_in_dim3A_338, %broadcast_in_dim3A_435] : memref<896x16xf32, #tpu.memory_space<vmem>>[vector<16xi32>, vector<16xi32>], vector<16xf32>,
        tpu.vector_store_idx %arg18[%min3A_423, %broadcast_in_dim3A_435], %gather3A_436 masked %ge3A : memref<512x4xf32, #tpu.memory_space<vmem>>[vector<16xi32>, vector<16xi32>], vector<16xf32>, vector<16xi1>
        %broadcast_in_dim3A_437 = arith.constant 2 : i32
        %broadcast_in_dim3A_438 = vector.broadcast %broadcast_in_dim3A_437 : i32 to vector<16xi32>
        %gather3A_439 = tpu.vector_load_idx %arg15[%broadcast_in_dim3A_338, %broadcast_in_dim3A_438] : memref<896x16xf32, #tpu.memory_space<vmem>>[vector<16xi32>, vector<16xi32>], vector<16xf32>,
        tpu.vector_store_idx %arg18[%min3A_423, %broadcast_in_dim3A_438], %gather3A_439 masked %ge3A : memref<512x4xf32, #tpu.memory_space<vmem>>[vector<16xi32>, vector<16xi32>], vector<16xf32>, vector<16xi1>
        %broadcast_in_dim3A_440 = arith.constant 3 : i32
        %broadcast_in_dim3A_441 = vector.broadcast %broadcast_in_dim3A_440 : i32 to vector<16xi32>
        %gather3A_442 = tpu.vector_load_idx %arg15[%broadcast_in_dim3A_338, %broadcast_in_dim3A_441] : memref<896x16xf32, #tpu.memory_space<vmem>>[vector<16xi32>, vector<16xi32>], vector<16xf32>,
        tpu.vector_store_idx %arg18[%min3A_423, %broadcast_in_dim3A_441], %gather3A_442 masked %ge3A : memref<512x4xf32, #tpu.memory_space<vmem>>[vector<16xi32>, vector<16xi32>], vector<16xf32>, vector<16xi1>
      } else {
      }
      %add3A_354 = arith.addi %while3A_337, %reduce_sum3A_348 : i32
      %get3A_355 = arith.index_cast %while3A_336 : i32 to index
      %get3A_356 = arith.constant 16 : index
      %get3A_357 = tpu.vector_load %arg14[%get3A_355, %get3A_356] {strides = array<i32>} : memref<896x80xf32, #tpu.memory_space<vmem>>, vector<16xf32>,
      %ge3A_358 = arith.cmpf oge, %get3A_357, %get3A_8 : vector<16xf32>
      %convert_element_type3A_359 = arith.extui %ge3A_358 : vector<16xi1> to vector<16xi32>
      %reduce_sum3A_360 = arith.constant true
      %reduce_sum3A_361 = vector.broadcast %reduce_sum3A_360 : i1 to vector<16xi1>
      %reduce_sum3A_362 = tpu.scan <sum>, %convert_element_type3A_359 masked %reduce_sum3A_361 : vector<16xi32>, vector<16xi1> -> vector<16xi32>
      %reduce_sum3A_363 = vector.extract %reduce_sum3A_362[15] : i32 from vector<16xi32>
      %gt3A_364 = arith.constant 0 : i32
      %gt3A_365 = arith.cmpi sgt, %reduce_sum3A_363, %gt3A_364 : i32
      %convert_element_type3A_366 = arith.extui %gt3A_365 : i1 to i32
      %cond3A_367 = arith.constant 0 : i32
      %cond3A_368 = arith.cmpi ne, %convert_element_type3A_366, %cond3A_367 : i32
      scf.if %cond3A_368 {
        %sub3A_415 = arith.constant 1 : i32
        %sub3A_416 = arith.subi %add3A_354, %sub3A_415 : i32
        %broadcast_in_dim3A_417 = vector.broadcast %sub3A_416 : i32 to vector<16xi32>
        %broadcast_in_dim3A_418 = arith.constant true
        %broadcast_in_dim3A_419 = vector.broadcast %broadcast_in_dim3A_418 : i1 to vector<16xi1>
        %masked_cumsum3A = tpu.scan <sum>, %convert_element_type3A_359 masked %broadcast_in_dim3A_419 : vector<16xi32>, vector<16xi1> -> vector<16xi32>
        %add3A_420 = arith.addi %broadcast_in_dim3A_417, %masked_cumsum3A : vector<16xi32>
        %broadcast_in_dim3A_421 = arith.constant 511 : i32
        %broadcast_in_dim3A_422 = vector.broadcast %broadcast_in_dim3A_421 : i32 to vector<16xi32>
        %min3A_423 = arith.minsi %add3A_420, %broadcast_in_dim3A_422 : vector<16xi32>
        %broadcast_in_dim3A_424 = arith.constant 80 : i32
        %broadcast_in_dim3A_425 = vector.broadcast %broadcast_in_dim3A_424 : i32 to vector<16xi32>
        %mul3A_426 = arith.muli %sub3A, %broadcast_in_dim3A_425 : vector<16xi32>
        %broadcast_in_dim3A_427 = arith.constant 16 : i32
        %broadcast_in_dim3A_428 = vector.broadcast %broadcast_in_dim3A_427 : i32 to vector<16xi32>
        %add3A_429 = arith.addi %broadcast_in_dim3A_428, %iota3A : vector<16xi32>
        %add3A_430 = arith.addi %mul3A_426, %add3A_429 : vector<16xi32>
        tpu.vector_store_idx %arg16[%min3A_423], %get3A_357 masked %ge3A_358 : memref<512xf32, #tpu.memory_space<vmem>>[vector<16xi32>], vector<16xf32>, vector<16xi1>
        tpu.vector_store_idx %arg17[%min3A_423], %add3A_430 masked %ge3A_358 : memref<512xi32, #tpu.memory_space<vmem>>[vector<16xi32>], vector<16xi32>, vector<16xi1>
        %broadcast_in_dim3A_431 = arith.constant 0 : i32
        %broadcast_in_dim3A_432 = vector.broadcast %broadcast_in_dim3A_431 : i32 to vector<16xi32>
        %gather3A_433 = tpu.vector_load_idx %arg15[%broadcast_in_dim3A_338, %broadcast_in_dim3A_432] : memref<896x16xf32, #tpu.memory_space<vmem>>[vector<16xi32>, vector<16xi32>], vector<16xf32>,
        tpu.vector_store_idx %arg18[%min3A_423, %broadcast_in_dim3A_432], %gather3A_433 masked %ge3A_358 : memref<512x4xf32, #tpu.memory_space<vmem>>[vector<16xi32>, vector<16xi32>], vector<16xf32>, vector<16xi1>
        %broadcast_in_dim3A_434 = arith.constant 1 : i32
        %broadcast_in_dim3A_435 = vector.broadcast %broadcast_in_dim3A_434 : i32 to vector<16xi32>
        %gather3A_436 = tpu.vector_load_idx %arg15[%broadcast_in_dim3A_338, %broadcast_in_dim3A_435] : memref<896x16xf32, #tpu.memory_space<vmem>>[vector<16xi32>, vector<16xi32>], vector<16xf32>,
        tpu.vector_store_idx %arg18[%min3A_423, %broadcast_in_dim3A_435], %gather3A_436 masked %ge3A_358 : memref<512x4xf32, #tpu.memory_space<vmem>>[vector<16xi32>, vector<16xi32>], vector<16xf32>, vector<16xi1>
        %broadcast_in_dim3A_437 = arith.constant 2 : i32
        %broadcast_in_dim3A_438 = vector.broadcast %broadcast_in_dim3A_437 : i32 to vector<16xi32>
        %gather3A_439 = tpu.vector_load_idx %arg15[%broadcast_in_dim3A_338, %broadcast_in_dim3A_438] : memref<896x16xf32, #tpu.memory_space<vmem>>[vector<16xi32>, vector<16xi32>], vector<16xf32>,
        tpu.vector_store_idx %arg18[%min3A_423, %broadcast_in_dim3A_438], %gather3A_439 masked %ge3A_358 : memref<512x4xf32, #tpu.memory_space<vmem>>[vector<16xi32>, vector<16xi32>], vector<16xf32>, vector<16xi1>
        %broadcast_in_dim3A_440 = arith.constant 3 : i32
        %broadcast_in_dim3A_441 = vector.broadcast %broadcast_in_dim3A_440 : i32 to vector<16xi32>
        %gather3A_442 = tpu.vector_load_idx %arg15[%broadcast_in_dim3A_338, %broadcast_in_dim3A_441] : memref<896x16xf32, #tpu.memory_space<vmem>>[vector<16xi32>, vector<16xi32>], vector<16xf32>,
        tpu.vector_store_idx %arg18[%min3A_423, %broadcast_in_dim3A_441], %gather3A_442 masked %ge3A_358 : memref<512x4xf32, #tpu.memory_space<vmem>>[vector<16xi32>, vector<16xi32>], vector<16xf32>, vector<16xi1>
      } else {
      }
      %add3A_369 = arith.addi %add3A_354, %reduce_sum3A_363 : i32
      %get3A_370 = arith.index_cast %while3A_336 : i32 to index
      %get3A_371 = arith.constant 32 : index
      %get3A_372 = tpu.vector_load %arg14[%get3A_370, %get3A_371] {strides = array<i32>} : memref<896x80xf32, #tpu.memory_space<vmem>>, vector<16xf32>,
      %ge3A_373 = arith.cmpf oge, %get3A_372, %get3A_8 : vector<16xf32>
      %convert_element_type3A_374 = arith.extui %ge3A_373 : vector<16xi1> to vector<16xi32>
      %reduce_sum3A_375 = arith.constant true
      %reduce_sum3A_376 = vector.broadcast %reduce_sum3A_375 : i1 to vector<16xi1>
      %reduce_sum3A_377 = tpu.scan <sum>, %convert_element_type3A_374 masked %reduce_sum3A_376 : vector<16xi32>, vector<16xi1> -> vector<16xi32>
      %reduce_sum3A_378 = vector.extract %reduce_sum3A_377[15] : i32 from vector<16xi32>
      %gt3A_379 = arith.constant 0 : i32
      %gt3A_380 = arith.cmpi sgt, %reduce_sum3A_378, %gt3A_379 : i32
      %convert_element_type3A_381 = arith.extui %gt3A_380 : i1 to i32
      %cond3A_382 = arith.constant 0 : i32
      %cond3A_383 = arith.cmpi ne, %convert_element_type3A_381, %cond3A_382 : i32
      scf.if %cond3A_383 {
        %sub3A_415 = arith.constant 1 : i32
        %sub3A_416 = arith.subi %add3A_369, %sub3A_415 : i32
        %broadcast_in_dim3A_417 = vector.broadcast %sub3A_416 : i32 to vector<16xi32>
        %broadcast_in_dim3A_418 = arith.constant true
        %broadcast_in_dim3A_419 = vector.broadcast %broadcast_in_dim3A_418 : i1 to vector<16xi1>
        %masked_cumsum3A = tpu.scan <sum>, %convert_element_type3A_374 masked %broadcast_in_dim3A_419 : vector<16xi32>, vector<16xi1> -> vector<16xi32>
        %add3A_420 = arith.addi %broadcast_in_dim3A_417, %masked_cumsum3A : vector<16xi32>
        %broadcast_in_dim3A_421 = arith.constant 511 : i32
        %broadcast_in_dim3A_422 = vector.broadcast %broadcast_in_dim3A_421 : i32 to vector<16xi32>
        %min3A_423 = arith.minsi %add3A_420, %broadcast_in_dim3A_422 : vector<16xi32>
        %broadcast_in_dim3A_424 = arith.constant 80 : i32
        %broadcast_in_dim3A_425 = vector.broadcast %broadcast_in_dim3A_424 : i32 to vector<16xi32>
        %mul3A_426 = arith.muli %sub3A, %broadcast_in_dim3A_425 : vector<16xi32>
        %broadcast_in_dim3A_427 = arith.constant 32 : i32
        %broadcast_in_dim3A_428 = vector.broadcast %broadcast_in_dim3A_427 : i32 to vector<16xi32>
        %add3A_429 = arith.addi %broadcast_in_dim3A_428, %iota3A : vector<16xi32>
        %add3A_430 = arith.addi %mul3A_426, %add3A_429 : vector<16xi32>
        tpu.vector_store_idx %arg16[%min3A_423], %get3A_372 masked %ge3A_373 : memref<512xf32, #tpu.memory_space<vmem>>[vector<16xi32>], vector<16xf32>, vector<16xi1>
        tpu.vector_store_idx %arg17[%min3A_423], %add3A_430 masked %ge3A_373 : memref<512xi32, #tpu.memory_space<vmem>>[vector<16xi32>], vector<16xi32>, vector<16xi1>
        %broadcast_in_dim3A_431 = arith.constant 0 : i32
        %broadcast_in_dim3A_432 = vector.broadcast %broadcast_in_dim3A_431 : i32 to vector<16xi32>
        %gather3A_433 = tpu.vector_load_idx %arg15[%broadcast_in_dim3A_338, %broadcast_in_dim3A_432] : memref<896x16xf32, #tpu.memory_space<vmem>>[vector<16xi32>, vector<16xi32>], vector<16xf32>,
        tpu.vector_store_idx %arg18[%min3A_423, %broadcast_in_dim3A_432], %gather3A_433 masked %ge3A_373 : memref<512x4xf32, #tpu.memory_space<vmem>>[vector<16xi32>, vector<16xi32>], vector<16xf32>, vector<16xi1>
        %broadcast_in_dim3A_434 = arith.constant 1 : i32
        %broadcast_in_dim3A_435 = vector.broadcast %broadcast_in_dim3A_434 : i32 to vector<16xi32>
        %gather3A_436 = tpu.vector_load_idx %arg15[%broadcast_in_dim3A_338, %broadcast_in_dim3A_435] : memref<896x16xf32, #tpu.memory_space<vmem>>[vector<16xi32>, vector<16xi32>], vector<16xf32>,
        tpu.vector_store_idx %arg18[%min3A_423, %broadcast_in_dim3A_435], %gather3A_436 masked %ge3A_373 : memref<512x4xf32, #tpu.memory_space<vmem>>[vector<16xi32>, vector<16xi32>], vector<16xf32>, vector<16xi1>
        %broadcast_in_dim3A_437 = arith.constant 2 : i32
        %broadcast_in_dim3A_438 = vector.broadcast %broadcast_in_dim3A_437 : i32 to vector<16xi32>
        %gather3A_439 = tpu.vector_load_idx %arg15[%broadcast_in_dim3A_338, %broadcast_in_dim3A_438] : memref<896x16xf32, #tpu.memory_space<vmem>>[vector<16xi32>, vector<16xi32>], vector<16xf32>,
        tpu.vector_store_idx %arg18[%min3A_423, %broadcast_in_dim3A_438], %gather3A_439 masked %ge3A_373 : memref<512x4xf32, #tpu.memory_space<vmem>>[vector<16xi32>, vector<16xi32>], vector<16xf32>, vector<16xi1>
        %broadcast_in_dim3A_440 = arith.constant 3 : i32
        %broadcast_in_dim3A_441 = vector.broadcast %broadcast_in_dim3A_440 : i32 to vector<16xi32>
        %gather3A_442 = tpu.vector_load_idx %arg15[%broadcast_in_dim3A_338, %broadcast_in_dim3A_441] : memref<896x16xf32, #tpu.memory_space<vmem>>[vector<16xi32>, vector<16xi32>], vector<16xf32>,
        tpu.vector_store_idx %arg18[%min3A_423, %broadcast_in_dim3A_441], %gather3A_442 masked %ge3A_373 : memref<512x4xf32, #tpu.memory_space<vmem>>[vector<16xi32>, vector<16xi32>], vector<16xf32>, vector<16xi1>
      } else {
      }
      %add3A_384 = arith.addi %add3A_369, %reduce_sum3A_378 : i32
      %get3A_385 = arith.index_cast %while3A_336 : i32 to index
      %get3A_386 = arith.constant 48 : index
      %get3A_387 = tpu.vector_load %arg14[%get3A_385, %get3A_386] {strides = array<i32>} : memref<896x80xf32, #tpu.memory_space<vmem>>, vector<16xf32>,
      %ge3A_388 = arith.cmpf oge, %get3A_387, %get3A_8 : vector<16xf32>
      %convert_element_type3A_389 = arith.extui %ge3A_388 : vector<16xi1> to vector<16xi32>
      %reduce_sum3A_390 = arith.constant true
      %reduce_sum3A_391 = vector.broadcast %reduce_sum3A_390 : i1 to vector<16xi1>
      %reduce_sum3A_392 = tpu.scan <sum>, %convert_element_type3A_389 masked %reduce_sum3A_391 : vector<16xi32>, vector<16xi1> -> vector<16xi32>
      %reduce_sum3A_393 = vector.extract %reduce_sum3A_392[15] : i32 from vector<16xi32>
      %gt3A_394 = arith.constant 0 : i32
      %gt3A_395 = arith.cmpi sgt, %reduce_sum3A_393, %gt3A_394 : i32
      %convert_element_type3A_396 = arith.extui %gt3A_395 : i1 to i32
      %cond3A_397 = arith.constant 0 : i32
      %cond3A_398 = arith.cmpi ne, %convert_element_type3A_396, %cond3A_397 : i32
      scf.if %cond3A_398 {
        %sub3A_415 = arith.constant 1 : i32
        %sub3A_416 = arith.subi %add3A_384, %sub3A_415 : i32
        %broadcast_in_dim3A_417 = vector.broadcast %sub3A_416 : i32 to vector<16xi32>
        %broadcast_in_dim3A_418 = arith.constant true
        %broadcast_in_dim3A_419 = vector.broadcast %broadcast_in_dim3A_418 : i1 to vector<16xi1>
        %masked_cumsum3A = tpu.scan <sum>, %convert_element_type3A_389 masked %broadcast_in_dim3A_419 : vector<16xi32>, vector<16xi1> -> vector<16xi32>
        %add3A_420 = arith.addi %broadcast_in_dim3A_417, %masked_cumsum3A : vector<16xi32>
        %broadcast_in_dim3A_421 = arith.constant 511 : i32
        %broadcast_in_dim3A_422 = vector.broadcast %broadcast_in_dim3A_421 : i32 to vector<16xi32>
        %min3A_423 = arith.minsi %add3A_420, %broadcast_in_dim3A_422 : vector<16xi32>
        %broadcast_in_dim3A_424 = arith.constant 80 : i32
        %broadcast_in_dim3A_425 = vector.broadcast %broadcast_in_dim3A_424 : i32 to vector<16xi32>
        %mul3A_426 = arith.muli %sub3A, %broadcast_in_dim3A_425 : vector<16xi32>
        %broadcast_in_dim3A_427 = arith.constant 48 : i32
        %broadcast_in_dim3A_428 = vector.broadcast %broadcast_in_dim3A_427 : i32 to vector<16xi32>
        %add3A_429 = arith.addi %broadcast_in_dim3A_428, %iota3A : vector<16xi32>
        %add3A_430 = arith.addi %mul3A_426, %add3A_429 : vector<16xi32>
        tpu.vector_store_idx %arg16[%min3A_423], %get3A_387 masked %ge3A_388 : memref<512xf32, #tpu.memory_space<vmem>>[vector<16xi32>], vector<16xf32>, vector<16xi1>
        tpu.vector_store_idx %arg17[%min3A_423], %add3A_430 masked %ge3A_388 : memref<512xi32, #tpu.memory_space<vmem>>[vector<16xi32>], vector<16xi32>, vector<16xi1>
        %broadcast_in_dim3A_431 = arith.constant 0 : i32
        %broadcast_in_dim3A_432 = vector.broadcast %broadcast_in_dim3A_431 : i32 to vector<16xi32>
        %gather3A_433 = tpu.vector_load_idx %arg15[%broadcast_in_dim3A_338, %broadcast_in_dim3A_432] : memref<896x16xf32, #tpu.memory_space<vmem>>[vector<16xi32>, vector<16xi32>], vector<16xf32>,
        tpu.vector_store_idx %arg18[%min3A_423, %broadcast_in_dim3A_432], %gather3A_433 masked %ge3A_388 : memref<512x4xf32, #tpu.memory_space<vmem>>[vector<16xi32>, vector<16xi32>], vector<16xf32>, vector<16xi1>
        %broadcast_in_dim3A_434 = arith.constant 1 : i32
        %broadcast_in_dim3A_435 = vector.broadcast %broadcast_in_dim3A_434 : i32 to vector<16xi32>
        %gather3A_436 = tpu.vector_load_idx %arg15[%broadcast_in_dim3A_338, %broadcast_in_dim3A_435] : memref<896x16xf32, #tpu.memory_space<vmem>>[vector<16xi32>, vector<16xi32>], vector<16xf32>,
        tpu.vector_store_idx %arg18[%min3A_423, %broadcast_in_dim3A_435], %gather3A_436 masked %ge3A_388 : memref<512x4xf32, #tpu.memory_space<vmem>>[vector<16xi32>, vector<16xi32>], vector<16xf32>, vector<16xi1>
        %broadcast_in_dim3A_437 = arith.constant 2 : i32
        %broadcast_in_dim3A_438 = vector.broadcast %broadcast_in_dim3A_437 : i32 to vector<16xi32>
        %gather3A_439 = tpu.vector_load_idx %arg15[%broadcast_in_dim3A_338, %broadcast_in_dim3A_438] : memref<896x16xf32, #tpu.memory_space<vmem>>[vector<16xi32>, vector<16xi32>], vector<16xf32>,
        tpu.vector_store_idx %arg18[%min3A_423, %broadcast_in_dim3A_438], %gather3A_439 masked %ge3A_388 : memref<512x4xf32, #tpu.memory_space<vmem>>[vector<16xi32>, vector<16xi32>], vector<16xf32>, vector<16xi1>
        %broadcast_in_dim3A_440 = arith.constant 3 : i32
        %broadcast_in_dim3A_441 = vector.broadcast %broadcast_in_dim3A_440 : i32 to vector<16xi32>
        %gather3A_442 = tpu.vector_load_idx %arg15[%broadcast_in_dim3A_338, %broadcast_in_dim3A_441] : memref<896x16xf32, #tpu.memory_space<vmem>>[vector<16xi32>, vector<16xi32>], vector<16xf32>,
        tpu.vector_store_idx %arg18[%min3A_423, %broadcast_in_dim3A_441], %gather3A_442 masked %ge3A_388 : memref<512x4xf32, #tpu.memory_space<vmem>>[vector<16xi32>, vector<16xi32>], vector<16xf32>, vector<16xi1>
      } else {
      }
      %add3A_399 = arith.addi %add3A_384, %reduce_sum3A_393 : i32
      %get3A_400 = arith.index_cast %while3A_336 : i32 to index
      %get3A_401 = arith.constant 64 : index
      %get3A_402 = tpu.vector_load %arg14[%get3A_400, %get3A_401] {strides = array<i32>} : memref<896x80xf32, #tpu.memory_space<vmem>>, vector<16xf32>,
      %ge3A_403 = arith.cmpf oge, %get3A_402, %get3A_8 : vector<16xf32>
      %convert_element_type3A_404 = arith.extui %ge3A_403 : vector<16xi1> to vector<16xi32>
      %reduce_sum3A_405 = arith.constant true
      %reduce_sum3A_406 = vector.broadcast %reduce_sum3A_405 : i1 to vector<16xi1>
      %reduce_sum3A_407 = tpu.scan <sum>, %convert_element_type3A_404 masked %reduce_sum3A_406 : vector<16xi32>, vector<16xi1> -> vector<16xi32>
      %reduce_sum3A_408 = vector.extract %reduce_sum3A_407[15] : i32 from vector<16xi32>
      %gt3A_409 = arith.constant 0 : i32
      %gt3A_410 = arith.cmpi sgt, %reduce_sum3A_408, %gt3A_409 : i32
      %convert_element_type3A_411 = arith.extui %gt3A_410 : i1 to i32
      %cond3A_412 = arith.constant 0 : i32
      %cond3A_413 = arith.cmpi ne, %convert_element_type3A_411, %cond3A_412 : i32
      scf.if %cond3A_413 {
        %sub3A_415 = arith.constant 1 : i32
        %sub3A_416 = arith.subi %add3A_399, %sub3A_415 : i32
        %broadcast_in_dim3A_417 = vector.broadcast %sub3A_416 : i32 to vector<16xi32>
        %broadcast_in_dim3A_418 = arith.constant true
        %broadcast_in_dim3A_419 = vector.broadcast %broadcast_in_dim3A_418 : i1 to vector<16xi1>
        %masked_cumsum3A = tpu.scan <sum>, %convert_element_type3A_404 masked %broadcast_in_dim3A_419 : vector<16xi32>, vector<16xi1> -> vector<16xi32>
        %add3A_420 = arith.addi %broadcast_in_dim3A_417, %masked_cumsum3A : vector<16xi32>
        %broadcast_in_dim3A_421 = arith.constant 511 : i32
        %broadcast_in_dim3A_422 = vector.broadcast %broadcast_in_dim3A_421 : i32 to vector<16xi32>
        %min3A_423 = arith.minsi %add3A_420, %broadcast_in_dim3A_422 : vector<16xi32>
        %broadcast_in_dim3A_424 = arith.constant 80 : i32
        %broadcast_in_dim3A_425 = vector.broadcast %broadcast_in_dim3A_424 : i32 to vector<16xi32>
        %mul3A_426 = arith.muli %sub3A, %broadcast_in_dim3A_425 : vector<16xi32>
        %broadcast_in_dim3A_427 = arith.constant 64 : i32
        %broadcast_in_dim3A_428 = vector.broadcast %broadcast_in_dim3A_427 : i32 to vector<16xi32>
        %add3A_429 = arith.addi %broadcast_in_dim3A_428, %iota3A : vector<16xi32>
        %add3A_430 = arith.addi %mul3A_426, %add3A_429 : vector<16xi32>
        tpu.vector_store_idx %arg16[%min3A_423], %get3A_402 masked %ge3A_403 : memref<512xf32, #tpu.memory_space<vmem>>[vector<16xi32>], vector<16xf32>, vector<16xi1>
        tpu.vector_store_idx %arg17[%min3A_423], %add3A_430 masked %ge3A_403 : memref<512xi32, #tpu.memory_space<vmem>>[vector<16xi32>], vector<16xi32>, vector<16xi1>
        %broadcast_in_dim3A_431 = arith.constant 0 : i32
        %broadcast_in_dim3A_432 = vector.broadcast %broadcast_in_dim3A_431 : i32 to vector<16xi32>
        %gather3A_433 = tpu.vector_load_idx %arg15[%broadcast_in_dim3A_338, %broadcast_in_dim3A_432] : memref<896x16xf32, #tpu.memory_space<vmem>>[vector<16xi32>, vector<16xi32>], vector<16xf32>,
        tpu.vector_store_idx %arg18[%min3A_423, %broadcast_in_dim3A_432], %gather3A_433 masked %ge3A_403 : memref<512x4xf32, #tpu.memory_space<vmem>>[vector<16xi32>, vector<16xi32>], vector<16xf32>, vector<16xi1>
        %broadcast_in_dim3A_434 = arith.constant 1 : i32
        %broadcast_in_dim3A_435 = vector.broadcast %broadcast_in_dim3A_434 : i32 to vector<16xi32>
        %gather3A_436 = tpu.vector_load_idx %arg15[%broadcast_in_dim3A_338, %broadcast_in_dim3A_435] : memref<896x16xf32, #tpu.memory_space<vmem>>[vector<16xi32>, vector<16xi32>], vector<16xf32>,
        tpu.vector_store_idx %arg18[%min3A_423, %broadcast_in_dim3A_435], %gather3A_436 masked %ge3A_403 : memref<512x4xf32, #tpu.memory_space<vmem>>[vector<16xi32>, vector<16xi32>], vector<16xf32>, vector<16xi1>
        %broadcast_in_dim3A_437 = arith.constant 2 : i32
        %broadcast_in_dim3A_438 = vector.broadcast %broadcast_in_dim3A_437 : i32 to vector<16xi32>
        %gather3A_439 = tpu.vector_load_idx %arg15[%broadcast_in_dim3A_338, %broadcast_in_dim3A_438] : memref<896x16xf32, #tpu.memory_space<vmem>>[vector<16xi32>, vector<16xi32>], vector<16xf32>,
        tpu.vector_store_idx %arg18[%min3A_423, %broadcast_in_dim3A_438], %gather3A_439 masked %ge3A_403 : memref<512x4xf32, #tpu.memory_space<vmem>>[vector<16xi32>, vector<16xi32>], vector<16xf32>, vector<16xi1>
        %broadcast_in_dim3A_440 = arith.constant 3 : i32
        %broadcast_in_dim3A_441 = vector.broadcast %broadcast_in_dim3A_440 : i32 to vector<16xi32>
        %gather3A_442 = tpu.vector_load_idx %arg15[%broadcast_in_dim3A_338, %broadcast_in_dim3A_441] : memref<896x16xf32, #tpu.memory_space<vmem>>[vector<16xi32>, vector<16xi32>], vector<16xf32>,
        tpu.vector_store_idx %arg18[%min3A_423, %broadcast_in_dim3A_441], %gather3A_442 masked %ge3A_403 : memref<512x4xf32, #tpu.memory_space<vmem>>[vector<16xi32>, vector<16xi32>], vector<16xf32>, vector<16xi1>
      } else {
      }
      %add3A_414 = arith.addi %add3A_399, %reduce_sum3A_408 : i32
      scf.yield %add3A_414 : i32
    }
    %while3A_321 = arith.constant 1 : i32
    %while3A_322 = scf.for %while3A_336 = %while3A_318 to %while3A_314 step %while3A_321 iter_args(%while3A_337 = %while3A_320) -> (i32)  : i32 {
      %broadcast_in_dim3A_338 = vector.broadcast %while3A_336 : i32 to vector<16xi32>
      %gather3A = tpu.vector_load_idx %arg13[%broadcast_in_dim3A_338] : memref<896xi32, #tpu.memory_space<vmem>>[vector<16xi32>], vector<16xi32>,
      %mul3A_339 = arith.constant 20000 : i32
      %mul3A_340 = arith.muli %arg1, %mul3A_339 : i32
      %broadcast_in_dim3A_341 = vector.broadcast %mul3A_340 : i32 to vector<16xi32>
      %sub3A = arith.subi %gather3A, %broadcast_in_dim3A_341 : vector<16xi32>
      %get3A_342 = arith.index_cast %while3A_336 : i32 to index
      %get3A_343 = arith.constant 0 : index
      %get3A_344 = tpu.vector_load %arg14[%get3A_342, %get3A_343] {strides = array<i32>} : memref<896x80xf32, #tpu.memory_space<vmem>>, vector<16xf32>,
      %ge3A = arith.cmpf oge, %get3A_344, %get3A_8 : vector<16xf32>
      %convert_element_type3A_345 = arith.extui %ge3A : vector<16xi1> to vector<16xi32>
      %reduce_sum3A = arith.constant true
      %reduce_sum3A_346 = vector.broadcast %reduce_sum3A : i1 to vector<16xi1>
      %reduce_sum3A_347 = tpu.scan <sum>, %convert_element_type3A_345 masked %reduce_sum3A_346 : vector<16xi32>, vector<16xi1> -> vector<16xi32>
      %reduce_sum3A_348 = vector.extract %reduce_sum3A_347[15] : i32 from vector<16xi32>
      %gt3A_349 = arith.constant 0 : i32
      %gt3A_350 = arith.cmpi sgt, %reduce_sum3A_348, %gt3A_349 : i32
      %convert_element_type3A_351 = arith.extui %gt3A_350 : i1 to i32
      %cond3A_352 = arith.constant 0 : i32
      %cond3A_353 = arith.cmpi ne, %convert_element_type3A_351, %cond3A_352 : i32
      scf.if %cond3A_353 {
        %sub3A_415 = arith.constant 1 : i32
        %sub3A_416 = arith.subi %while3A_337, %sub3A_415 : i32
        %broadcast_in_dim3A_417 = vector.broadcast %sub3A_416 : i32 to vector<16xi32>
        %broadcast_in_dim3A_418 = arith.constant true
        %broadcast_in_dim3A_419 = vector.broadcast %broadcast_in_dim3A_418 : i1 to vector<16xi1>
        %masked_cumsum3A = tpu.scan <sum>, %convert_element_type3A_345 masked %broadcast_in_dim3A_419 : vector<16xi32>, vector<16xi1> -> vector<16xi32>
        %add3A_420 = arith.addi %broadcast_in_dim3A_417, %masked_cumsum3A : vector<16xi32>
        %broadcast_in_dim3A_421 = arith.constant 511 : i32
        %broadcast_in_dim3A_422 = vector.broadcast %broadcast_in_dim3A_421 : i32 to vector<16xi32>
        %min3A_423 = arith.minsi %add3A_420, %broadcast_in_dim3A_422 : vector<16xi32>
        %broadcast_in_dim3A_424 = arith.constant 80 : i32
        %broadcast_in_dim3A_425 = vector.broadcast %broadcast_in_dim3A_424 : i32 to vector<16xi32>
        %mul3A_426 = arith.muli %sub3A, %broadcast_in_dim3A_425 : vector<16xi32>
        %broadcast_in_dim3A_427 = arith.constant 0 : i32
        %broadcast_in_dim3A_428 = vector.broadcast %broadcast_in_dim3A_427 : i32 to vector<16xi32>
        %add3A_429 = arith.addi %broadcast_in_dim3A_428, %iota3A : vector<16xi32>
        %add3A_430 = arith.addi %mul3A_426, %add3A_429 : vector<16xi32>
        tpu.vector_store_idx %arg16[%min3A_423], %get3A_344 masked %ge3A : memref<512xf32, #tpu.memory_space<vmem>>[vector<16xi32>], vector<16xf32>, vector<16xi1>
        tpu.vector_store_idx %arg17[%min3A_423], %add3A_430 masked %ge3A : memref<512xi32, #tpu.memory_space<vmem>>[vector<16xi32>], vector<16xi32>, vector<16xi1>
        %broadcast_in_dim3A_431 = arith.constant 0 : i32
        %broadcast_in_dim3A_432 = vector.broadcast %broadcast_in_dim3A_431 : i32 to vector<16xi32>
        %gather3A_433 = tpu.vector_load_idx %arg15[%broadcast_in_dim3A_338, %broadcast_in_dim3A_432] : memref<896x16xf32, #tpu.memory_space<vmem>>[vector<16xi32>, vector<16xi32>], vector<16xf32>,
        tpu.vector_store_idx %arg18[%min3A_423, %broadcast_in_dim3A_432], %gather3A_433 masked %ge3A : memref<512x4xf32, #tpu.memory_space<vmem>>[vector<16xi32>, vector<16xi32>], vector<16xf32>, vector<16xi1>
        %broadcast_in_dim3A_434 = arith.constant 1 : i32
        %broadcast_in_dim3A_435 = vector.broadcast %broadcast_in_dim3A_434 : i32 to vector<16xi32>
        %gather3A_436 = tpu.vector_load_idx %arg15[%broadcast_in_dim3A_338, %broadcast_in_dim3A_435] : memref<896x16xf32, #tpu.memory_space<vmem>>[vector<16xi32>, vector<16xi32>], vector<16xf32>,
        tpu.vector_store_idx %arg18[%min3A_423, %broadcast_in_dim3A_435], %gather3A_436 masked %ge3A : memref<512x4xf32, #tpu.memory_space<vmem>>[vector<16xi32>, vector<16xi32>], vector<16xf32>, vector<16xi1>
        %broadcast_in_dim3A_437 = arith.constant 2 : i32
        %broadcast_in_dim3A_438 = vector.broadcast %broadcast_in_dim3A_437 : i32 to vector<16xi32>
        %gather3A_439 = tpu.vector_load_idx %arg15[%broadcast_in_dim3A_338, %broadcast_in_dim3A_438] : memref<896x16xf32, #tpu.memory_space<vmem>>[vector<16xi32>, vector<16xi32>], vector<16xf32>,
        tpu.vector_store_idx %arg18[%min3A_423, %broadcast_in_dim3A_438], %gather3A_439 masked %ge3A : memref<512x4xf32, #tpu.memory_space<vmem>>[vector<16xi32>, vector<16xi32>], vector<16xf32>, vector<16xi1>
        %broadcast_in_dim3A_440 = arith.constant 3 : i32
        %broadcast_in_dim3A_441 = vector.broadcast %broadcast_in_dim3A_440 : i32 to vector<16xi32>
        %gather3A_442 = tpu.vector_load_idx %arg15[%broadcast_in_dim3A_338, %broadcast_in_dim3A_441] : memref<896x16xf32, #tpu.memory_space<vmem>>[vector<16xi32>, vector<16xi32>], vector<16xf32>,
        tpu.vector_store_idx %arg18[%min3A_423, %broadcast_in_dim3A_441], %gather3A_442 masked %ge3A : memref<512x4xf32, #tpu.memory_space<vmem>>[vector<16xi32>, vector<16xi32>], vector<16xf32>, vector<16xi1>
      } else {
      }
      %add3A_354 = arith.addi %while3A_337, %reduce_sum3A_348 : i32
      %get3A_355 = arith.index_cast %while3A_336 : i32 to index
      %get3A_356 = arith.constant 16 : index
      %get3A_357 = tpu.vector_load %arg14[%get3A_355, %get3A_356] {strides = array<i32>} : memref<896x80xf32, #tpu.memory_space<vmem>>, vector<16xf32>,
      %ge3A_358 = arith.cmpf oge, %get3A_357, %get3A_8 : vector<16xf32>
      %convert_element_type3A_359 = arith.extui %ge3A_358 : vector<16xi1> to vector<16xi32>
      %reduce_sum3A_360 = arith.constant true
      %reduce_sum3A_361 = vector.broadcast %reduce_sum3A_360 : i1 to vector<16xi1>
      %reduce_sum3A_362 = tpu.scan <sum>, %convert_element_type3A_359 masked %reduce_sum3A_361 : vector<16xi32>, vector<16xi1> -> vector<16xi32>
      %reduce_sum3A_363 = vector.extract %reduce_sum3A_362[15] : i32 from vector<16xi32>
      %gt3A_364 = arith.constant 0 : i32
      %gt3A_365 = arith.cmpi sgt, %reduce_sum3A_363, %gt3A_364 : i32
      %convert_element_type3A_366 = arith.extui %gt3A_365 : i1 to i32
      %cond3A_367 = arith.constant 0 : i32
      %cond3A_368 = arith.cmpi ne, %convert_element_type3A_366, %cond3A_367 : i32
      scf.if %cond3A_368 {
        %sub3A_415 = arith.constant 1 : i32
        %sub3A_416 = arith.subi %add3A_354, %sub3A_415 : i32
        %broadcast_in_dim3A_417 = vector.broadcast %sub3A_416 : i32 to vector<16xi32>
        %broadcast_in_dim3A_418 = arith.constant true
        %broadcast_in_dim3A_419 = vector.broadcast %broadcast_in_dim3A_418 : i1 to vector<16xi1>
        %masked_cumsum3A = tpu.scan <sum>, %convert_element_type3A_359 masked %broadcast_in_dim3A_419 : vector<16xi32>, vector<16xi1> -> vector<16xi32>
        %add3A_420 = arith.addi %broadcast_in_dim3A_417, %masked_cumsum3A : vector<16xi32>
        %broadcast_in_dim3A_421 = arith.constant 511 : i32
        %broadcast_in_dim3A_422 = vector.broadcast %broadcast_in_dim3A_421 : i32 to vector<16xi32>
        %min3A_423 = arith.minsi %add3A_420, %broadcast_in_dim3A_422 : vector<16xi32>
        %broadcast_in_dim3A_424 = arith.constant 80 : i32
        %broadcast_in_dim3A_425 = vector.broadcast %broadcast_in_dim3A_424 : i32 to vector<16xi32>
        %mul3A_426 = arith.muli %sub3A, %broadcast_in_dim3A_425 : vector<16xi32>
        %broadcast_in_dim3A_427 = arith.constant 16 : i32
        %broadcast_in_dim3A_428 = vector.broadcast %broadcast_in_dim3A_427 : i32 to vector<16xi32>
        %add3A_429 = arith.addi %broadcast_in_dim3A_428, %iota3A : vector<16xi32>
        %add3A_430 = arith.addi %mul3A_426, %add3A_429 : vector<16xi32>
        tpu.vector_store_idx %arg16[%min3A_423], %get3A_357 masked %ge3A_358 : memref<512xf32, #tpu.memory_space<vmem>>[vector<16xi32>], vector<16xf32>, vector<16xi1>
        tpu.vector_store_idx %arg17[%min3A_423], %add3A_430 masked %ge3A_358 : memref<512xi32, #tpu.memory_space<vmem>>[vector<16xi32>], vector<16xi32>, vector<16xi1>
        %broadcast_in_dim3A_431 = arith.constant 0 : i32
        %broadcast_in_dim3A_432 = vector.broadcast %broadcast_in_dim3A_431 : i32 to vector<16xi32>
        %gather3A_433 = tpu.vector_load_idx %arg15[%broadcast_in_dim3A_338, %broadcast_in_dim3A_432] : memref<896x16xf32, #tpu.memory_space<vmem>>[vector<16xi32>, vector<16xi32>], vector<16xf32>,
        tpu.vector_store_idx %arg18[%min3A_423, %broadcast_in_dim3A_432], %gather3A_433 masked %ge3A_358 : memref<512x4xf32, #tpu.memory_space<vmem>>[vector<16xi32>, vector<16xi32>], vector<16xf32>, vector<16xi1>
        %broadcast_in_dim3A_434 = arith.constant 1 : i32
        %broadcast_in_dim3A_435 = vector.broadcast %broadcast_in_dim3A_434 : i32 to vector<16xi32>
        %gather3A_436 = tpu.vector_load_idx %arg15[%broadcast_in_dim3A_338, %broadcast_in_dim3A_435] : memref<896x16xf32, #tpu.memory_space<vmem>>[vector<16xi32>, vector<16xi32>], vector<16xf32>,
        tpu.vector_store_idx %arg18[%min3A_423, %broadcast_in_dim3A_435], %gather3A_436 masked %ge3A_358 : memref<512x4xf32, #tpu.memory_space<vmem>>[vector<16xi32>, vector<16xi32>], vector<16xf32>, vector<16xi1>
        %broadcast_in_dim3A_437 = arith.constant 2 : i32
        %broadcast_in_dim3A_438 = vector.broadcast %broadcast_in_dim3A_437 : i32 to vector<16xi32>
        %gather3A_439 = tpu.vector_load_idx %arg15[%broadcast_in_dim3A_338, %broadcast_in_dim3A_438] : memref<896x16xf32, #tpu.memory_space<vmem>>[vector<16xi32>, vector<16xi32>], vector<16xf32>,
        tpu.vector_store_idx %arg18[%min3A_423, %broadcast_in_dim3A_438], %gather3A_439 masked %ge3A_358 : memref<512x4xf32, #tpu.memory_space<vmem>>[vector<16xi32>, vector<16xi32>], vector<16xf32>, vector<16xi1>
        %broadcast_in_dim3A_440 = arith.constant 3 : i32
        %broadcast_in_dim3A_441 = vector.broadcast %broadcast_in_dim3A_440 : i32 to vector<16xi32>
        %gather3A_442 = tpu.vector_load_idx %arg15[%broadcast_in_dim3A_338, %broadcast_in_dim3A_441] : memref<896x16xf32, #tpu.memory_space<vmem>>[vector<16xi32>, vector<16xi32>], vector<16xf32>,
        tpu.vector_store_idx %arg18[%min3A_423, %broadcast_in_dim3A_441], %gather3A_442 masked %ge3A_358 : memref<512x4xf32, #tpu.memory_space<vmem>>[vector<16xi32>, vector<16xi32>], vector<16xf32>, vector<16xi1>
      } else {
      }
      %add3A_369 = arith.addi %add3A_354, %reduce_sum3A_363 : i32
      %get3A_370 = arith.index_cast %while3A_336 : i32 to index
      %get3A_371 = arith.constant 32 : index
      %get3A_372 = tpu.vector_load %arg14[%get3A_370, %get3A_371] {strides = array<i32>} : memref<896x80xf32, #tpu.memory_space<vmem>>, vector<16xf32>,
      %ge3A_373 = arith.cmpf oge, %get3A_372, %get3A_8 : vector<16xf32>
      %convert_element_type3A_374 = arith.extui %ge3A_373 : vector<16xi1> to vector<16xi32>
      %reduce_sum3A_375 = arith.constant true
      %reduce_sum3A_376 = vector.broadcast %reduce_sum3A_375 : i1 to vector<16xi1>
      %reduce_sum3A_377 = tpu.scan <sum>, %convert_element_type3A_374 masked %reduce_sum3A_376 : vector<16xi32>, vector<16xi1> -> vector<16xi32>
      %reduce_sum3A_378 = vector.extract %reduce_sum3A_377[15] : i32 from vector<16xi32>
      %gt3A_379 = arith.constant 0 : i32
      %gt3A_380 = arith.cmpi sgt, %reduce_sum3A_378, %gt3A_379 : i32
      %convert_element_type3A_381 = arith.extui %gt3A_380 : i1 to i32
      %cond3A_382 = arith.constant 0 : i32
      %cond3A_383 = arith.cmpi ne, %convert_element_type3A_381, %cond3A_382 : i32
      scf.if %cond3A_383 {
        %sub3A_415 = arith.constant 1 : i32
        %sub3A_416 = arith.subi %add3A_369, %sub3A_415 : i32
        %broadcast_in_dim3A_417 = vector.broadcast %sub3A_416 : i32 to vector<16xi32>
        %broadcast_in_dim3A_418 = arith.constant true
        %broadcast_in_dim3A_419 = vector.broadcast %broadcast_in_dim3A_418 : i1 to vector<16xi1>
        %masked_cumsum3A = tpu.scan <sum>, %convert_element_type3A_374 masked %broadcast_in_dim3A_419 : vector<16xi32>, vector<16xi1> -> vector<16xi32>
        %add3A_420 = arith.addi %broadcast_in_dim3A_417, %masked_cumsum3A : vector<16xi32>
        %broadcast_in_dim3A_421 = arith.constant 511 : i32
        %broadcast_in_dim3A_422 = vector.broadcast %broadcast_in_dim3A_421 : i32 to vector<16xi32>
        %min3A_423 = arith.minsi %add3A_420, %broadcast_in_dim3A_422 : vector<16xi32>
        %broadcast_in_dim3A_424 = arith.constant 80 : i32
        %broadcast_in_dim3A_425 = vector.broadcast %broadcast_in_dim3A_424 : i32 to vector<16xi32>
        %mul3A_426 = arith.muli %sub3A, %broadcast_in_dim3A_425 : vector<16xi32>
        %broadcast_in_dim3A_427 = arith.constant 32 : i32
        %broadcast_in_dim3A_428 = vector.broadcast %broadcast_in_dim3A_427 : i32 to vector<16xi32>
        %add3A_429 = arith.addi %broadcast_in_dim3A_428, %iota3A : vector<16xi32>
        %add3A_430 = arith.addi %mul3A_426, %add3A_429 : vector<16xi32>
        tpu.vector_store_idx %arg16[%min3A_423], %get3A_372 masked %ge3A_373 : memref<512xf32, #tpu.memory_space<vmem>>[vector<16xi32>], vector<16xf32>, vector<16xi1>
        tpu.vector_store_idx %arg17[%min3A_423], %add3A_430 masked %ge3A_373 : memref<512xi32, #tpu.memory_space<vmem>>[vector<16xi32>], vector<16xi32>, vector<16xi1>
        %broadcast_in_dim3A_431 = arith.constant 0 : i32
        %broadcast_in_dim3A_432 = vector.broadcast %broadcast_in_dim3A_431 : i32 to vector<16xi32>
        %gather3A_433 = tpu.vector_load_idx %arg15[%broadcast_in_dim3A_338, %broadcast_in_dim3A_432] : memref<896x16xf32, #tpu.memory_space<vmem>>[vector<16xi32>, vector<16xi32>], vector<16xf32>,
        tpu.vector_store_idx %arg18[%min3A_423, %broadcast_in_dim3A_432], %gather3A_433 masked %ge3A_373 : memref<512x4xf32, #tpu.memory_space<vmem>>[vector<16xi32>, vector<16xi32>], vector<16xf32>, vector<16xi1>
        %broadcast_in_dim3A_434 = arith.constant 1 : i32
        %broadcast_in_dim3A_435 = vector.broadcast %broadcast_in_dim3A_434 : i32 to vector<16xi32>
        %gather3A_436 = tpu.vector_load_idx %arg15[%broadcast_in_dim3A_338, %broadcast_in_dim3A_435] : memref<896x16xf32, #tpu.memory_space<vmem>>[vector<16xi32>, vector<16xi32>], vector<16xf32>,
        tpu.vector_store_idx %arg18[%min3A_423, %broadcast_in_dim3A_435], %gather3A_436 masked %ge3A_373 : memref<512x4xf32, #tpu.memory_space<vmem>>[vector<16xi32>, vector<16xi32>], vector<16xf32>, vector<16xi1>
        %broadcast_in_dim3A_437 = arith.constant 2 : i32
        %broadcast_in_dim3A_438 = vector.broadcast %broadcast_in_dim3A_437 : i32 to vector<16xi32>
        %gather3A_439 = tpu.vector_load_idx %arg15[%broadcast_in_dim3A_338, %broadcast_in_dim3A_438] : memref<896x16xf32, #tpu.memory_space<vmem>>[vector<16xi32>, vector<16xi32>], vector<16xf32>,
        tpu.vector_store_idx %arg18[%min3A_423, %broadcast_in_dim3A_438], %gather3A_439 masked %ge3A_373 : memref<512x4xf32, #tpu.memory_space<vmem>>[vector<16xi32>, vector<16xi32>], vector<16xf32>, vector<16xi1>
        %broadcast_in_dim3A_440 = arith.constant 3 : i32
        %broadcast_in_dim3A_441 = vector.broadcast %broadcast_in_dim3A_440 : i32 to vector<16xi32>
        %gather3A_442 = tpu.vector_load_idx %arg15[%broadcast_in_dim3A_338, %broadcast_in_dim3A_441] : memref<896x16xf32, #tpu.memory_space<vmem>>[vector<16xi32>, vector<16xi32>], vector<16xf32>,
        tpu.vector_store_idx %arg18[%min3A_423, %broadcast_in_dim3A_441], %gather3A_442 masked %ge3A_373 : memref<512x4xf32, #tpu.memory_space<vmem>>[vector<16xi32>, vector<16xi32>], vector<16xf32>, vector<16xi1>
      } else {
      }
      %add3A_384 = arith.addi %add3A_369, %reduce_sum3A_378 : i32
      %get3A_385 = arith.index_cast %while3A_336 : i32 to index
      %get3A_386 = arith.constant 48 : index
      %get3A_387 = tpu.vector_load %arg14[%get3A_385, %get3A_386] {strides = array<i32>} : memref<896x80xf32, #tpu.memory_space<vmem>>, vector<16xf32>,
      %ge3A_388 = arith.cmpf oge, %get3A_387, %get3A_8 : vector<16xf32>
      %convert_element_type3A_389 = arith.extui %ge3A_388 : vector<16xi1> to vector<16xi32>
      %reduce_sum3A_390 = arith.constant true
      %reduce_sum3A_391 = vector.broadcast %reduce_sum3A_390 : i1 to vector<16xi1>
      %reduce_sum3A_392 = tpu.scan <sum>, %convert_element_type3A_389 masked %reduce_sum3A_391 : vector<16xi32>, vector<16xi1> -> vector<16xi32>
      %reduce_sum3A_393 = vector.extract %reduce_sum3A_392[15] : i32 from vector<16xi32>
      %gt3A_394 = arith.constant 0 : i32
      %gt3A_395 = arith.cmpi sgt, %reduce_sum3A_393, %gt3A_394 : i32
      %convert_element_type3A_396 = arith.extui %gt3A_395 : i1 to i32
      %cond3A_397 = arith.constant 0 : i32
      %cond3A_398 = arith.cmpi ne, %convert_element_type3A_396, %cond3A_397 : i32
      scf.if %cond3A_398 {
        %sub3A_415 = arith.constant 1 : i32
        %sub3A_416 = arith.subi %add3A_384, %sub3A_415 : i32
        %broadcast_in_dim3A_417 = vector.broadcast %sub3A_416 : i32 to vector<16xi32>
        %broadcast_in_dim3A_418 = arith.constant true
        %broadcast_in_dim3A_419 = vector.broadcast %broadcast_in_dim3A_418 : i1 to vector<16xi1>
        %masked_cumsum3A = tpu.scan <sum>, %convert_element_type3A_389 masked %broadcast_in_dim3A_419 : vector<16xi32>, vector<16xi1> -> vector<16xi32>
        %add3A_420 = arith.addi %broadcast_in_dim3A_417, %masked_cumsum3A : vector<16xi32>
        %broadcast_in_dim3A_421 = arith.constant 511 : i32
        %broadcast_in_dim3A_422 = vector.broadcast %broadcast_in_dim3A_421 : i32 to vector<16xi32>
        %min3A_423 = arith.minsi %add3A_420, %broadcast_in_dim3A_422 : vector<16xi32>
        %broadcast_in_dim3A_424 = arith.constant 80 : i32
        %broadcast_in_dim3A_425 = vector.broadcast %broadcast_in_dim3A_424 : i32 to vector<16xi32>
        %mul3A_426 = arith.muli %sub3A, %broadcast_in_dim3A_425 : vector<16xi32>
        %broadcast_in_dim3A_427 = arith.constant 48 : i32
        %broadcast_in_dim3A_428 = vector.broadcast %broadcast_in_dim3A_427 : i32 to vector<16xi32>
        %add3A_429 = arith.addi %broadcast_in_dim3A_428, %iota3A : vector<16xi32>
        %add3A_430 = arith.addi %mul3A_426, %add3A_429 : vector<16xi32>
        tpu.vector_store_idx %arg16[%min3A_423], %get3A_387 masked %ge3A_388 : memref<512xf32, #tpu.memory_space<vmem>>[vector<16xi32>], vector<16xf32>, vector<16xi1>
        tpu.vector_store_idx %arg17[%min3A_423], %add3A_430 masked %ge3A_388 : memref<512xi32, #tpu.memory_space<vmem>>[vector<16xi32>], vector<16xi32>, vector<16xi1>
        %broadcast_in_dim3A_431 = arith.constant 0 : i32
        %broadcast_in_dim3A_432 = vector.broadcast %broadcast_in_dim3A_431 : i32 to vector<16xi32>
        %gather3A_433 = tpu.vector_load_idx %arg15[%broadcast_in_dim3A_338, %broadcast_in_dim3A_432] : memref<896x16xf32, #tpu.memory_space<vmem>>[vector<16xi32>, vector<16xi32>], vector<16xf32>,
        tpu.vector_store_idx %arg18[%min3A_423, %broadcast_in_dim3A_432], %gather3A_433 masked %ge3A_388 : memref<512x4xf32, #tpu.memory_space<vmem>>[vector<16xi32>, vector<16xi32>], vector<16xf32>, vector<16xi1>
        %broadcast_in_dim3A_434 = arith.constant 1 : i32
        %broadcast_in_dim3A_435 = vector.broadcast %broadcast_in_dim3A_434 : i32 to vector<16xi32>
        %gather3A_436 = tpu.vector_load_idx %arg15[%broadcast_in_dim3A_338, %broadcast_in_dim3A_435] : memref<896x16xf32, #tpu.memory_space<vmem>>[vector<16xi32>, vector<16xi32>], vector<16xf32>,
        tpu.vector_store_idx %arg18[%min3A_423, %broadcast_in_dim3A_435], %gather3A_436 masked %ge3A_388 : memref<512x4xf32, #tpu.memory_space<vmem>>[vector<16xi32>, vector<16xi32>], vector<16xf32>, vector<16xi1>
        %broadcast_in_dim3A_437 = arith.constant 2 : i32
        %broadcast_in_dim3A_438 = vector.broadcast %broadcast_in_dim3A_437 : i32 to vector<16xi32>
        %gather3A_439 = tpu.vector_load_idx %arg15[%broadcast_in_dim3A_338, %broadcast_in_dim3A_438] : memref<896x16xf32, #tpu.memory_space<vmem>>[vector<16xi32>, vector<16xi32>], vector<16xf32>,
        tpu.vector_store_idx %arg18[%min3A_423, %broadcast_in_dim3A_438], %gather3A_439 masked %ge3A_388 : memref<512x4xf32, #tpu.memory_space<vmem>>[vector<16xi32>, vector<16xi32>], vector<16xf32>, vector<16xi1>
        %broadcast_in_dim3A_440 = arith.constant 3 : i32
        %broadcast_in_dim3A_441 = vector.broadcast %broadcast_in_dim3A_440 : i32 to vector<16xi32>
        %gather3A_442 = tpu.vector_load_idx %arg15[%broadcast_in_dim3A_338, %broadcast_in_dim3A_441] : memref<896x16xf32, #tpu.memory_space<vmem>>[vector<16xi32>, vector<16xi32>], vector<16xf32>,
        tpu.vector_store_idx %arg18[%min3A_423, %broadcast_in_dim3A_441], %gather3A_442 masked %ge3A_388 : memref<512x4xf32, #tpu.memory_space<vmem>>[vector<16xi32>, vector<16xi32>], vector<16xf32>, vector<16xi1>
      } else {
      }
      %add3A_399 = arith.addi %add3A_384, %reduce_sum3A_393 : i32
      %get3A_400 = arith.index_cast %while3A_336 : i32 to index
      %get3A_401 = arith.constant 64 : index
      %get3A_402 = tpu.vector_load %arg14[%get3A_400, %get3A_401] {strides = array<i32>} : memref<896x80xf32, #tpu.memory_space<vmem>>, vector<16xf32>,
      %ge3A_403 = arith.cmpf oge, %get3A_402, %get3A_8 : vector<16xf32>
      %convert_element_type3A_404 = arith.extui %ge3A_403 : vector<16xi1> to vector<16xi32>
      %reduce_sum3A_405 = arith.constant true
      %reduce_sum3A_406 = vector.broadcast %reduce_sum3A_405 : i1 to vector<16xi1>
      %reduce_sum3A_407 = tpu.scan <sum>, %convert_element_type3A_404 masked %reduce_sum3A_406 : vector<16xi32>, vector<16xi1> -> vector<16xi32>
      %reduce_sum3A_408 = vector.extract %reduce_sum3A_407[15] : i32 from vector<16xi32>
      %gt3A_409 = arith.constant 0 : i32
      %gt3A_410 = arith.cmpi sgt, %reduce_sum3A_408, %gt3A_409 : i32
      %convert_element_type3A_411 = arith.extui %gt3A_410 : i1 to i32
      %cond3A_412 = arith.constant 0 : i32
      %cond3A_413 = arith.cmpi ne, %convert_element_type3A_411, %cond3A_412 : i32
      scf.if %cond3A_413 {
        %sub3A_415 = arith.constant 1 : i32
        %sub3A_416 = arith.subi %add3A_399, %sub3A_415 : i32
        %broadcast_in_dim3A_417 = vector.broadcast %sub3A_416 : i32 to vector<16xi32>
        %broadcast_in_dim3A_418 = arith.constant true
        %broadcast_in_dim3A_419 = vector.broadcast %broadcast_in_dim3A_418 : i1 to vector<16xi1>
        %masked_cumsum3A = tpu.scan <sum>, %convert_element_type3A_404 masked %broadcast_in_dim3A_419 : vector<16xi32>, vector<16xi1> -> vector<16xi32>
        %add3A_420 = arith.addi %broadcast_in_dim3A_417, %masked_cumsum3A : vector<16xi32>
        %broadcast_in_dim3A_421 = arith.constant 511 : i32
        %broadcast_in_dim3A_422 = vector.broadcast %broadcast_in_dim3A_421 : i32 to vector<16xi32>
        %min3A_423 = arith.minsi %add3A_420, %broadcast_in_dim3A_422 : vector<16xi32>
        %broadcast_in_dim3A_424 = arith.constant 80 : i32
        %broadcast_in_dim3A_425 = vector.broadcast %broadcast_in_dim3A_424 : i32 to vector<16xi32>
        %mul3A_426 = arith.muli %sub3A, %broadcast_in_dim3A_425 : vector<16xi32>
        %broadcast_in_dim3A_427 = arith.constant 64 : i32
        %broadcast_in_dim3A_428 = vector.broadcast %broadcast_in_dim3A_427 : i32 to vector<16xi32>
        %add3A_429 = arith.addi %broadcast_in_dim3A_428, %iota3A : vector<16xi32>
        %add3A_430 = arith.addi %mul3A_426, %add3A_429 : vector<16xi32>
        tpu.vector_store_idx %arg16[%min3A_423], %get3A_402 masked %ge3A_403 : memref<512xf32, #tpu.memory_space<vmem>>[vector<16xi32>], vector<16xf32>, vector<16xi1>
        tpu.vector_store_idx %arg17[%min3A_423], %add3A_430 masked %ge3A_403 : memref<512xi32, #tpu.memory_space<vmem>>[vector<16xi32>], vector<16xi32>, vector<16xi1>
        %broadcast_in_dim3A_431 = arith.constant 0 : i32
        %broadcast_in_dim3A_432 = vector.broadcast %broadcast_in_dim3A_431 : i32 to vector<16xi32>
        %gather3A_433 = tpu.vector_load_idx %arg15[%broadcast_in_dim3A_338, %broadcast_in_dim3A_432] : memref<896x16xf32, #tpu.memory_space<vmem>>[vector<16xi32>, vector<16xi32>], vector<16xf32>,
        tpu.vector_store_idx %arg18[%min3A_423, %broadcast_in_dim3A_432], %gather3A_433 masked %ge3A_403 : memref<512x4xf32, #tpu.memory_space<vmem>>[vector<16xi32>, vector<16xi32>], vector<16xf32>, vector<16xi1>
        %broadcast_in_dim3A_434 = arith.constant 1 : i32
        %broadcast_in_dim3A_435 = vector.broadcast %broadcast_in_dim3A_434 : i32 to vector<16xi32>
        %gather3A_436 = tpu.vector_load_idx %arg15[%broadcast_in_dim3A_338, %broadcast_in_dim3A_435] : memref<896x16xf32, #tpu.memory_space<vmem>>[vector<16xi32>, vector<16xi32>], vector<16xf32>,
        tpu.vector_store_idx %arg18[%min3A_423, %broadcast_in_dim3A_435], %gather3A_436 masked %ge3A_403 : memref<512x4xf32, #tpu.memory_space<vmem>>[vector<16xi32>, vector<16xi32>], vector<16xf32>, vector<16xi1>
        %broadcast_in_dim3A_437 = arith.constant 2 : i32
        %broadcast_in_dim3A_438 = vector.broadcast %broadcast_in_dim3A_437 : i32 to vector<16xi32>
        %gather3A_439 = tpu.vector_load_idx %arg15[%broadcast_in_dim3A_338, %broadcast_in_dim3A_438] : memref<896x16xf32, #tpu.memory_space<vmem>>[vector<16xi32>, vector<16xi32>], vector<16xf32>,
        tpu.vector_store_idx %arg18[%min3A_423, %broadcast_in_dim3A_438], %gather3A_439 masked %ge3A_403 : memref<512x4xf32, #tpu.memory_space<vmem>>[vector<16xi32>, vector<16xi32>], vector<16xf32>, vector<16xi1>
        %broadcast_in_dim3A_440 = arith.constant 3 : i32
        %broadcast_in_dim3A_441 = vector.broadcast %broadcast_in_dim3A_440 : i32 to vector<16xi32>
        %gather3A_442 = tpu.vector_load_idx %arg15[%broadcast_in_dim3A_338, %broadcast_in_dim3A_441] : memref<896x16xf32, #tpu.memory_space<vmem>>[vector<16xi32>, vector<16xi32>], vector<16xf32>,
        tpu.vector_store_idx %arg18[%min3A_423, %broadcast_in_dim3A_441], %gather3A_442 masked %ge3A_403 : memref<512x4xf32, #tpu.memory_space<vmem>>[vector<16xi32>, vector<16xi32>], vector<16xf32>, vector<16xi1>
      } else {
      }
      %add3A_414 = arith.addi %add3A_399, %reduce_sum3A_408 : i32
      scf.yield %add3A_414 : i32
    }
    %min3A_323 = arith.constant 512 : i32
    %min3A_324 = arith.minsi %while3A_322, %min3A_323 : i32
    %broadcast_in_dim3A_325 = vector.broadcast %min3A_324 : i32 to vector<16xi32>
    %swap3A_326 = arith.constant 0 : index
    %swap3A_327 = tpu.vector_load %arg19[%swap3A_326] {strides = array<i32>} : memref<16xi32, #tpu.memory_space<vmem>>, vector<16xi32>,
    tpu.vector_store %arg19[%swap3A_326], %broadcast_in_dim3A_325 {strides = array<i32>} : memref<16xi32, #tpu.memory_space<vmem>>, vector<16xi32>,
    %mul3A_328 = arith.constant 512 : i32
    %mul3A_329 = arith.muli %add3A, %mul3A_328 : i32
    "tpu.region"() ({
      %run_scoped3A = tpu.sem_alloc : memref<!tpu.dma_semaphore, #tpu.memory_space<semaphore_mem>>
      %dma_start3A = tpu.memref_slice %arg6[%mul3A_329] : memref<16384xf32, #tpu.memory_space<hbm>> -> memref<512xf32, #tpu.memory_space<hbm>>
      %dma_start3A_336 = tpu.memref_slice %arg6[%mul3A_329] : memref<16384xf32, #tpu.memory_space<hbm>> -> memref<512xf32, #tpu.memory_space<hbm>>
      tpu.enqueue_dma source(%arg16 : memref<512xf32, #tpu.memory_space<vmem>>) target(%dma_start3A_336 : memref<512xf32, #tpu.memory_space<hbm>>) target_semaphore(%run_scoped3A : memref<!tpu.dma_semaphore, #tpu.memory_space<semaphore_mem>>)
      %dma_wait3A = tpu.memref_slice %arg6[%mul3A_329] : memref<16384xf32, #tpu.memory_space<hbm>> -> memref<512xf32, #tpu.memory_space<hbm>>
      %dma_wait3A_337 = tpu.memref_slice %arg6[%mul3A_329] : memref<16384xf32, #tpu.memory_space<hbm>> -> memref<512xf32, #tpu.memory_space<hbm>>
      tpu.wait_dma2 semaphore(%run_scoped3A : memref<!tpu.dma_semaphore, #tpu.memory_space<semaphore_mem>>) src(%arg16 : memref<512xf32, #tpu.memory_space<vmem>>) dst(%dma_wait3A_337 : memref<512xf32, #tpu.memory_space<hbm>>)
      tpu.yield
    }) : () -> ()
    %mul3A_330 = arith.constant 512 : i32
    %mul3A_331 = arith.muli %add3A, %mul3A_330 : i32
    "tpu.region"() ({
      %run_scoped3A = tpu.sem_alloc : memref<!tpu.dma_semaphore, #tpu.memory_space<semaphore_mem>>
      %dma_start3A = tpu.memref_slice %arg7[%mul3A_331] : memref<16384xi32, #tpu.memory_space<hbm>> -> memref<512xi32, #tpu.memory_space<hbm>>
      %dma_start3A_336 = tpu.memref_slice %arg7[%mul3A_331] : memref<16384xi32, #tpu.memory_space<hbm>> -> memref<512xi32, #tpu.memory_space<hbm>>
      tpu.enqueue_dma source(%arg17 : memref<512xi32, #tpu.memory_space<vmem>>) target(%dma_start3A_336 : memref<512xi32, #tpu.memory_space<hbm>>) target_semaphore(%run_scoped3A : memref<!tpu.dma_semaphore, #tpu.memory_space<semaphore_mem>>)
      %dma_wait3A = tpu.memref_slice %arg7[%mul3A_331] : memref<16384xi32, #tpu.memory_space<hbm>> -> memref<512xi32, #tpu.memory_space<hbm>>
      %dma_wait3A_337 = tpu.memref_slice %arg7[%mul3A_331] : memref<16384xi32, #tpu.memory_space<hbm>> -> memref<512xi32, #tpu.memory_space<hbm>>
      tpu.wait_dma2 semaphore(%run_scoped3A : memref<!tpu.dma_semaphore, #tpu.memory_space<semaphore_mem>>) src(%arg17 : memref<512xi32, #tpu.memory_space<vmem>>) dst(%dma_wait3A_337 : memref<512xi32, #tpu.memory_space<hbm>>)
      tpu.yield
    }) : () -> ()
    %mul3A_332 = arith.constant 512 : i32
    %mul3A_333 = arith.muli %add3A, %mul3A_332 : i32
    "tpu.region"() ({
      %run_scoped3A = tpu.sem_alloc : memref<!tpu.dma_semaphore, #tpu.memory_space<semaphore_mem>>
      %dma_start3A = arith.constant 0 : i32
      %dma_start3A_336 = tpu.memref_slice %arg8[%mul3A_333, %dma_start3A] : memref<16384x4xf32, #tpu.memory_space<hbm>> -> memref<512x4xf32, #tpu.memory_space<hbm>>
      %dma_start3A_337 = arith.constant 0 : i32
      %dma_start3A_338 = tpu.memref_slice %arg8[%mul3A_333, %dma_start3A_337] : memref<16384x4xf32, #tpu.memory_space<hbm>> -> memref<512x4xf32, #tpu.memory_space<hbm>>
      tpu.enqueue_dma source(%arg18 : memref<512x4xf32, #tpu.memory_space<vmem>>) target(%dma_start3A_338 : memref<512x4xf32, #tpu.memory_space<hbm>>) target_semaphore(%run_scoped3A : memref<!tpu.dma_semaphore, #tpu.memory_space<semaphore_mem>>)
      %dma_wait3A = arith.constant 0 : i32
      %dma_wait3A_339 = tpu.memref_slice %arg8[%mul3A_333, %dma_wait3A] : memref<16384x4xf32, #tpu.memory_space<hbm>> -> memref<512x4xf32, #tpu.memory_space<hbm>>
      %dma_wait3A_340 = arith.constant 0 : i32
      %dma_wait3A_341 = tpu.memref_slice %arg8[%mul3A_333, %dma_wait3A_340] : memref<16384x4xf32, #tpu.memory_space<hbm>> -> memref<512x4xf32, #tpu.memory_space<hbm>>
      tpu.wait_dma2 semaphore(%run_scoped3A : memref<!tpu.dma_semaphore, #tpu.memory_space<semaphore_mem>>) src(%arg18 : memref<512x4xf32, #tpu.memory_space<vmem>>) dst(%dma_wait3A_341 : memref<512x4xf32, #tpu.memory_space<hbm>>)
      tpu.yield
    }) : () -> ()
    %mul3A_334 = arith.constant 16 : i32
    %mul3A_335 = arith.muli %add3A, %mul3A_334 : i32
    "tpu.region"() ({
      %run_scoped3A = tpu.sem_alloc : memref<!tpu.dma_semaphore, #tpu.memory_space<semaphore_mem>>
      %dma_start3A = tpu.memref_slice %arg9[%mul3A_335] : memref<512xi32, #tpu.memory_space<hbm>> -> memref<16xi32, #tpu.memory_space<hbm>>
      %dma_start3A_336 = tpu.memref_slice %arg9[%mul3A_335] : memref<512xi32, #tpu.memory_space<hbm>> -> memref<16xi32, #tpu.memory_space<hbm>>
      tpu.enqueue_dma source(%arg19 : memref<16xi32, #tpu.memory_space<vmem>>) target(%dma_start3A_336 : memref<16xi32, #tpu.memory_space<hbm>>) target_semaphore(%run_scoped3A : memref<!tpu.dma_semaphore, #tpu.memory_space<semaphore_mem>>)
      %dma_wait3A = tpu.memref_slice %arg9[%mul3A_335] : memref<512xi32, #tpu.memory_space<hbm>> -> memref<16xi32, #tpu.memory_space<hbm>>
      %dma_wait3A_337 = tpu.memref_slice %arg9[%mul3A_335] : memref<512xi32, #tpu.memory_space<hbm>> -> memref<16xi32, #tpu.memory_space<hbm>>
      tpu.wait_dma2 semaphore(%run_scoped3A : memref<!tpu.dma_semaphore, #tpu.memory_space<semaphore_mem>>) src(%arg19 : memref<16xi32, #tpu.memory_space<vmem>>) dst(%dma_wait3A_337 : memref<16xi32, #tpu.memory_space<hbm>>)
      tpu.yield
    }) : () -> ()
    return
  }
}

module attributes {stable_mosaic.version = 14 : i64} {
  func.func @_threshold_kernel(%arg0: i32, %arg1: memref<1x20000x80xf32, #tpu.memory_space<vmem>>, %arg2: memref<1x1x20000xf32, #tpu.memory_space<vmem>>, %arg3: memref<1x1x16xf32, #tpu.memory_space<vmem>>) attributes {dimension_semantics = [#tpu.dimension_semantics<arbitrary>], iteration_bounds = array<i64: 16>, scalar_prefetch = 0 : i64, scratch_operands = 0 : i64, tpu.core_type = #tpu.core_type<tc>, window_params = [{transform_indices = @transform_0, window_bounds = array<i64: 1, 20000, 80>}, {transform_indices = @transform_1, window_bounds = array<i64: 1, 1, 20000>}, {transform_indices = @transform_2, window_bounds = array<i64: 1, 1, 16>}]} {
    %get3A = arith.constant 0 : index
    %get3A_0 = arith.constant 0 : index
    %get3A_1 = arith.constant 0 : index
    %get3A_2 = vector.load %arg1[%get3A, %get3A_0, %get3A_1] : memref<1x20000x80xf32, #tpu.memory_space<vmem>>, vector<1x20000x80xf32>
    %get3A_3 = vector.shape_cast %get3A_2 : vector<1x20000x80xf32> to vector<20000x80xf32>
    %reduce_max3A = arith.constant dense<0xFF800000> : vector<20000xf32>
    %reduce_max3A_4 = vector.multi_reduction <maximumf>, %get3A_3, %reduce_max3A [1] : vector<20000x80xf32> to vector<20000xf32>
    %reshape3A = vector.shape_cast %reduce_max3A_4 : vector<20000xf32> to vector<1x1x20000xf32>
    %swap3A = arith.constant 0 : index
    %swap3A_5 = arith.constant 0 : index
    %swap3A_6 = arith.constant 0 : index
    %swap3A_7 = vector.load %arg2[%swap3A, %swap3A_5, %swap3A_6] : memref<1x1x20000xf32, #tpu.memory_space<vmem>>, vector<1x1x20000xf32>
    tpu.vector_store %arg2[%swap3A, %swap3A_5, %swap3A_6], %reshape3A {strides = array<i32>} : memref<1x1x20000xf32, #tpu.memory_space<vmem>>, vector<1x1x20000xf32>,
    %bitcast_convert_type3A = tpu.bitcast %reduce_max3A_4 : vector<20000xf32> -> vector<20000xi32>
    %ge3A = arith.constant 0 : i32
    %ge3A_8 = vector.broadcast %ge3A : i32 to vector<20000xi32>
    %ge3A_9 = arith.cmpi sge, %bitcast_convert_type3A, %ge3A_8 : vector<20000xi32>
    %xor3A = arith.constant 2147483647 : i32
    %xor3A_10 = vector.broadcast %xor3A : i32 to vector<20000xi32>
    %xor3A_11 = arith.xori %bitcast_convert_type3A, %xor3A_10 : vector<20000xi32>
    %select_n3A = arith.select %ge3A_9, %bitcast_convert_type3A, %xor3A_11 : vector<20000xi1>, vector<20000xi32>
    %scan3A = arith.constant 0 : i32
    %scan3A_12 = arith.constant 0 : i32
    %scan3A_13 = arith.constant 32 : i32
    %scan3A_14 = arith.addi %scan3A_12, %scan3A_13 : i32
    %scan3A_15 = arith.constant 1 : i32
    %scan3A_16 = scf.for %scan3A_30 = %scan3A_12 to %scan3A_14 step %scan3A_15 iter_args(%scan3A_31 = %scan3A) -> (i32)  : i32 {
      %sub3A = arith.constant 31 : i32
      %sub3A_32 = arith.subi %sub3A, %scan3A_30 : i32
      %shift_left3A = arith.constant 1 : i32
      %shift_left3A_33 = arith.shli %shift_left3A, %sub3A_32 : i32
      %or3A = arith.ori %scan3A_31, %shift_left3A_33 : i32
      %xor3A_34 = arith.constant -2147483648 : i32
      %xor3A_35 = arith.xori %or3A, %xor3A_34 : i32
      %ge3A_36 = vector.broadcast %xor3A_35 : i32 to vector<20000xi32>
      %ge3A_37 = arith.cmpi sge, %select_n3A, %ge3A_36 : vector<20000xi32>
      %convert_element_type3A = arith.extui %ge3A_37 : vector<20000xi1> to vector<20000xi32>
      %reduce_sum3A = vector.shape_cast %convert_element_type3A : vector<20000xi32> to vector<1x20000xi32>
      %reduce_sum3A_38 = arith.constant dense<0> : vector<1xi32>
      %reduce_sum3A_39 = vector.multi_reduction <add>, %reduce_sum3A, %reduce_sum3A_38 [1] : vector<1x20000xi32> to vector<1xi32>
      %reduce_sum3A_40 = vector.shape_cast %reduce_sum3A_39 : vector<1xi32> to vector<1x1xi32>
      %reduce_sum3A_41 = vector.extract %reduce_sum3A_40[0, 0] : i32 from vector<1x1xi32>
      %ge3A_42 = arith.constant 300 : i32
      %ge3A_43 = arith.cmpi sge, %reduce_sum3A_41, %ge3A_42 : i32
      %select_n3A_44 = arith.select %ge3A_43, %or3A, %scan3A_31 : i32
      scf.yield %select_n3A_44 : i32
    }
    %scan3A_17 = arith.constant 32 : i32
    %xor3A_18 = arith.constant -2147483648 : i32
    %xor3A_19 = arith.xori %scan3A_16, %xor3A_18 : i32
    %ge3A_20 = arith.constant 0 : i32
    %ge3A_21 = arith.cmpi sge, %xor3A_19, %ge3A_20 : i32
    %xor3A_22 = arith.constant 2147483647 : i32
    %xor3A_23 = arith.xori %xor3A_19, %xor3A_22 : i32
    %select_n3A_24 = arith.select %ge3A_21, %xor3A_19, %xor3A_23 : i32
    %bitcast_convert_type3A_25 = arith.bitcast %select_n3A_24 : i32 to f32
    %broadcast_in_dim3A = vector.broadcast %bitcast_convert_type3A_25 : f32 to vector<1x1x16xf32>
    %swap3A_26 = arith.constant 0 : index
    %swap3A_27 = arith.constant 0 : index
    %swap3A_28 = arith.constant 0 : index
    %swap3A_29 = vector.load %arg3[%swap3A_26, %swap3A_27, %swap3A_28] : memref<1x1x16xf32, #tpu.memory_space<vmem>>, vector<1x1x16xf32>
    tpu.vector_store %arg3[%swap3A_26, %swap3A_27, %swap3A_28], %broadcast_in_dim3A {strides = array<i32>} : memref<1x1x16xf32, #tpu.memory_space<vmem>>, vector<1x1x16xf32>,
    return
  }
  func.func @transform_0(%arg0: i32) -> (i32, i32, i32) {
    %c0_i32 = arith.constant 0 : i32
    %c0_i32_0 = arith.constant 0 : i32
    %c0_i32_1 = arith.constant 0 : i32
    return %arg0, %c0_i32, %c0_i32_0 : i32, i32, i32
  }
  func.func @transform_1(%arg0: i32) -> (i32, i32, i32) {
    %c0_i32 = arith.constant 0 : i32
    %c0_i32_0 = arith.constant 0 : i32
    %c0_i32_1 = arith.constant 0 : i32
    return %arg0, %c0_i32, %c0_i32_0 : i32, i32, i32
  }
  func.func @transform_2(%arg0: i32) -> (i32, i32, i32) {
    %c0_i32 = arith.constant 0 : i32
    %c0_i32_0 = arith.constant 0 : i32
    %c0_i32_1 = arith.constant 0 : i32
    return %arg0, %c0_i32, %c0_i32_0 : i32, i32, i32
  }
}

module attributes {stable_mosaic.version = 14 : i64} {
  func.func @_select_kernel(%arg0: i32, %arg1: memref<1x1x1024xf32, #tpu.memory_space<vmem>>, %arg2: memref<1x1024x1xf32, #tpu.memory_space<vmem>>, %arg3: memref<1x1x1024xi32, #tpu.memory_space<vmem>>, %arg4: memref<1x1024x1xi32, #tpu.memory_space<vmem>>, %arg5: memref<1x4x1024xf32, #tpu.memory_space<vmem>>, %arg6: memref<1x2x16xi32, #tpu.memory_space<smem>>, %arg7: memref<1x1x2xf32, #tpu.memory_space<smem>>, %arg8: memref<1x1x4xf32, #tpu.memory_space<smem>>, %arg9: memref<1x1x2xi32, #tpu.memory_space<smem>>, %arg10: memref<1x1x300xf32, #tpu.memory_space<vmem>>, %arg11: memref<1x1x300xi32, #tpu.memory_space<vmem>>, %arg12: memref<1x4x300xf32, #tpu.memory_space<vmem>>) attributes {dimension_semantics = [#tpu.dimension_semantics<arbitrary>], iteration_bounds = array<i64: 16>, scalar_prefetch = 0 : i64, scratch_operands = 0 : i64, tpu.core_type = #tpu.core_type<tc>, window_params = [{transform_indices = @transform_0, window_bounds = array<i64: 1, 1, 1024>}, {transform_indices = @transform_1, window_bounds = array<i64: 1, 1024, 1>}, {transform_indices = @transform_2, window_bounds = array<i64: 1, 1, 1024>}, {transform_indices = @transform_3, window_bounds = array<i64: 1, 1024, 1>}, {transform_indices = @transform_4, window_bounds = array<i64: 1, 4, 1024>}, {transform_indices = @transform_5, window_bounds = array<i64: 1, 2, 16>}, {transform_indices = @transform_6, window_bounds = array<i64: 1, 1, 2>}, {transform_indices = @transform_7, window_bounds = array<i64: 1, 1, 4>}, {transform_indices = @transform_8, window_bounds = array<i64: 1, 1, 2>}, {transform_indices = @transform_9, window_bounds = array<i64: 1, 1, 300>}, {transform_indices = @transform_10, window_bounds = array<i64: 1, 1, 300>}, {transform_indices = @transform_11, window_bounds = array<i64: 1, 4, 300>}]} {
    %get3A = arith.constant 0 : index
    %get3A_0 = arith.constant 0 : index
    %get3A_1 = arith.constant 0 : index
    %get3A_2 = vector.load %arg1[%get3A, %get3A_0, %get3A_1] : memref<1x1x1024xf32, #tpu.memory_space<vmem>>, vector<1x1x1024xf32>
    %get3A_3 = vector.shape_cast %get3A_2 : vector<1x1x1024xf32> to vector<1x1024xf32>
    %get3A_4 = arith.constant 0 : index
    %get3A_5 = arith.constant 0 : index
    %get3A_6 = arith.constant 0 : index
    %get3A_7 = vector.load %arg2[%get3A_4, %get3A_5, %get3A_6] : memref<1x1024x1xf32, #tpu.memory_space<vmem>>, vector<1x1024x1xf32>
    %get3A_8 = vector.shape_cast %get3A_7 : vector<1x1024x1xf32> to vector<1024x1xf32>
    %get3A_9 = arith.constant 0 : index
    %get3A_10 = arith.constant 0 : index
    %get3A_11 = arith.constant 0 : index
    %get3A_12 = vector.load %arg3[%get3A_9, %get3A_10, %get3A_11] : memref<1x1x1024xi32, #tpu.memory_space<vmem>>, vector<1x1x1024xi32>
    %get3A_13 = vector.shape_cast %get3A_12 : vector<1x1x1024xi32> to vector<1x1024xi32>
    %get3A_14 = arith.constant 0 : index
    %get3A_15 = arith.constant 0 : index
    %get3A_16 = arith.constant 0 : index
    %get3A_17 = vector.load %arg4[%get3A_14, %get3A_15, %get3A_16] : memref<1x1024x1xi32, #tpu.memory_space<vmem>>, vector<1x1024x1xi32>
    %get3A_18 = vector.shape_cast %get3A_17 : vector<1x1024x1xi32> to vector<1024x1xi32>
    %get3A_19 = arith.constant 0 : index
    %get3A_20 = arith.constant 0 : index
    %get3A_21 = arith.constant 0 : index
    %get3A_22 = vector.load %arg5[%get3A_19, %get3A_20, %get3A_21] : memref<1x4x1024xf32, #tpu.memory_space<vmem>>, vector<1x4x1024xf32>
    %get3A_23 = vector.shape_cast %get3A_22 : vector<1x4x1024xf32> to vector<4x1024xf32>
    %get3A_24 = arith.constant 0 : index
    %get3A_25 = arith.constant 0 : index
    %get3A_26 = arith.constant 0 : index
    %get3A_27 = memref.load %arg6[%get3A_24, %get3A_25, %get3A_26] : memref<1x2x16xi32, #tpu.memory_space<smem>>
    %get3A_28 = arith.constant 0 : index
    %get3A_29 = arith.constant 1 : index
    %get3A_30 = arith.constant 0 : index
    %get3A_31 = memref.load %arg6[%get3A_28, %get3A_29, %get3A_30] : memref<1x2x16xi32, #tpu.memory_space<smem>>
    %iota3A = tpu.iota {dimensions = array<i32: 1>} : vector<1x1024xi32>
    %iota3A_32 = tpu.iota {dimensions = array<i32: 0>} : vector<1024x1xi32>
    %lt3A = arith.constant 512 : i32
    %lt3A_33 = vector.broadcast %lt3A : i32 to vector<1x1024xi32>
    %lt3A_34 = arith.cmpi slt, %iota3A, %lt3A_33 : vector<1x1024xi32>
    %sub3A = arith.constant 512 : i32
    %sub3A_35 = vector.broadcast %sub3A : i32 to vector<1x1024xi32>
    %sub3A_36 = arith.subi %iota3A, %sub3A_35 : vector<1x1024xi32>
    %select_n3A = arith.select %lt3A_34, %iota3A, %sub3A_36 : vector<1x1024xi1>, vector<1x1024xi32>
    %broadcast_in_dim3A = vector.broadcast %get3A_27 : i32 to vector<1x1024xi32>
    %broadcast_in_dim3A_37 = vector.broadcast %get3A_31 : i32 to vector<1x1024xi32>
    %select_n3A_38 = arith.select %lt3A_34, %broadcast_in_dim3A, %broadcast_in_dim3A_37 : vector<1x1024xi1>, vector<1x1024xi32>
    %lt3A_39 = arith.cmpi slt, %select_n3A, %select_n3A_38 : vector<1x1024xi32>
    %lt3A_40 = arith.constant 512 : i32
    %lt3A_41 = vector.broadcast %lt3A_40 : i32 to vector<1024x1xi32>
    %lt3A_42 = arith.cmpi slt, %iota3A_32, %lt3A_41 : vector<1024x1xi32>
    %sub3A_43 = arith.constant 512 : i32
    %sub3A_44 = vector.broadcast %sub3A_43 : i32 to vector<1024x1xi32>
    %sub3A_45 = arith.subi %iota3A_32, %sub3A_44 : vector<1024x1xi32>
    %select_n3A_46 = arith.select %lt3A_42, %iota3A_32, %sub3A_45 : vector<1024x1xi1>, vector<1024x1xi32>
    %broadcast_in_dim3A_47 = vector.broadcast %get3A_27 : i32 to vector<1024x1xi32>
    %broadcast_in_dim3A_48 = vector.broadcast %get3A_31 : i32 to vector<1024x1xi32>
    %select_n3A_49 = arith.select %lt3A_42, %broadcast_in_dim3A_47, %broadcast_in_dim3A_48 : vector<1024x1xi1>, vector<1024x1xi32>
    %lt3A_50 = arith.cmpi slt, %select_n3A_46, %select_n3A_49 : vector<1024x1xi32>
    %jit3A = arith.constant -3.400000e+38 : f32
    %broadcast_in_dim3A_51 = vector.broadcast %jit3A : f32 to vector<1x1024xf32>
    %select_n3A_52 = arith.select %lt3A_39, %get3A_3, %broadcast_in_dim3A_51 : vector<1x1024xi1>, vector<1x1024xf32>
    %jit3A_53 = arith.constant -3.400000e+38 : f32
    %broadcast_in_dim3A_54 = vector.broadcast %jit3A_53 : f32 to vector<1024x1xf32>
    %select_n3A_55 = arith.select %lt3A_50, %get3A_8, %broadcast_in_dim3A_54 : vector<1024x1xi1>, vector<1024x1xf32>
    %add3A = arith.constant 10000000 : i32
    %add3A_56 = vector.broadcast %add3A : i32 to vector<1x1024xi32>
    %add3A_57 = arith.addi %add3A_56, %iota3A : vector<1x1024xi32>
    %select_n3A_58 = arith.select %lt3A_39, %get3A_13, %add3A_57 : vector<1x1024xi1>, vector<1x1024xi32>
    %add3A_59 = arith.constant 10000000 : i32
    %add3A_60 = vector.broadcast %add3A_59 : i32 to vector<1024x1xi32>
    %add3A_61 = arith.addi %add3A_60, %iota3A_32 : vector<1024x1xi32>
    %select_n3A_62 = arith.select %lt3A_50, %get3A_18, %add3A_61 : vector<1024x1xi1>, vector<1024x1xi32>
    %gt3A = vector.broadcast %select_n3A_52 : vector<1x1024xf32> to vector<1024x1024xf32>
    %gt3A_63 = vector.broadcast %select_n3A_55 : vector<1024x1xf32> to vector<1024x1024xf32>
    %gt3A_64 = arith.cmpf ogt, %gt3A, %gt3A_63 : vector<1024x1024xf32>
    %eq3A = vector.broadcast %select_n3A_52 : vector<1x1024xf32> to vector<1024x1024xf32>
    %eq3A_65 = vector.broadcast %select_n3A_55 : vector<1024x1xf32> to vector<1024x1024xf32>
    %eq3A_66 = arith.cmpf oeq, %eq3A, %eq3A_65 : vector<1024x1024xf32>
    %lt3A_67 = vector.broadcast %select_n3A_58 : vector<1x1024xi32> to vector<1024x1024xi32>
    %lt3A_68 = vector.broadcast %select_n3A_62 : vector<1024x1xi32> to vector<1024x1024xi32>
    %lt3A_69 = arith.cmpi slt, %lt3A_67, %lt3A_68 : vector<1024x1024xi32>
    %and3A = arith.andi %eq3A_66, %lt3A_69 : vector<1024x1024xi1>
    %or3A = arith.ori %gt3A_64, %and3A : vector<1024x1024xi1>
    %convert_element_type3A = arith.extui %or3A : vector<1024x1024xi1> to vector<1024x1024xi32>
    %reduce_sum3A = arith.constant dense<0> : vector<1024xi32>
    %reduce_sum3A_70 = vector.multi_reduction <add>, %convert_element_type3A, %reduce_sum3A [1] : vector<1024x1024xi32> to vector<1024xi32>
    %broadcast_in_dim3A_71 = vector.shape_cast %reduce_sum3A_70 : vector<1024xi32> to vector<1024x1xi32>
    %iota3A_72 = tpu.iota {dimensions = array<i32: 1>} : vector<1x300xi32>
    %eq3A_73 = vector.broadcast %broadcast_in_dim3A_71 : vector<1024x1xi32> to vector<1024x300xi32>
    %eq3A_74 = vector.broadcast %iota3A_72 : vector<1x300xi32> to vector<1024x300xi32>
    %eq3A_75 = arith.cmpi eq, %eq3A_73, %eq3A_74 : vector<1024x300xi32>
    %and3A_76 = vector.broadcast %lt3A_50 : vector<1024x1xi1> to vector<1024x300xi1>
    %and3A_77 = arith.andi %eq3A_75, %and3A_76 : vector<1024x300xi1>
    %convert_element_type3A_78 = arith.extui %and3A_77 : vector<1024x300xi1> to vector<1024x300xi32>
    %convert_element_type3A_79 = arith.sitofp %convert_element_type3A_78 : vector<1024x300xi32> to vector<1024x300xf32>
    %jit3A_80 = arith.constant 0.000000e+00 : f32
    %broadcast_in_dim3A_81 = vector.broadcast %jit3A_80 : f32 to vector<1x1024xf32>
    %select_n3A_82 = arith.select %lt3A_39, %get3A_3, %broadcast_in_dim3A_81 : vector<1x1024xi1>, vector<1x1024xf32>
    %dot_general3A = arith.constant dense<0.000000e+00> : vector<1x300xf32>
    %dot_general3A_83 = tpu.matmul %select_n3A_82, %convert_element_type3A_79, %dot_general3A {dimension_numbers = #tpu.dot_dimension_numbers<[1], [0], [0], [1], [0, 0, 1, 1], [], []>, precision = #tpu.contract_precision<fp32>, transpose_lhs_hint = false} : vector<1x1024xf32>, vector<1024x300xf32>, vector<1x300xf32> -> vector<1x300xf32>
    %jit3A_84 = arith.constant 0 : i32
    %broadcast_in_dim3A_85 = vector.broadcast %jit3A_84 : i32 to vector<1x1024xi32>
    %select_n3A_86 = arith.select %lt3A_39, %get3A_13, %broadcast_in_dim3A_85 : vector<1x1024xi1>, vector<1x1024xi32>
    %convert_element_type3A_87 = arith.sitofp %select_n3A_86 : vector<1x1024xi32> to vector<1x1024xf32>
    %dot_general3A_88 = arith.constant dense<0.000000e+00> : vector<1x300xf32>
    %dot_general3A_89 = tpu.matmul %convert_element_type3A_87, %convert_element_type3A_79, %dot_general3A_88 {dimension_numbers = #tpu.dot_dimension_numbers<[1], [0], [0], [1], [0, 0, 1, 1], [], []>, precision = #tpu.contract_precision<fp32>, transpose_lhs_hint = false} : vector<1x1024xf32>, vector<1024x300xf32>, vector<1x300xf32> -> vector<1x300xf32>
    %jit3A_90 = arith.constant 0.000000e+00 : f32
    %broadcast_in_dim3A_91 = vector.shape_cast %lt3A_39 : vector<1x1024xi1> to vector<1x1024xi1>
    %broadcast_in_dim3A_92 = vector.broadcast %broadcast_in_dim3A_91 : vector<1x1024xi1> to vector<4x1024xi1>
    %broadcast_in_dim3A_93 = vector.broadcast %jit3A_90 : f32 to vector<4x1024xf32>
    %select_n3A_94 = arith.select %broadcast_in_dim3A_92, %get3A_23, %broadcast_in_dim3A_93 : vector<4x1024xi1>, vector<4x1024xf32>
    %dot_general3A_95 = arith.constant dense<0.000000e+00> : vector<4x300xf32>
    %dot_general3A_96 = tpu.matmul %select_n3A_94, %convert_element_type3A_79, %dot_general3A_95 {dimension_numbers = #tpu.dot_dimension_numbers<[1], [0], [0], [1], [0, 0, 1, 1], [], []>, precision = #tpu.contract_precision<fp32>, transpose_lhs_hint = false} : vector<4x1024xf32>, vector<1024x300xf32>, vector<4x300xf32> -> vector<4x300xf32>
    %convert_element_type3A_97 = arith.fptosi %dot_general3A_89 : vector<1x300xf32> to vector<1x300xi32>
    %jit3A_98 = arith.constant 80 : i32
    %div3A = vector.broadcast %jit3A_98 : i32 to vector<1x300xi32>
    %div3A_99 = arith.divsi %convert_element_type3A_97, %div3A : vector<1x300xi32>
    %sign3A = arith.constant 0 : i32
    %sign3A_100 = vector.broadcast %sign3A : i32 to vector<1x300xi32>
    %sign3A_101 = arith.cmpi sgt, %convert_element_type3A_97, %sign3A_100 : vector<1x300xi32>
    %sign3A_102 = arith.extui %sign3A_101 : vector<1x300xi1> to vector<1x300xi32>
    %sign3A_103 = arith.constant 0 : i32
    %sign3A_104 = vector.broadcast %sign3A_103 : i32 to vector<1x300xi32>
    %sign3A_105 = arith.cmpi slt, %convert_element_type3A_97, %sign3A_104 : vector<1x300xi32>
    %sign3A_106 = arith.extui %sign3A_105 : vector<1x300xi1> to vector<1x300xi32>
    %sign3A_107 = arith.subi %sign3A_102, %sign3A_106 : vector<1x300xi32>
    %sign3A_108 = arith.constant 0 : i32
    %sign3A_109 = arith.cmpi sgt, %jit3A_98, %sign3A_108 : i32
    %sign3A_110 = arith.extui %sign3A_109 : i1 to i32
    %sign3A_111 = arith.constant 0 : i32
    %sign3A_112 = arith.cmpi slt, %jit3A_98, %sign3A_111 : i32
    %sign3A_113 = arith.extui %sign3A_112 : i1 to i32
    %sign3A_114 = arith.subi %sign3A_110, %sign3A_113 : i32
    %ne3A = vector.broadcast %sign3A_114 : i32 to vector<1x300xi32>
    %ne3A_115 = arith.cmpi ne, %sign3A_107, %ne3A : vector<1x300xi32>
    %rem3A = vector.broadcast %jit3A_98 : i32 to vector<1x300xi32>
    %rem3A_116 = arith.remsi %convert_element_type3A_97, %rem3A : vector<1x300xi32>
    %ne3A_117 = arith.constant 0 : i32
    %ne3A_118 = vector.broadcast %ne3A_117 : i32 to vector<1x300xi32>
    %ne3A_119 = arith.cmpi ne, %rem3A_116, %ne3A_118 : vector<1x300xi32>
    %and3A_120 = arith.andi %ne3A_115, %ne3A_119 : vector<1x300xi1>
    %sub3A_121 = arith.constant 1 : i32
    %sub3A_122 = vector.broadcast %sub3A_121 : i32 to vector<1x300xi32>
    %sub3A_123 = arith.subi %div3A_99, %sub3A_122 : vector<1x300xi32>
    %select_n3A_124 = arith.select %and3A_120, %sub3A_123, %div3A_99 : vector<1x300xi1>, vector<1x300xi32>
    %mul3A = arith.constant 80 : i32
    %mul3A_125 = vector.broadcast %mul3A : i32 to vector<1x300xi32>
    %mul3A_126 = arith.muli %select_n3A_124, %mul3A_125 : vector<1x300xi32>
    %sub3A_127 = arith.subi %convert_element_type3A_97, %mul3A_126 : vector<1x300xi32>
    %slice3A = vector.extract_strided_slice %dot_general3A_96 {offsets = [0, 0], sizes = [1, 300], strides = [1, 1]} : vector<4x300xf32> to vector<1x300xf32>
    %mul3A_128 = arith.constant 6.400000e+02 : f32
    %mul3A_129 = vector.broadcast %mul3A_128 : f32 to vector<1x300xf32>
    %mul3A_130 = arith.mulf %slice3A, %mul3A_129 : vector<1x300xf32>
    %slice3A_131 = vector.extract_strided_slice %dot_general3A_96 {offsets = [1, 0], sizes = [1, 300], strides = [1, 1]} : vector<4x300xf32> to vector<1x300xf32>
    %mul3A_132 = arith.constant 6.400000e+02 : f32
    %mul3A_133 = vector.broadcast %mul3A_132 : f32 to vector<1x300xf32>
    %mul3A_134 = arith.mulf %slice3A_131, %mul3A_133 : vector<1x300xf32>
    %slice3A_135 = vector.extract_strided_slice %dot_general3A_96 {offsets = [2, 0], sizes = [1, 300], strides = [1, 1]} : vector<4x300xf32> to vector<1x300xf32>
    %mul3A_136 = arith.constant 6.400000e+02 : f32
    %mul3A_137 = vector.broadcast %mul3A_136 : f32 to vector<1x300xf32>
    %mul3A_138 = arith.mulf %slice3A_135, %mul3A_137 : vector<1x300xf32>
    %slice3A_139 = vector.extract_strided_slice %dot_general3A_96 {offsets = [3, 0], sizes = [1, 300], strides = [1, 1]} : vector<4x300xf32> to vector<1x300xf32>
    %mul3A_140 = arith.constant 6.400000e+02 : f32
    %mul3A_141 = vector.broadcast %mul3A_140 : f32 to vector<1x300xf32>
    %mul3A_142 = arith.mulf %slice3A_139, %mul3A_141 : vector<1x300xf32>
    %mul3A_143 = arith.constant 5.000000e-01 : f32
    %mul3A_144 = vector.broadcast %mul3A_143 : f32 to vector<1x300xf32>
    %mul3A_145 = arith.mulf %mul3A_138, %mul3A_144 : vector<1x300xf32>
    %sub3A_146 = arith.subf %mul3A_130, %mul3A_145 : vector<1x300xf32>
    %mul3A_147 = arith.constant 5.000000e-01 : f32
    %mul3A_148 = vector.broadcast %mul3A_147 : f32 to vector<1x300xf32>
    %mul3A_149 = arith.mulf %mul3A_142, %mul3A_148 : vector<1x300xf32>
    %sub3A_150 = arith.subf %mul3A_134, %mul3A_149 : vector<1x300xf32>
    %mul3A_151 = arith.constant 5.000000e-01 : f32
    %mul3A_152 = vector.broadcast %mul3A_151 : f32 to vector<1x300xf32>
    %mul3A_153 = arith.mulf %mul3A_138, %mul3A_152 : vector<1x300xf32>
    %add3A_154 = arith.addf %mul3A_130, %mul3A_153 : vector<1x300xf32>
    %mul3A_155 = arith.constant 5.000000e-01 : f32
    %mul3A_156 = vector.broadcast %mul3A_155 : f32 to vector<1x300xf32>
    %mul3A_157 = arith.mulf %mul3A_142, %mul3A_156 : vector<1x300xf32>
    %add3A_158 = arith.addf %mul3A_134, %mul3A_157 : vector<1x300xf32>
    %get3A_159 = arith.constant 0 : index
    %get3A_160 = arith.constant 0 : index
    %get3A_161 = arith.constant 0 : index
    %get3A_162 = memref.load %arg8[%get3A_159, %get3A_160, %get3A_161] : memref<1x1x4xf32, #tpu.memory_space<smem>>
    %get3A_163 = arith.constant 0 : index
    %get3A_164 = arith.constant 0 : index
    %get3A_165 = arith.constant 2 : index
    %get3A_166 = memref.load %arg8[%get3A_163, %get3A_164, %get3A_165] : memref<1x1x4xf32, #tpu.memory_space<smem>>
    %get3A_167 = arith.constant 0 : index
    %get3A_168 = arith.constant 0 : index
    %get3A_169 = arith.constant 0 : index
    %get3A_170 = memref.load %arg7[%get3A_167, %get3A_168, %get3A_169] : memref<1x1x2xf32, #tpu.memory_space<smem>>
    %get3A_171 = arith.constant 0 : index
    %get3A_172 = arith.constant 0 : index
    %get3A_173 = arith.constant 1 : index
    %get3A_174 = memref.load %arg7[%get3A_171, %get3A_172, %get3A_173] : memref<1x1x2xf32, #tpu.memory_space<smem>>
    %sub3A_175 = vector.broadcast %get3A_166 : f32 to vector<1x300xf32>
    %sub3A_176 = arith.subf %sub3A_146, %sub3A_175 : vector<1x300xf32>
    %div3A_177 = vector.broadcast %get3A_170 : f32 to vector<1x300xf32>
    %div3A_178 = arith.divf %sub3A_176, %div3A_177 : vector<1x300xf32>
    %sub3A_179 = vector.broadcast %get3A_162 : f32 to vector<1x300xf32>
    %sub3A_180 = arith.subf %sub3A_150, %sub3A_179 : vector<1x300xf32>
    %div3A_181 = vector.broadcast %get3A_174 : f32 to vector<1x300xf32>
    %div3A_182 = arith.divf %sub3A_180, %div3A_181 : vector<1x300xf32>
    %sub3A_183 = vector.broadcast %get3A_166 : f32 to vector<1x300xf32>
    %sub3A_184 = arith.subf %add3A_154, %sub3A_183 : vector<1x300xf32>
    %div3A_185 = vector.broadcast %get3A_170 : f32 to vector<1x300xf32>
    %div3A_186 = arith.divf %sub3A_184, %div3A_185 : vector<1x300xf32>
    %sub3A_187 = vector.broadcast %get3A_162 : f32 to vector<1x300xf32>
    %sub3A_188 = arith.subf %add3A_158, %sub3A_187 : vector<1x300xf32>
    %div3A_189 = vector.broadcast %get3A_174 : f32 to vector<1x300xf32>
    %div3A_190 = arith.divf %sub3A_188, %div3A_189 : vector<1x300xf32>
    %get3A_191 = arith.constant 0 : index
    %get3A_192 = arith.constant 0 : index
    %get3A_193 = arith.constant 0 : index
    %get3A_194 = memref.load %arg9[%get3A_191, %get3A_192, %get3A_193] : memref<1x1x2xi32, #tpu.memory_space<smem>>
    %convert_element_type3A_195 = arith.sitofp %get3A_194 : i32 to f32
    %get3A_196 = arith.constant 0 : index
    %get3A_197 = arith.constant 0 : index
    %get3A_198 = arith.constant 1 : index
    %get3A_199 = memref.load %arg9[%get3A_196, %get3A_197, %get3A_198] : memref<1x1x2xi32, #tpu.memory_space<smem>>
    %convert_element_type3A_200 = arith.sitofp %get3A_199 : i32 to f32
    %jit3A_201 = arith.constant 0.000000e+00 : f32
    %max3A = vector.broadcast %jit3A_201 : f32 to vector<1x300xf32>
    %max3A_202 = arith.maximumf %max3A, %div3A_178 : vector<1x300xf32>
    %min3A = vector.broadcast %convert_element_type3A_200 : f32 to vector<1x300xf32>
    %min3A_203 = arith.minimumf %min3A, %max3A_202 : vector<1x300xf32>
    %jit3A_204 = arith.constant 0.000000e+00 : f32
    %max3A_205 = vector.broadcast %jit3A_204 : f32 to vector<1x300xf32>
    %max3A_206 = arith.maximumf %max3A_205, %div3A_182 : vector<1x300xf32>
    %min3A_207 = vector.broadcast %convert_element_type3A_195 : f32 to vector<1x300xf32>
    %min3A_208 = arith.minimumf %min3A_207, %max3A_206 : vector<1x300xf32>
    %jit3A_209 = arith.constant 0.000000e+00 : f32
    %max3A_210 = vector.broadcast %jit3A_209 : f32 to vector<1x300xf32>
    %max3A_211 = arith.maximumf %max3A_210, %div3A_186 : vector<1x300xf32>
    %min3A_212 = vector.broadcast %convert_element_type3A_200 : f32 to vector<1x300xf32>
    %min3A_213 = arith.minimumf %min3A_212, %max3A_211 : vector<1x300xf32>
    %jit3A_214 = arith.constant 0.000000e+00 : f32
    %max3A_215 = vector.broadcast %jit3A_214 : f32 to vector<1x300xf32>
    %max3A_216 = arith.maximumf %max3A_215, %div3A_190 : vector<1x300xf32>
    %min3A_217 = vector.broadcast %convert_element_type3A_195 : f32 to vector<1x300xf32>
    %min3A_218 = arith.minimumf %min3A_217, %max3A_216 : vector<1x300xf32>
    %logistic3A = arith.negf %dot_general3A_83 : vector<1x300xf32>
    %logistic3A_219 = math.exp %logistic3A : vector<1x300xf32>
    %logistic3A_220 = arith.constant 1.000000e+00 : f32
    %logistic3A_221 = vector.broadcast %logistic3A_220 : f32 to vector<1x300xf32>
    %logistic3A_222 = arith.addf %logistic3A_221, %logistic3A_219 : vector<1x300xf32>
    %logistic3A_223 = arith.divf %logistic3A_221, %logistic3A_222 : vector<1x300xf32>
    %reshape3A = vector.shape_cast %logistic3A_223 : vector<1x300xf32> to vector<1x1x300xf32>
    %swap3A = arith.constant 0 : index
    %swap3A_224 = arith.constant 0 : index
    %swap3A_225 = arith.constant 0 : index
    %swap3A_226 = vector.load %arg10[%swap3A, %swap3A_224, %swap3A_225] : memref<1x1x300xf32, #tpu.memory_space<vmem>>, vector<1x1x300xf32>
    tpu.vector_store %arg10[%swap3A, %swap3A_224, %swap3A_225], %reshape3A {strides = array<i32>} : memref<1x1x300xf32, #tpu.memory_space<vmem>>, vector<1x1x300xf32>,
    %reshape3A_227 = vector.shape_cast %sub3A_127 : vector<1x300xi32> to vector<1x1x300xi32>
    %swap3A_228 = arith.constant 0 : index
    %swap3A_229 = arith.constant 0 : index
    %swap3A_230 = arith.constant 0 : index
    %swap3A_231 = vector.load %arg11[%swap3A_228, %swap3A_229, %swap3A_230] : memref<1x1x300xi32, #tpu.memory_space<vmem>>, vector<1x1x300xi32>
    tpu.vector_store %arg11[%swap3A_228, %swap3A_229, %swap3A_230], %reshape3A_227 {strides = array<i32>} : memref<1x1x300xi32, #tpu.memory_space<vmem>>, vector<1x1x300xi32>,
    %swap3A_232 = arith.constant 0 : index
    %swap3A_233 = arith.constant 0 : index
    %swap3A_234 = arith.constant 0 : index
    %swap3A_235 = vector.load %arg12[%swap3A_232, %swap3A_233, %swap3A_234] : memref<1x4x300xf32, #tpu.memory_space<vmem>>, vector<1x1x300xf32>
    %swap3A_236 = vector.shape_cast %swap3A_235 : vector<1x1x300xf32> to vector<1x300xf32>
    %swap3A_237 = vector.shape_cast %min3A_203 : vector<1x300xf32> to vector<1x1x300xf32>
    tpu.vector_store %arg12[%swap3A_232, %swap3A_233, %swap3A_234], %swap3A_237 {strides = array<i32>} : memref<1x4x300xf32, #tpu.memory_space<vmem>>, vector<1x1x300xf32>,
    %swap3A_238 = arith.constant 0 : index
    %swap3A_239 = arith.constant 1 : index
    %swap3A_240 = arith.constant 0 : index
    %swap3A_241 = vector.load %arg12[%swap3A_238, %swap3A_239, %swap3A_240] : memref<1x4x300xf32, #tpu.memory_space<vmem>>, vector<1x1x300xf32>
    %swap3A_242 = vector.shape_cast %swap3A_241 : vector<1x1x300xf32> to vector<1x300xf32>
    %swap3A_243 = vector.shape_cast %min3A_208 : vector<1x300xf32> to vector<1x1x300xf32>
    tpu.vector_store %arg12[%swap3A_238, %swap3A_239, %swap3A_240], %swap3A_243 {strides = array<i32>} : memref<1x4x300xf32, #tpu.memory_space<vmem>>, vector<1x1x300xf32>,
    %sub3A_244 = arith.subf %min3A_213, %min3A_203 : vector<1x300xf32>
    %swap3A_245 = arith.constant 0 : index
    %swap3A_246 = arith.constant 2 : index
    %swap3A_247 = arith.constant 0 : index
    %swap3A_248 = vector.load %arg12[%swap3A_245, %swap3A_246, %swap3A_247] : memref<1x4x300xf32, #tpu.memory_space<vmem>>, vector<1x1x300xf32>
    %swap3A_249 = vector.shape_cast %swap3A_248 : vector<1x1x300xf32> to vector<1x300xf32>
    %swap3A_250 = vector.shape_cast %sub3A_244 : vector<1x300xf32> to vector<1x1x300xf32>
    tpu.vector_store %arg12[%swap3A_245, %swap3A_246, %swap3A_247], %swap3A_250 {strides = array<i32>} : memref<1x4x300xf32, #tpu.memory_space<vmem>>, vector<1x1x300xf32>,
    %sub3A_251 = arith.subf %min3A_218, %min3A_208 : vector<1x300xf32>
    %swap3A_252 = arith.constant 0 : index
    %swap3A_253 = arith.constant 3 : index
    %swap3A_254 = arith.constant 0 : index
    %swap3A_255 = vector.load %arg12[%swap3A_252, %swap3A_253, %swap3A_254] : memref<1x4x300xf32, #tpu.memory_space<vmem>>, vector<1x1x300xf32>
    %swap3A_256 = vector.shape_cast %swap3A_255 : vector<1x1x300xf32> to vector<1x300xf32>
    %swap3A_257 = vector.shape_cast %sub3A_251 : vector<1x300xf32> to vector<1x1x300xf32>
    tpu.vector_store %arg12[%swap3A_252, %swap3A_253, %swap3A_254], %swap3A_257 {strides = array<i32>} : memref<1x4x300xf32, #tpu.memory_space<vmem>>, vector<1x1x300xf32>,
    return
  }
  func.func @transform_0(%arg0: i32) -> (i32, i32, i32) {
    %c0_i32 = arith.constant 0 : i32
    %c0_i32_0 = arith.constant 0 : i32
    %c0_i32_1 = arith.constant 0 : i32
    return %arg0, %c0_i32, %c0_i32_0 : i32, i32, i32
  }
  func.func @transform_1(%arg0: i32) -> (i32, i32, i32) {
    %c0_i32 = arith.constant 0 : i32
    %c0_i32_0 = arith.constant 0 : i32
    %c0_i32_1 = arith.constant 0 : i32
    return %arg0, %c0_i32, %c0_i32_0 : i32, i32, i32
  }
  func.func @transform_2(%arg0: i32) -> (i32, i32, i32) {
    %c0_i32 = arith.constant 0 : i32
    %c0_i32_0 = arith.constant 0 : i32
    %c0_i32_1 = arith.constant 0 : i32
    return %arg0, %c0_i32, %c0_i32_0 : i32, i32, i32
  }
  func.func @transform_3(%arg0: i32) -> (i32, i32, i32) {
    %c0_i32 = arith.constant 0 : i32
    %c0_i32_0 = arith.constant 0 : i32
    %c0_i32_1 = arith.constant 0 : i32
    return %arg0, %c0_i32, %c0_i32_0 : i32, i32, i32
  }
  func.func @transform_4(%arg0: i32) -> (i32, i32, i32) {
    %c0_i32 = arith.constant 0 : i32
    %c0_i32_0 = arith.constant 0 : i32
    %c0_i32_1 = arith.constant 0 : i32
    return %arg0, %c0_i32, %c0_i32_0 : i32, i32, i32
  }
  func.func @transform_5(%arg0: i32) -> (i32, i32, i32) {
    %c0_i32 = arith.constant 0 : i32
    %c0_i32_0 = arith.constant 0 : i32
    %c0_i32_1 = arith.constant 0 : i32
    return %arg0, %c0_i32, %c0_i32_0 : i32, i32, i32
  }
  func.func @transform_6(%arg0: i32) -> (i32, i32, i32) {
    %c0_i32 = arith.constant 0 : i32
    %c0_i32_0 = arith.constant 0 : i32
    %c0_i32_1 = arith.constant 0 : i32
    return %arg0, %c0_i32, %c0_i32_0 : i32, i32, i32
  }
  func.func @transform_7(%arg0: i32) -> (i32, i32, i32) {
    %c0_i32 = arith.constant 0 : i32
    %c0_i32_0 = arith.constant 0 : i32
    %c0_i32_1 = arith.constant 0 : i32
    return %arg0, %c0_i32, %c0_i32_0 : i32, i32, i32
  }
  func.func @transform_8(%arg0: i32) -> (i32, i32, i32) {
    %c0_i32 = arith.constant 0 : i32
    %c0_i32_0 = arith.constant 0 : i32
    %c0_i32_1 = arith.constant 0 : i32
    return %arg0, %c0_i32, %c0_i32_0 : i32, i32, i32
  }
  func.func @transform_9(%arg0: i32) -> (i32, i32, i32) {
    %c0_i32 = arith.constant 0 : i32
    %c0_i32_0 = arith.constant 0 : i32
    %c0_i32_1 = arith.constant 0 : i32
    return %arg0, %c0_i32, %c0_i32_0 : i32, i32, i32
  }
  func.func @transform_10(%arg0: i32) -> (i32, i32, i32) {
    %c0_i32 = arith.constant 0 : i32
    %c0_i32_0 = arith.constant 0 : i32
    %c0_i32_1 = arith.constant 0 : i32
    return %arg0, %c0_i32, %c0_i32_0 : i32, i32, i32
  }
  func.func @transform_11(%arg0: i32) -> (i32, i32, i32) {
    %c0_i32 = arith.constant 0 : i32
    %c0_i32_0 = arith.constant 0 : i32
    %c0_i32_1 = arith.constant 0 : i32
    return %arg0, %c0_i32, %c0_i32_0 : i32, i32, i32
  }
}

</mosaic_0001>

<sc_bundles>
// kernel: kernel.5.cloned.1.call-start
scs
__scs_entry_jumppad:
0x0: {  	(pc) =	sbr.rel $0x88, $3  }
0x1: {  	(tag) =	ssettag $0x0;
	lr =	simm.s32 $0x1  }
0x2: {  	[smem:$0x3F9C] =	sst lr;
	_ =	strace $0xD0000000  }
0x3: {  	_ = 	snop  }
0x4: {  	_ = 	snop  }
0x5: {  	_ = 	snop  }
0x6: {  	_ = 	snop  }
0x7: {  	_ = 	snop  }
__scs_overlays_trampoline_lowered:
0x8: {  	[smem:$0x3FAB] =	sst s0  }
0x9: {  	[smem:$0x3FAC] =	sst s1  }
0xa: {  	[smem:$0x3FAD] =	sst s2  }
0xb: {  	[smem:$0x3FAE] =	sst s3  }
0xc: {  	[smem:$0x3FAF] =	sst s4  }
0xd: {  	[smem:$0x3FB0] =	sst s5  }
0xe: {  	[smem:$0x3FB1] =	sst s6  }
0xf: {  	[smem:$0x3FB2] =	sst s7  }
0x10: {  	[smem:$0x3FB3] =	sst s8  }
0x11: {  	[smem:$0x3FB4] =	sst s9;
	s0 =	simm.s32 @!p0 $0x0  }
0x12: {  	s1 =	sld [smem:$0x3F9A];
	s0 =	simm.s32 @p0 $0x1  }
0x13: {  	[smem:$0x3FB5] =	sst s0;
	s0 =	simm.s32 @!p1 $0x0  }
0x14: {  	s2 =	sld [smem:$0x3F99];
	s0 =	simm.s32 @p1 $0x1  }
0x15: {  	[smem:$0x3FB6] =	sst s0;
	s0 =	simm.s32 @!p2 $0x0  }
0x16: {  	s3 =	sld [smem:$0x3FDB];
	s0 =	simm.s32 @p2 $0x1  }
0x17: {  	s4 =	simm.s32 $0x1BF5;
	[smem:$0x3FB8] =	sst s0  }
0x18: {  	s0 =	sld [smem:$0x3F9B];
	_ =	swait.ge [sflag:s4], $0x0  }
0x19: {  	s7 =	sld [smem:$0x3F9C]  }
0x1a: {  	s8 =	sadd.s32 $0xFFFFE003, lr  }
0x1b: {  	s9 =	sadd.s32 $0xFFFFFEF7, lr;
	s5 =	simm.s32 $0xFFFFFFFF;
	p2 =	slt.u32 s8, $0xFFFFF086  }
0x1c: {  	p1 =	slt.u32 s9, $0xF7A;
	s5 =	simm.s32 @!p2 $0x0  }
0x1d: {  	s5 =	simm.s32 @p1 $0x1;
	p0 =	seq.s32 s7, s2  }
0x1e: {  	s7 =	smul.u32 @!p0 $0xF7A, s2;
	p2 =	seq.s32 @!p0 s5, $0x0  }
0x1f: {  	s9 =	smul.u32 $0xF7A, s1;
	s8 =	simm.s32 @!p0 $0x1BF5;
	p2 =	por !p2, p0  }
0x20: {  	[sflag:s8] =	ssyncset.s32 @!p0 $0xFFFFF086;
	s6 =	sadd.s32 @!p0 s3, s7;
	s7 =	simm.s32 @!p0 $0x108  }
0x21: {  	s3 =	sadd.s32 s3, s9;
	s6 =	sadd.s32 @!p0 $0x88, s6;
	s7 =	simm.s32 @p2 $0x1082  }
0x22: {  	[simem:s7], [sflag:s8] =	dma.local @!p0 [hbm:s6], $0xF7A  }
0x23: {  	s9 =	sor.u32 $0xD0000000, s2;
	s6 =	simm.s32 $0x108;
	_ =	swait.ge @!p0 [sflag:s8], $0x0  }
0x24: {  	s3 =	sadd.s32 $0x88, s3;
	s6 =	simm.s32 @!p1 $0x1082;
	[sflag:s4] =	ssyncset.s32 $0xFFFFF086  }
0x25: {  	[simem:s6], [sflag:s4] =	dma.local [hbm:s3], $0xF7A  }
0x26: {  	[smem:$0x3F9C] =	sst s1;
	(tag) =	ssettag s2;
	_ =	strace s9  }
0x27: {  	s1 =	sld [smem:$0x3FAC]  }
0x28: {  	s2 =	sld [smem:$0x3FAD]  }
0x29: {  	s4 =	sld [smem:$0x3FAF]  }
0x2a: {  	p0 =	seq.s32 s5, $0x0;
	s5 =	sld [smem:$0x3FB0]  }
0x2b: {  	s6 =	sld [smem:$0x3FB1]  }
0x2c: {  	s7 =	sld [smem:$0x3FB2]  }
0x2d: {  	s3 =	simm.s32 $0x108;
	s8 =	sld [smem:$0x3FB3]  }
0x2e: {  	s3 =	simm.s32 @!p0 $0x1082;
	s9 =	sld [smem:$0x3FB4]  }
0x2f: {  	lr =	sadd.s32 s0, s3;
	s0 =	sld [smem:$0x3FAB]  }
0x30: {  	s3 =	sld [smem:$0x3FAE]  }
0x31: {  	[smem:$0x3FB7] =	sst s10  }
0x32: {  	s10 =	sld [smem:$0x3FB5];
	_ =	sdelay $0x3  }
0x33: {  	p0 =	seq.s32 s10, $0x1;
	s10 =	sld [smem:$0x3FB7];
	_ =	sdelay $0x3  }
0x34: {  	[smem:$0x3FB7] =	sst s10  }
0x35: {  	s10 =	sld [smem:$0x3FB6];
	_ =	sdelay $0x3  }
0x36: {  	p1 =	seq.s32 s10, $0x1;
	s10 =	sld [smem:$0x3FB7];
	_ =	sdelay $0x3  }
0x37: {  	[smem:$0x3FB7] =	sst s10  }
0x38: {  	s10 =	sld [smem:$0x3FB8]  }
0x39: {  	_ = 	snop;
	(pc) =	sbr.ind lr, $3  }
0x3a: {  	_ = 	snop  }
0x3b: {  	_ = 	snop  }
0x3c: {  	p2 =	seq.s32 s10, $0x1;
	s10 =	sld [smem:$0x3FB7]  }
0x3d: {  	_ =	shalt  }
0x3e: {  	_ =	shalt  }
0x3f: {  	_ =	shalt  }
0x40: {  	_ =	shalt  }
0x41: {  	_ =	shalt  }
0x42: {  	_ =	shalt  }
0x43: {  	_ =	shalt  }
0x44: {  	_ =	shalt  }
0x45: {  	_ =	shalt  }
0x46: {  	_ =	shalt  }
0x47: {  	_ =	shalt  }
0x48: {  	_ =	shalt  }
0x49: {  	_ =	shalt  }
0x4a: {  	_ =	shalt  }
0x4b: {  	_ =	shalt  }
0x4c: {  	_ =	shalt  }
0x4d: {  	_ =	shalt  }
0x4e: {  	_ =	shalt  }
0x4f: {  	_ =	shalt  }
0x50: {  	_ =	shalt  }
0x51: {  	_ =	shalt  }
0x52: {  	_ =	shalt  }
0x53: {  	_ =	shalt  }
0x54: {  	_ =	shalt  }
0x55: {  	_ =	shalt  }
0x56: {  	_ =	shalt  }
0x57: {  	_ =	shalt  }
0x58: {  	_ =	shalt  }
0x59: {  	_ =	shalt  }
0x5a: {  	_ =	shalt  }
0x5b: {  	_ =	shalt  }
0x5c: {  	_ =	shalt  }
0x5d: {  	_ =	shalt  }
0x5e: {  	_ =	shalt  }
0x5f: {  	_ =	shalt  }
0x60: {  	_ =	shalt  }
0x61: {  	_ =	shalt  }
0x62: {  	_ =	shalt  }
0x63: {  	_ =	shalt  }
0x64: {  	_ =	shalt  }
0x65: {  	_ =	shalt  }
0x66: {  	_ =	shalt  }
0x67: {  	_ =	shalt  }
0x68: {  	_ =	shalt  }
0x69: {  	_ =	shalt  }
0x6a: {  	_ =	shalt  }
0x6b: {  	_ =	shalt  }
0x6c: {  	_ =	shalt  }
0x6d: {  	_ =	shalt  }
0x6e: {  	_ =	shalt  }
0x6f: {  	_ =	shalt  }
0x70: {  	_ =	shalt  }
0x71: {  	_ =	shalt  }
0x72: {  	_ =	shalt  }
0x73: {  	_ =	shalt  }
0x74: {  	_ =	shalt  }
0x75: {  	_ =	shalt  }
0x76: {  	_ =	shalt  }
0x77: {  	_ =	shalt  }
0x78: {  	_ =	shalt  }
0x79: {  	_ =	shalt  }
0x7a: {  	_ =	shalt  }
0x7b: {  	_ =	shalt  }
0x7c: {  	_ =	shalt  }
0x7d: {  	_ =	shalt  }
0x7e: {  	_ =	shalt  }
0x7f: {  	_ =	shalt  }
0x80: {  	_ =	shalt  }
0x81: {  	_ =	shalt  }
0x82: {  	_ =	shalt  }
0x83: {  	_ =	shalt  }
0x84: {  	_ =	shalt  }
0x85: {  	_ =	shalt  }
0x86: {  	_ =	shalt  }
0x87: {  	_ =	shalt  }
.Lfunc_end0:
.L_simem_size_0:
called_computation_lowered:
.L_overlay_start_0:
0x88: {  	s2 =	sld [smem:$0x3FD9]  }
0x89: {  	s3 =	sld [smem:$0x3FFE];
	_ =	sdelay $0x1  }
0x8a: {  	s1 =	srdreg.scid  }
0x8b: {  	s0 =	sand.u32 $0x1, s1  }
0x8c: {  	s14 =	sshll.u32 s0, $0xA;
	s2 =	sadd.s32 s3, s2  }
0x8d: {  	s2 =	sadd.s32 s2, s14  }
0x8e: {  	[smem:$0x3FC3] =	sst s2  }
0x8f: {  	_ = 	snop  }
0x90: {  	s2 =	sld [smem:$0x3FD0];
	_ =	sdelay $0x2  }
0x91: {  	s15 =	simm.s32 $0xA;
	s4 =	simm.s32 $0x10  }
0x92: {  	[smem:s4], [sflag:s15] =	dma.local [hbm:s2], $0x1  }
0x93: {  	_ =	swait.eq [sflag:s15], $0x1  }
0x94: {  	s16 =	sld [smem:$0x10];
	[sflag:s15] =	ssyncset.done $0x0  }
0x95: {  	s17 =	sld [smem:$0x11];
	[sflag:s15] =	ssyncadd.s32 $0xFFFFFFFF  }
0x96: {  	s18 =	sld [smem:$0x12];
	(tm) =	ssettm $0x1  }
0x97: {  	s5 =	sld [smem:$0x3FFB];
	_ =	sdelay $0x3  }
0x98: {  	_ =	strace s5  }
0x99: {  	s5 =	sld [smem:$0x3FFC];
	_ =	sdelay $0x3  }
0x9a: {  	_ =	strace s5  }
0x9b: {  	s5 =	sld [smem:$0x3FFD];
	_ =	sdelay $0x3  }
0x9c: {  	_ =	strace s5  }
0x9d: {  	_ =	strace $0x8FFFFFFF  }
0x9e: {  	s19 =	sld [smem:$0x3FDB];
	_ =	sdelay $0x1  }
0x9f: {  	s6 =	simm.s32 $_scs_section_size  }
0xa0: {  	s7 =	simm.s32 $_size__tile_overlayer_lowered;
	s8 =	simm.s32 $_tile_overlayer_lowered  }
0xa1: {  	s22 =	simm.s32 $0x1BFF;
	s21 =	sshll.u32 s8, $0x1;
	s5 =	sadd.s32 s6, s19  }
0xa2: {  	s9 =	simm.s32 $0x0;
	s20 =	sshll.u32 s7, $0x1;
	s7 =	sadd.s32 s21, s5  }
0xa3: {  	[timem:s9], [sflag:s22] =	dma.local [hbm:s7], s20  }
0xa4: {  	_ =	swait.ge [sflag:s22], s20  }
0xa5: {  	s6 =	ssub.s32 $0x0, s20;
	[sflag:s22] =	ssyncset.done $0x0  }
0xa6: {  	[sflag:s22] =	ssyncadd.s32 s6;
	_ =	sdelay $0x1  }
0xa7: {  	s23 =	simm.s32 $0x1B8B  }
0xa8: {  	_ =	swait.ge [sflag:s23], $0x1  }
0xa9: {  	[sflag:s23] =	ssyncset.done $0x0  }
0xaa: {  	s25 =	simm.s32 $0x1B8E;
	s24 =	sld [smem:$0x3FFE];
	[sflag:s23] =	ssyncadd.s32 $0xFFFFFFFF  }
0xab: {  	s26 =	simm.s32 $execute0_lowered;
	[smem:$0x3FD2] =	sst s25  }
0xac: {  	s7 =	sshll.u32 s26, $0x1;
	_ =	strace $0x80000046;
	[dreg:$0x1] =	wrdreg $0xFFFFFFFF  }
0xad: {  	s28 =	simm.s32 $_size_execute0_lowered;
	s5 =	sadd.s32 s5, s7;
	[dreg:$0x0] =	wrdreg $0x0  }
0xae: {  	s7 =	sshll.u32 s28, $0x1;
	[dreg:$0x2] =	wrdreg s5  }
0xaf: {  	[dreg:$0x3] =	wrdreg s7  }
0xb0: {  	[dreg:$0x4] =	wrdreg $0xC0  }
0xb1: {  	_ =	task [dreg:s9], $0x5FFFF  }
0xb2: {  	[dreg:$0x1] =	wrdreg $0xFFFFFFFF  }
0xb3: {  	[dreg:$0x0] =	wrdreg $0x60  }
0xb4: {  	[dreg:$0x2] =	wrdreg s24  }
0xb5: {  	[dreg:$0x3] =	wrdreg s16  }
0xb6: {  	[dreg:$0x4] =	wrdreg s18  }
0xb7: {  	[dreg:$0x5] =	wrdreg s17  }
0xb8: {  	[dreg:$0x6] =	wrdreg $0x9  }
0xb9: {  	_ =	task.clear_ibuf [dreg:s9], $0x7FFFF;
	_ =	strace $0x90000046  }
0xba: {  	s29 =	simm.s32 $0x9;
	_ =	strace $0x80000048  }
0xbb: {  	_ =	swait.ge [sflag:s29], $0x1  }
0xbc: {  	[sflag:s29] =	ssyncadd.s32 $0xFFFFFFFF  }
0xbd: {  	_ =	strace $0x90000048  }
0xbe: {  	_ =	sfence  }
0xbf: {  	s30 =	sld [smem:$0x0];
	_ =	sdelay $0x2  }
0xc0: {  	s31 =	sshll.u32 s1, $0xD;
	s1 =	sshrl.u32 s1, $0x2  }
0xc1: {  	s3 =	sand.u32 $0x4000, s31;
	s1 =	sadd.s32 s1, s30  }
0xc2: {  	s0 =	sor.u32 s3, s0;
	s1 =	sshll.u32 s1, $0x11  }
0xc3: {  	s0 =	sor.u32 s1, s0  }
0xc4: {  	s0 =	sadd.s32 $0x8F2B, s0  }
0xc5: {  	[sflag:s0] =	ssyncadd.remote.s32 $0x1  }
0xc6: {  	_ =	sfence.sel $0xFFFF  }
0xc7: {  	[dreg:$0x0] =	wrdreg $0xFFFFFFFF;
	(pc) =	sbr.abs _section_cstart, $3  }
0xc8: {  	[dreg:$0x1] =	wrdreg $0xFFFFFFFF  }
0xc9: {  	_ =	task.clear_ibuf [dreg:s9], $0x2FFFF;
	_ =	strace $0x9FFFFFFF  }
0xca: {  	(tm) =	ssettm $0x7FFFFFFF  }
0xcb: {  	_ =	shalt  }
tec
execute0_lowered:
.L_overlay_start_1:
0x0: {  	(tag) =	ssettag $0x1  }
0x1: {  	s0 =	rddreg [dreg:$0x0]  }
0x2: {  	s1 =	rddreg [dreg:$0x1]  }
0x3: {  	s8 =	rddreg [dreg:$0x2];
	s2 =	srdreg.scid  }
0x4: {  	s9 =	stileid.u32;
	s11 =	rddreg [dreg:$0x3];
	s16 =	simm.s32 $0x2720  }
0x5: {  	s17 =	simm.s32 $0x80;
	s18 =	simm.s32 $0x2E20;
	s19 =	simm.s32 $0x14620  }
0x6: {  	s20 =	simm.s32 $0x28A0;
	s23 =	simm.s32 $0x1;
	s24 =	simm.s32 $0x17E20  }
0x7: {  	s25 =	simm.s32 $0x18020;
	s28 =	simm.s32 $0x19220;
	s29 =	simm.s32 $0x0  }
0x8: {  	s6 =	sand.u32 $0x1, s2;
	s26 =	smul.u32 $0x4E20, s9;
	s2 =	simm.s32 $0x0  }
0x9: {  	s3 =	sadd.s32 $0x4ED600, s0;
	s5 =	sadd.s32 $0x1800, s0;
	s9 =	sshll.u32 s9, $0x1  }
0xa: {  	s4 =	smul.u32 $0x2710, s6;
	[smem:$0x7FF] =	sst s2;
	s12 =	sor.u32 s6, s9  }
0xb: {  	s6 =	ssub.s32 $0x2, s6;
	_ =	strace $0x80000047;
	s10 =	sshll.u32 s12, $0x6  }
0xc: {  	s13 =	sshll.u32 s12, $0x9;
	s14 =	sshrl.u32 s6, $0x1;
	s31 =	sshll.u32 s12, $0x1  }
0xd: {  	s4 =	sadd.s32 s4, s26;
	s15 =	sadd.s32 s10, s0;
	s30 =	ssub.s32 s6, s14  }
.Ltmp0:
0xe: {  	s8 =	sadd.s32 s8, s10;
	s11 =	sadd.s32 s11, s31;
	(pc) =	sbr.rel .LBB2_1-.Ltmp0, $4  }
0xf: {  	v0 =	vmov s26;
	s14 =	simm.s32 $0x2710;
	s26 =	simm.s32 $0x18220;
	s7 =	sshrl.u32 s4, $0x3  }
0x10: {  	s12 =	smax.u32 s30, $0x1;
	s7 =	sadd.s32 s7, s0;
	s0 =	sadd.s32 s13, s0  }
0x11: {  	s13 =	simm.s32 $0x2;
	s6 =	sadd.s32 $0x4E3800, s7;
	s7 =	sadd.s32 s1, s9  }
0x12: {  	v1 =	vimm.s32 $0x0;
	v2 =	vlaneseq.u32;
	s9 =	sadd.s32 $0x9DC00, s15;
	s10 =	sadd.s32 $0x9E400, s0;
	s15 =	simm.s32 $0x2AA0  }
.LBB2_4:
0x13: {  	s1 =	simm.s32 $0x0  }
.LBB2_23:
0x14: {  	v3 =	vmov s1  }
0x15: {  	[tilespmem:$0x19220] =	vst v3  }
0x16: {  	[hbm4b:s8+s2] =	stream.linear.scatter [tilespmem:s24], [sflag:$0x2], $0x200, $0x38;
	[tilespmem:$0x19230] =	vst v63  }
0x17: {  	_ =	swait.ge [sflag:s13], $0x200  }
0x18: {  	[sflag:s13] =	ssyncset.done $0x0  }
0x19: {  	[sflag:s13] =	ssyncadd.s32 $0xFFFFFE00  }
0x1a: {  	[hbm4b:s9+s2] =	stream.linear.scatter [tilespmem:s25], [sflag:$0x2], $0x200, $0x38;
	[tilespmem:$0x19230] =	vst v63  }
0x1b: {  	_ =	swait.ge [sflag:s13], $0x200  }
0x1c: {  	[sflag:s13] =	ssyncset.done $0x0  }
0x1d: {  	[sflag:s13] =	ssyncadd.s32 $0xFFFFFE00  }
0x1e: {  	[hbm4b:s10+s2] =	stream.linear.scatter [tilespmem:s26], [sflag:$0x2], $0x1000, $0x38;
	[tilespmem:$0x19230] =	vst v63  }
0x1f: {  	s29 =	sadd.s32 $0x1, s29;
	_ =	swait.ge [sflag:s13], $0x1000  }
0x20: {  	p0 =	sne.s32 s29, s12;
	[sflag:s13] =	ssyncset.done $0x0  }
.Ltmp1:
0x21: {  	[sflag:s13] =	ssyncadd.s32 $0xFFFFF000;
	(pc) =	sbr.rel @!p0 .LBB2_24-.Ltmp1, $4  }
0x22: {  	[hbm4b:s11+s2] =	stream.linear.scatter [tilespmem:s28], [sflag:$0x2], $0x10, $0x38;
	[tilespmem:$0x19230] =	vst v63  }
0x23: {  	_ =	swait.ge [sflag:s13], $0x10  }
0x24: {  	[sflag:s13] =	ssyncset.done $0x0  }
0x25: {  	[sflag:s13] =	ssyncadd.s32 $0xFFFFFFF0  }
.LBB2_1:
0x26: {  	[tilespmem:s2], [sflag:$0x2] =	stream.linear.gather [hbm4b:s6+s2], $0x2710, $0x38;
	[tilespmem:$0x19230] =	vst v63  }
0x27: {  	_ =	swait.ge [sflag:s13], $0x2710  }
0x28: {  	[sflag:s13] =	ssyncset.done $0x0  }
0x29: {  	[sflag:s13] =	ssyncadd.s32 $0xFFFFD8F0  }
0x2a: {  	[tilespmem:s14], [sflag:$0x2] =	stream.linear.gather [hbm4b:s7+s2], $0x10, $0x38;
	[tilespmem:$0x19230] =	vst v63  }
0x2b: {  	_ =	swait.ge [sflag:s13], $0x10  }
0x2c: {  	[sflag:s13] =	ssyncset.done $0x0  }
0x2d: {  	[sflag:s13] =	ssyncadd.s32 $0xFFFFFFF0  }
0x2e: {  	[tilespmem:$0x2720] =	vst v1  }
0x2f: {  	[tilespmem:$0x2730] =	vst v1  }
0x30: {  	[tilespmem:$0x2740] =	vst v1  }
0x31: {  	[tilespmem:$0x2750] =	vst v1  }
0x32: {  	[tilespmem:$0x2760] =	vst v1  }
0x33: {  	[tilespmem:$0x2770] =	vst v1  }
0x34: {  	[tilespmem:$0x2780] =	vst v1  }
0x35: {  	[tilespmem:$0x2790] =	vst v1  }
0x36: {  	[tilespmem:$0x27A0] =	vst v1  }
0x37: {  	[tilespmem:$0x27B0] =	vst v1  }
0x38: {  	[tilespmem:$0x27C0] =	vst v1  }
0x39: {  	[tilespmem:$0x27D0] =	vst v1  }
0x3a: {  	[tilespmem:$0x27E0] =	vst v1  }
0x3b: {  	[tilespmem:$0x27F0] =	vst v1  }
0x3c: {  	[tilespmem:$0x2800] =	vst v1  }
0x3d: {  	[tilespmem:$0x2810] =	vst v1  }
0x3e: {  	[tilespmem:$0x2820] =	vst v1  }
0x3f: {  	[tilespmem:$0x2830] =	vst v1  }
0x40: {  	[tilespmem:$0x2840] =	vst v1  }
0x41: {  	[tilespmem:$0x2850] =	vst v1  }
0x42: {  	[tilespmem:$0x2860] =	vst v1  }
0x43: {  	[tilespmem:$0x2870] =	vst v1  }
0x44: {  	[tilespmem:$0x2880] =	vst v1  }
0x45: {  	[tilespmem:$0x2890] =	vst v1  }
0x46: {  	[tilespmem:$0x28A0] =	vst v1  }
0x47: {  	[tilespmem:$0x28B0] =	vst v1  }
0x48: {  	[tilespmem:$0x28C0] =	vst v1  }
0x49: {  	[tilespmem:$0x28D0] =	vst v1  }
0x4a: {  	[tilespmem:$0x28E0] =	vst v1  }
0x4b: {  	[tilespmem:$0x28F0] =	vst v1  }
0x4c: {  	[tilespmem:$0x2900] =	vst v1  }
0x4d: {  	[tilespmem:$0x2910] =	vst v1  }
0x4e: {  	[tilespmem:$0x2920] =	vst v1  }
0x4f: {  	[tilespmem:$0x2930] =	vst v1  }
0x50: {  	[tilespmem:$0x2940] =	vst v1  }
0x51: {  	[tilespmem:$0x2950] =	vst v1  }
0x52: {  	[tilespmem:$0x2960] =	vst v1  }
0x53: {  	[tilespmem:$0x2970] =	vst v1  }
0x54: {  	[tilespmem:$0x2980] =	vst v1  }
0x55: {  	[tilespmem:$0x2990] =	vst v1  }
0x56: {  	[tilespmem:$0x29A0] =	vst v1  }
0x57: {  	[tilespmem:$0x29B0] =	vst v1  }
0x58: {  	[tilespmem:$0x29C0] =	vst v1  }
0x59: {  	[tilespmem:$0x29D0] =	vst v1  }
0x5a: {  	[tilespmem:$0x29E0] =	vst v1  }
0x5b: {  	[tilespmem:$0x29F0] =	vst v1  }
0x5c: {  	[tilespmem:$0x2A00] =	vst v1  }
0x5d: {  	[tilespmem:$0x2A10] =	vst v1  }
0x5e: {  	[tilespmem:$0x2A20] =	vst v1  }
0x5f: {  	[tilespmem:$0x2A30] =	vst v1  }
0x60: {  	[tilespmem:$0x2A40] =	vst v1  }
0x61: {  	[tilespmem:$0x2A50] =	vst v1  }
0x62: {  	[tilespmem:$0x2A60] =	vst v1  }
0x63: {  	[tilespmem:$0x2A70] =	vst v1  }
0x64: {  	[tilespmem:$0x2A80] =	vst v1  }
0x65: {  	s0 =	simm.s32 $0x0;
	v3 =	vld [tilespmem:$0x2710];
	[tilespmem:$0x2A90] =	vst v1  }
0x66: {  	v4 =	vld [tilespmem:s0+$0x0];
	_ =	sdelay $0x4  }
0x67: {  	vm0 =	vge.f32 v4, v3  }
0x68: {  	v4 =	vsel vm0, $0x1, v1  }
0x69: {  	(xrf0) =	vadd.scan.msk.s32 $0xffff, v4;
	_ =	sdelay $0x5  }
0x6a: {  	s22 =	simm.s32 $0xFFFFFFFF;
	v4, _, _ =	vpop (xrf0)  }
0x6b: {  	v5 =	vadd.s32 s22, v4;
	(v2sf) =	vpush v4, $0xF  }
0x6c: {  	vm1 =	vlt.s32 v5, $0x37F  }
0x6d: {  	v5 =	vnsel vm1, $0x37F, v5;
	_ =	sdelay $0x3  }
0x6e: {  	v6 =	vor.u32 s4, v2  }
0x6f: {  	s31 =	simm.s32 $0x80;
	[tilespmem:v5+s15+$0x0] =	vst.idx.msk vm0, v6  }
0x70: {  	s30 =	simm.s32 $0x0;
	s1 =	smov.u32 s4;
	s0 =	simm.s32 $0x10;
	[tilespmem:v5+s16+$0x0] =	vst.idx.msk vm0, v6  }
.LBB2_2:
0x71: {  	p0 =	sne.s32 s31, $0x9C00;
	v4 =	vld [tilespmem:s0+$0x0];
	_ =	sdelay $0x4  }
0x72: {  	vm0 =	vge.f32 v4, v3  }
0x73: {  	v4 =	vsel vm0, $0x1, v1;
	s0 =	spop (v2sf)  }
0x74: {  	(xrf0) =	vadd.scan.msk.s32 $0xffff, v4;
	s30 =	sadd.s32 s30, s0  }
0x75: {  	s0 =	sadd.s32 $0xFFFFFFFF, s30;
	_ =	sdelay $0x4  }
0x76: {  	v4, _, _ =	vpop (xrf0)  }
0x77: {  	v5 =	vadd.s32 s0, v4;
	(v2sf) =	vpush v4, $0xF  }
0x78: {  	vm1 =	vlt.s32 v5, $0x37F  }
0x79: {  	v4 =	vnsel vm1, $0x37F, v5;
	_ =	sdelay $0x1  }
.Ltmp2:
0x7a: {  	(pc) =	sbr.rel @p0 .LBB2_2-.Ltmp2, $4  }
0x7b: {  	s1 =	sadd.s32 $0x10, s1  }
0x7c: {  	v5 =	vor.u32 s1, v2  }
0x7d: {  	[tilespmem:v4+s15+$0x0] =	vst.idx.msk vm0, v5  }
0x7e: {  	s0 =	sshra.s32 s31, $0x2;
	s31 =	sadd.s32 $0x40, s31;
	[tilespmem:v4+s16+$0x0] =	vst.idx.msk vm0, v5  }
0x7f: {  	v4 =	vld [tilespmem:s0+$0x0];
	_ =	sdelay $0x4  }
0x80: {  	vm0 =	vge.f32 v4, v3  }
0x81: {  	v4 =	vsel vm0, $0x1, v1  }
0x82: {  	(xrf0) =	vadd.scan.msk.s32 $0xffff, v4;
	_ =	sdelay $0x5  }
0x83: {  	v4, _, _ =	vpop (xrf0)  }
0x84: {  	(v2sf) =	vpush v4, $0xF;
	_ =	sdelay $0xa  }
0x85: {  	s31 =	spop (v2sf)  }
0x86: {  	s0 =	sadd.s32 s30, s31  }
0x87: {  	s30 =	sadd.s32 $0xFFFFFFFF, s0  }
0x88: {  	v4 =	vadd.s32 s30, v4  }
0x89: {  	vm1 =	vlt.s32 v4, $0x37F;
	s30 =	spop (v2sf)  }
0x8a: {  	v4 =	vnsel vm1, $0x37F, v4;
	s30 =	sadd.s32 s0, s30  }
0x8b: {  	p0 =	slt.s32 s30, $0x1  }
.Ltmp3:
0x8c: {  	_ = 	snop;
	(pc) =	sbr.rel @p0 .LBB2_4-.Ltmp3, $4  }
0x8d: {  	s1 =	sadd.s32 $0x10, s1  }
0x8e: {  	v5 =	vor.u32 s1, v2  }
0x8f: {  	[tilespmem:v4+s15+$0x0] =	vst.idx.msk vm0, v5  }
0x90: {  	[tilespmem:v4+s16+$0x0] =	vst.idx.msk vm0, v5  }
0x91: {  	[tilespmem:s18], [sflag:$0x1] =	stream.indirect.gather [hbm4b:s3+s17], $0x50, s16, s17, $0xb8;
	[tilespmem:$0x19230] =	vst v63  }
0x92: {  	p0 =	slt.u32 s30, $0x81  }
0x93: {  	p1 =	slt.u32 @!p0 s30, $0x101  }
0x94: {  	[tilespmem:s19], [sflag:$0x1] =	stream.indirect.gather [hbm4b:s5+s17], $0x10, s16, s17, $0xb8;
	[tilespmem:$0x19230] =	vst v63  }
0x95: {  	s0 =	simm.s32 @!p0 $0x80;
	p4 =	por p0, p1  }
0x96: {  	s1 =	simm.s32 @!p0 $0x27A0;
	s31 =	simm.s32 @!p0 $0x5620;
	p1 =	slt.u32 @!p4 s30, $0x181  }
0x97: {  	[tilespmem:s31], [sflag:$0x1] =	stream.indirect.gather @!p0 [hbm4b:s3+s0], $0x50, s1, s0, $0xb8;
	[tilespmem:$0x19230] =	vst v63  }
0x98: {  	s31 =	simm.s32 @!p0 $0x14E20;
	p1 =	por p4, p1  }
0x99: {  	[tilespmem:s31], [sflag:$0x1] =	stream.indirect.gather @!p0 [hbm4b:s5+s0], $0x10, s1, s0, $0xb8;
	[tilespmem:$0x19230] =	vst v63  }
.Ltmp4:
0x9a: {  	_ = 	snop;
	(pc) =	sbr.rel @p1 .LBB2_6-.Ltmp4, $4  }
0x9b: {  	s0 =	simm.s32 @!p4 $0x80;
	s1 =	simm.s32 @!p4 $0x2820;
	s31 =	simm.s32 @!p4 $0x7E20  }
0x9c: {  	[tilespmem:s31], [sflag:$0x1] =	stream.indirect.gather @!p4 [hbm4b:s3+s0], $0x50, s1, s0, $0xb8;
	[tilespmem:$0x19230] =	vst v63  }
0x9d: {  	s31 =	simm.s32 @!p4 $0x15620  }
0x9e: {  	[tilespmem:s31], [sflag:$0x1] =	stream.indirect.gather @!p4 [hbm4b:s5+s0], $0x10, s1, s0, $0xb8;
	[tilespmem:$0x19230] =	vst v63  }
0x9f: {  	s0 =	simm.s32 $0xA620;
	p4 =	slt.u32 s30, $0x201  }
0xa0: {  	[tilespmem:s0], [sflag:$0x1] =	stream.indirect.gather [hbm4b:s3+s17], $0x50, s20, s17, $0xb8;
	[tilespmem:$0x19230] =	vst v63  }
0xa1: {  	s22 =	simm.s32 $0x15E20;
	s0 =	simm.s32 @!p4 $0x80;
	p1 =	slt.u32 @!p4 s30, $0x281  }
0xa2: {  	[tilespmem:s22], [sflag:$0x1] =	stream.indirect.gather [hbm4b:s5+s17], $0x10, s20, s17, $0xb8;
	[tilespmem:$0x19230] =	vst v63  }
0xa3: {  	s1 =	simm.s32 @!p4 $0x2920;
	s31 =	simm.s32 @!p4 $0xCE20;
	p3 =	por p1, p4  }
0xa4: {  	[tilespmem:s31], [sflag:$0x1] =	stream.indirect.gather @!p4 [hbm4b:s3+s0], $0x50, s1, s0, $0xb8;
	[tilespmem:$0x19230] =	vst v63  }
0xa5: {  	p2 =	slt.u32 @!p3 s30, $0x301;
	s31 =	simm.s32 @!p4 $0x16620  }
0xa6: {  	[tilespmem:s31], [sflag:$0x1] =	stream.indirect.gather @!p4 [hbm4b:s5+s0], $0x10, s1, s0, $0xb8;
	[tilespmem:$0x19230] =	vst v63  }
0xa7: {  	s0 =	simm.s32 @!p3 $0x80;
	s1 =	simm.s32 @!p3 $0x29A0;
	s31 =	simm.s32 @!p3 $0xF620  }
0xa8: {  	[tilespmem:s31], [sflag:$0x1] =	stream.indirect.gather @!p3 [hbm4b:s3+s0], $0x50, s1, s0, $0xb8;
	[tilespmem:$0x19230] =	vst v63  }
0xa9: {  	p5 =	por @!p4 p2, p1;
	s31 =	simm.s32 @!p3 $0x16E20  }
0xaa: {  	[tilespmem:s31], [sflag:$0x1] =	stream.indirect.gather @!p3 [hbm4b:s5+s0], $0x10, s1, s0, $0xb8;
	[tilespmem:$0x19230] =	vst v63  }
0xab: {  	p5 =	por p5, p4;
	s0 =	simm.s32 @!p1 $0x0  }
0xac: {  	s1 =	simm.s32 @!p5 $0x2A20;
	s0 =	simm.s32 @p1 $0x1  }
0xad: {  	s31 =	simm.s32 @!p5 $0x11E20;
	[smem:$0x7FB] =	sst s0;
	s0 =	simm.s32 @!p5 $0x80  }
0xae: {  	[tilespmem:s31], [sflag:$0x1] =	stream.indirect.gather @!p5 [hbm4b:s3+s0], $0x50, s1, s0, $0xb8;
	[tilespmem:$0x19230] =	vst v63  }
0xaf: {  	s31 =	simm.s32 @!p5 $0x17620  }
0xb0: {  	[tilespmem:s31], [sflag:$0x1] =	stream.indirect.gather @!p5 [hbm4b:s5+s0], $0x10, s1, s0, $0xb8;
	[tilespmem:$0x19230] =	vst v63  }
0xb1: {  	s31 =	sld [smem:$0x7FB]  }
0xb2: {  	p6 =	por @!p4 !p2, p1;
	p2 =	por @!p3 $0x1, $0x1  }
0xb3: {  	p6 =	por !p6, p4;
	p1 =	por @!p5 $0x1, $0x1;
	p5 =	por @!p3 $0x0, $0x0  }
0xb4: {  	p2 =	por @!p6 p1, p1;
	p5 =	por @!p6 p1, p1;
	p6 =	seq.s32 s31, $0x1  }
0xb5: {  	p3 =	por @!p4 $0x0, $0x0;
	p1 =	por !p6, p4;
	p6 =	por p2, p2  }
0xb6: {  	p6 =	por @!p1 p3, p3;
	p3 =	por @!p4 $0x1, $0x1  }
0xb7: {  	p2 =	por @!p1 p3, p3;
	p3 =	por @!p4 $0x0, $0x0  }
0xb8: {  	p5 =	por @!p1 p3, p3;
	p1 =	por $0x0, $0x0  }
0xb9: {  	p1 =	por @!p4 p6, p6  }
0xba: {  	p3 =	por $0x1, $0x1;
	s0 =	simm.s32 @!p1 $0x0  }
0xbb: {  	p3 =	por @!p4 p2, p2;
	s0 =	simm.s32 @p1 $0x1  }
0xbc: {  	[smem:$0x7FD] =	sst s0;
	s0 =	simm.s32 @!p3 $0x0  }
0xbd: {  	s0 =	simm.s32 @p3 $0x1  }
.Ltmp5:
0xbe: {  	[smem:$0x7FC] =	sst s0;
	(pc) =	sbr.rel .LBB2_8-.Ltmp5, $4  }
0xbf: {  	s0 =	sld [smem:$0x7FC]  }
0xc0: {  	p6 =	por $0x1, $0x1  }
0xc1: {  	p6 =	por @!p4 p2, p2;
	p1 =	por $0x0, $0x0;
	p3 =	por $0x0, $0x0  }
0xc2: {  	p1 =	por @!p4 p5, p5;
	p3 =	por @!p4 p2, p2;
	p5 =	seq.s32 s0, $0x1  }
.LBB2_6:
0xc3: {  	p2 =	por @!p0 $0x0, $0x0;
	p1 =	por $0x0, $0x0  }
0xc4: {  	p1 =	por @!p0 p2, p2  }
0xc5: {  	p2 =	por @!p4 $0x0, $0x0;
	p5 =	por p1, p1  }
0xc6: {  	p3 =	por @!p4 $0x1, $0x1;
	p6 =	por p1, p1;
	p5 =	por @!p4 p2, p2  }
0xc7: {  	p6 =	por @!p4 p3, p3;
	p3 =	por p1, p1;
	s0 =	simm.s32 @!p5 $0x0  }
0xc8: {  	p3 =	por @!p4 p2, p2;
	s0 =	simm.s32 @p5 $0x1;
	p5 =	por p1, p1  }
0xc9: {  	p1 =	por @!p4 p2, p2;
	[smem:$0x7FD] =	sst s0;
	p5 =	por @!p4 p2, p2  }
.LBB2_8:
0xca: {  	_ =	swait.ge [sflag:s23], $0x2800  }
.Ltmp6:
0xcb: {  	[sflag:s23] =	ssyncset.done $0x0;
	(pc) =	sbr.rel @p0 .LBB2_14-.Ltmp6, $4  }
0xcc: {  	[sflag:s23] =	ssyncadd.s32 $0xFFFFD800  }
0xcd: {  	_ =	swait.ge [sflag:s23], $0x800  }
0xce: {  	[sflag:s23] =	ssyncset.done $0x0  }
0xcf: {  	[sflag:s23] =	ssyncadd.s32 $0xFFFFF800  }
0xd0: {  	_ =	swait.ge [sflag:s23], $0x2800  }
.Ltmp7:
0xd1: {  	[sflag:s23] =	ssyncset.done $0x0;
	(pc) =	sbr.rel @p6 .LBB2_15-.Ltmp7, $4  }
0xd2: {  	[sflag:s23] =	ssyncadd.s32 $0xFFFFD800  }
0xd3: {  	_ =	swait.ge [sflag:s23], $0x800  }
0xd4: {  	[sflag:s23] =	ssyncset.done $0x0  }
0xd5: {  	[sflag:s23] =	ssyncadd.s32 $0xFFFFF800  }
.LBB2_10:
.Ltmp8:
0xd6: {  	(pc) =	sbr.rel @!p5 .LBB2_11-.Ltmp8, $1  }
0xd7: {  	_ =	sdelay $0x3  }
.LBB2_16:
0xd8: {  	_ =	swait.ge [sflag:s23], $0x2800  }
.Ltmp9:
0xd9: {  	[sflag:s23] =	ssyncset.done $0x0;
	(pc) =	sbr.rel @p3 .LBB2_17-.Ltmp9, $4  }
0xda: {  	[sflag:s23] =	ssyncadd.s32 $0xFFFFD800  }
0xdb: {  	_ =	swait.ge [sflag:s23], $0x800  }
0xdc: {  	[sflag:s23] =	ssyncset.done $0x0  }
0xdd: {  	[sflag:s23] =	ssyncadd.s32 $0xFFFFF800  }
.LBB2_12:
0xde: {  	s0 =	sld [smem:$0x7FD];
	_ =	sdelay $0x2  }
0xdf: {  	p0 =	seq.s32 s0, $0x1  }
.Ltmp10:
0xe0: {  	_ = 	snop;
	(pc) =	sbr.rel @!p0 .LBB2_13-.Ltmp10, $1  }
0xe1: {  	_ =	sdelay $0x3  }
.LBB2_18:
0xe2: {  	_ =	swait.ge [sflag:s23], $0x2800  }
.Ltmp11:
0xe3: {  	[sflag:s23] =	ssyncset.done $0x0;
	(pc) =	sbr.rel @!p1 .LBB2_20-.Ltmp11, $4  }
.Ltmp12:
0xe4: {  	[sflag:s23] =	ssyncadd.s32 $0xFFFFD800;
	(pc) =	sbr.rel @p1 .LBB2_19-.Ltmp12, $4  }
0xe5: {  	_ =	swait.ge [sflag:s23], $0x800  }
0xe6: {  	[sflag:s23] =	ssyncset.done $0x0  }
0xe7: {  	[sflag:s23] =	ssyncadd.s32 $0xFFFFF800  }
0xe8: {  	_ = 	snop  }
.LBB2_14:
.Ltmp13:
0xe9: {  	(pc) =	sbr.rel @!p6 .LBB2_10-.Ltmp13, $1  }
0xea: {  	_ =	sdelay $0x3  }
.LBB2_15:
0xeb: {  	_ =	swait.ge [sflag:s23], $0x2800  }
.Ltmp14:
0xec: {  	[sflag:s23] =	ssyncset.done $0x0;
	(pc) =	sbr.rel @p5 .LBB2_16-.Ltmp14, $4  }
0xed: {  	[sflag:s23] =	ssyncadd.s32 $0xFFFFD800  }
0xee: {  	_ =	swait.ge [sflag:s23], $0x800  }
0xef: {  	[sflag:s23] =	ssyncset.done $0x0  }
0xf0: {  	[sflag:s23] =	ssyncadd.s32 $0xFFFFF800  }
.LBB2_11:
.Ltmp15:
0xf1: {  	(pc) =	sbr.rel @!p3 .LBB2_12-.Ltmp15, $1  }
0xf2: {  	_ =	sdelay $0x3  }
.LBB2_17:
0xf3: {  	_ =	swait.ge [sflag:s23], $0x2800  }
0xf4: {  	[sflag:s23] =	ssyncset.done $0x0  }
0xf5: {  	[sflag:s23] =	ssyncadd.s32 $0xFFFFD800  }
0xf6: {  	_ =	swait.ge [sflag:s23], $0x800  }
0xf7: {  	s0 =	sld [smem:$0x7FD];
	_ =	sdelay $0x2  }
0xf8: {  	p0 =	seq.s32 s0, $0x1  }
.Ltmp16:
0xf9: {  	_ = 	snop;
	(pc) =	sbr.rel @p0 .LBB2_18-.Ltmp16, $3  }
0xfa: {  	_ =	sdelay $0x1  }
0xfb: {  	[sflag:s23] =	ssyncset.done $0x0  }
0xfc: {  	[sflag:s23] =	ssyncadd.s32 $0xFFFFF800  }
.LBB2_13:
.Ltmp17:
0xfd: {  	(pc) =	sbr.rel @!p1 .LBB2_20-.Ltmp17, $1  }
0xfe: {  	_ =	sdelay $0x3  }
.LBB2_19:
0xff: {  	_ =	swait.ge [sflag:s23], $0x2800  }
0x100: {  	[sflag:s23] =	ssyncset.done $0x0  }
0x101: {  	[sflag:s23] =	ssyncadd.s32 $0xFFFFD800  }
0x102: {  	_ =	swait.ge [sflag:s23], $0x800  }
0x103: {  	[sflag:s23] =	ssyncset.done $0x0  }
0x104: {  	[sflag:s23] =	ssyncadd.s32 $0xFFFFF800  }
.LBB2_20:
0x105: {  	p0 =	slt.s32 s30, $0x380  }
0x106: {  	s1 =	simm.s32 $0x0;
	s30 =	simm.s32 @!p0 $0x380  }
0x107: {  	s31 =	simm.s32 $0x0;
	[dreg:$0x5] =	wrdreg s30;
	s30 =	simm.s32 $0x2E40  }
.LBB2_21:
0x108: {  	v6 =	vld [tilespmem:s30+$0xFFFFFFE0];
	_ =	sdelay $0x4  }
0x109: {  	vm0 =	vge.f32 v6, v3  }
0x10a: {  	v4 =	vsel vm0, $0x1, v1  }
0x10b: {  	(xrf0) =	vadd.scan.msk.s32 $0xffff, v4;
	_ =	sdelay $0x5  }
0x10c: {  	v5, _, _ =	vpop (xrf0)  }
0x10d: {  	(v2sf) =	vpush v5, $0xF;
	_ =	sdelay $0xb  }
0x10e: {  	v4 =	vmov s31;
	_ =	sdelay $0x2  }
0x10f: {  	s0 =	spop (v2sf)  }
0x110: {  	p0 =	slt.s32 s0, $0x1  }
0x111: {  	v7 =	vld.idx.msk [tilespmem:v4+s15+$0x0], $0xffff;
	s21 =	sadd.s32 @!p0 $0xFFFFFFFF, s1  }
0x112: {  	v5 =	vadd.s32 @!p0 s21, v5  }
0x113: {  	vm0 =	vge.f32 @!p0 v6, v3;
	vm1 =	vlt.s32 @!p0 v5, $0x1FF  }
0x114: {  	v8 =	vnsel @!p0 vm1, $0x1FF, v5;
	_ =	sdelay $0x1  }
0x115: {  	v5 =	vsub.s32 v7, v0;
	v7 =	vshll.u32 @!p0 v4, $0x4  }
0x116: {  	v9 =	vmul.u32 @!p0 $0x50, v5  }
0x117: {  	v10 =	vlaneseq.u32 @!p0;
	s21 =	simm.s32 @!p0 $0x17E20  }
0x118: {  	v9 =	vor.u32 @!p0 v10, v9;
	[tilespmem:v8+s21+$0x0] =	vst.idx.msk @!p0 vm0, v6;
	s21 =	simm.s32 @!p0 $0x18020  }
0x119: {  	[tilespmem:v8+s21+$0x0] =	vst.idx.msk @!p0 vm0, v9;
	s21 =	simm.s32 @!p0 $0x14620  }
0x11a: {  	v8 =	vshll.u32 @!p0 v8, $0x3;
	v6 =	vld.idx.msk @!p0 [tilespmem:v7+s21+$0x0], $0xffff  }
0x11b: {  	v9 =	vor.u32 @!p0 $0x1, v7;
	_ =	sdelay $0x2  }
0x11c: {  	s22 =	simm.s32 @!p0 $0x18220  }
0x11d: {  	[tilespmem:v8+s22+$0x0] =	vst.idx.msk @!p0 vm0, v6  }
0x11e: {  	v6 =	vld.idx.msk @!p0 [tilespmem:v9+s21+$0x0], $0xffff;
	v9 =	vor.u32 @!p0 $0x1, v8  }
0x11f: {  	v10 =	vor.u32 @!p0 $0x2, v7;
	_ =	sdelay $0x3  }
0x120: {  	[tilespmem:v9+s22+$0x0] =	vst.idx.msk @!p0 vm0, v6  }
0x121: {  	v9 =	vor.u32 @!p0 $0x2, v8;
	v6 =	vld.idx.msk @!p0 [tilespmem:v10+s21+$0x0], $0xffff  }
0x122: {  	v7 =	vor.u32 @!p0 $0x3, v7;
	_ =	sdelay $0x3  }
0x123: {  	[tilespmem:v9+s22+$0x0] =	vst.idx.msk @!p0 vm0, v6  }
0x124: {  	v6 =	vld.idx.msk @!p0 [tilespmem:v7+s21+$0x0], $0xffff;
	v7 =	vor.u32 @!p0 $0x3, v8;
	_ =	sdelay $0x4  }
0x125: {  	[tilespmem:v7+s22+$0x0] =	vst.idx.msk @!p0 vm0, v6  }
0x126: {  	v6 =	vld [tilespmem:s30+$0xFFFFFFF0];
	_ =	sdelay $0x4  }
0x127: {  	vm12 =	vge.f32 v6, v3  }
0x128: {  	v60 =	vsel vm12, $0x1, v1  }
0x129: {  	(xrf0) =	vadd.scan.msk.s32 $0xffff, v60;
	_ =	sdelay $0x5  }
0x12a: {  	v7, _, _ =	vpop (xrf0)  }
0x12b: {  	(v2sf) =	vpush v7, $0xF;
	_ =	sdelay $0xe  }
0x12c: {  	s21 =	spop (v2sf)  }
0x12d: {  	s0 =	sadd.s32 s1, s0;
	p0 =	slt.s32 s21, $0x1  }
0x12e: {  	s1 =	sadd.s32 @!p0 $0xFFFFFFFF, s0  }
0x12f: {  	v7 =	vadd.s32 @!p0 s1, v7  }
0x130: {  	vm0 =	vge.f32 @!p0 v6, v3;
	vm1 =	vlt.s32 @!p0 v7, $0x1FF  }
0x131: {  	v7 =	vnsel @!p0 vm1, $0x1FF, v7;
	_ =	sdelay $0x1  }
0x132: {  	v8 =	vshll.u32 @!p0 v4, $0x4  }
0x133: {  	v9 =	vmul.u32 @!p0 $0x50, v5;
	v10 =	vlaneseq.u32 @!p0  }
0x134: {  	v10 =	vor.u32 @!p0 $0x10, v10;
	s1 =	simm.s32 @!p0 $0x17E20  }
0x135: {  	v9 =	vadd.s32 @!p0 v10, v9;
	[tilespmem:v7+s1+$0x0] =	vst.idx.msk @!p0 vm0, v6;
	s1 =	simm.s32 @!p0 $0x18020  }
0x136: {  	[tilespmem:v7+s1+$0x0] =	vst.idx.msk @!p0 vm0, v9;
	s1 =	simm.s32 @!p0 $0x14620  }
0x137: {  	v7 =	vshll.u32 @!p0 v7, $0x3;
	v6 =	vld.idx.msk @!p0 [tilespmem:v8+s1+$0x0], $0xffff  }
0x138: {  	v9 =	vor.u32 @!p0 $0x1, v8;
	_ =	sdelay $0x2  }
0x139: {  	s22 =	simm.s32 @!p0 $0x18220  }
0x13a: {  	[tilespmem:v7+s22+$0x0] =	vst.idx.msk @!p0 vm0, v6  }
0x13b: {  	v6 =	vld.idx.msk @!p0 [tilespmem:v9+s1+$0x0], $0xffff;
	v9 =	vor.u32 @!p0 $0x1, v7  }
0x13c: {  	v10 =	vor.u32 @!p0 $0x2, v8;
	_ =	sdelay $0x3  }
0x13d: {  	[tilespmem:v9+s22+$0x0] =	vst.idx.msk @!p0 vm0, v6  }
0x13e: {  	v9 =	vor.u32 @!p0 $0x2, v7;
	v6 =	vld.idx.msk @!p0 [tilespmem:v10+s1+$0x0], $0xffff  }
0x13f: {  	v8 =	vor.u32 @!p0 $0x3, v8;
	_ =	sdelay $0x3  }
0x140: {  	[tilespmem:v9+s22+$0x0] =	vst.idx.msk @!p0 vm0, v6  }
0x141: {  	v7 =	vor.u32 @!p0 $0x3, v7;
	v6 =	vld.idx.msk @!p0 [tilespmem:v8+s1+$0x0], $0xffff;
	_ =	sdelay $0x4  }
0x142: {  	[tilespmem:v7+s22+$0x0] =	vst.idx.msk @!p0 vm0, v6  }
0x143: {  	v6 =	vld [tilespmem:s30+$0x0];
	_ =	sdelay $0x4  }
0x144: {  	vm13 =	vge.f32 v6, v3  }
0x145: {  	v61 =	vsel vm13, $0x1, v1  }
0x146: {  	(xrf0) =	vadd.scan.msk.s32 $0xffff, v61;
	_ =	sdelay $0x5  }
0x147: {  	v7, _, _ =	vpop (xrf0)  }
0x148: {  	(v2sf) =	vpush v7, $0xF;
	_ =	sdelay $0xe  }
0x149: {  	s1 =	spop (v2sf)  }
0x14a: {  	s0 =	sadd.s32 s0, s21;
	p0 =	slt.s32 s1, $0x1  }
0x14b: {  	s21 =	sadd.s32 @!p0 $0xFFFFFFFF, s0  }
0x14c: {  	v7 =	vadd.s32 @!p0 s21, v7  }
0x14d: {  	vm0 =	vge.f32 @!p0 v6, v3;
	vm1 =	vlt.s32 @!p0 v7, $0x1FF  }
0x14e: {  	v7 =	vnsel @!p0 vm1, $0x1FF, v7;
	_ =	sdelay $0x1  }
0x14f: {  	v8 =	vshll.u32 @!p0 v4, $0x4  }
0x150: {  	v9 =	vmul.u32 @!p0 $0x50, v5;
	v10 =	vlaneseq.u32 @!p0  }
0x151: {  	v10 =	vor.u32 @!p0 $0x20, v10;
	s21 =	simm.s32 @!p0 $0x17E20  }
0x152: {  	v9 =	vadd.s32 @!p0 v10, v9;
	[tilespmem:v7+s21+$0x0] =	vst.idx.msk @!p0 vm0, v6;
	s21 =	simm.s32 @!p0 $0x18020  }
0x153: {  	[tilespmem:v7+s21+$0x0] =	vst.idx.msk @!p0 vm0, v9;
	s21 =	simm.s32 @!p0 $0x14620  }
0x154: {  	v7 =	vshll.u32 @!p0 v7, $0x3;
	v6 =	vld.idx.msk @!p0 [tilespmem:v8+s21+$0x0], $0xffff  }
0x155: {  	v9 =	vor.u32 @!p0 $0x1, v8;
	_ =	sdelay $0x2  }
0x156: {  	s22 =	simm.s32 @!p0 $0x18220  }
0x157: {  	[tilespmem:v7+s22+$0x0] =	vst.idx.msk @!p0 vm0, v6  }
0x158: {  	v6 =	vld.idx.msk @!p0 [tilespmem:v9+s21+$0x0], $0xffff;
	v9 =	vor.u32 @!p0 $0x1, v7  }
0x159: {  	v10 =	vor.u32 @!p0 $0x2, v8;
	_ =	sdelay $0x3  }
0x15a: {  	[tilespmem:v9+s22+$0x0] =	vst.idx.msk @!p0 vm0, v6  }
0x15b: {  	v9 =	vor.u32 @!p0 $0x2, v7;
	v6 =	vld.idx.msk @!p0 [tilespmem:v10+s21+$0x0], $0xffff  }
0x15c: {  	v8 =	vor.u32 @!p0 $0x3, v8;
	_ =	sdelay $0x3  }
0x15d: {  	[tilespmem:v9+s22+$0x0] =	vst.idx.msk @!p0 vm0, v6  }
0x15e: {  	v7 =	vor.u32 @!p0 $0x3, v7;
	v6 =	vld.idx.msk @!p0 [tilespmem:v8+s21+$0x0], $0xffff;
	_ =	sdelay $0x4  }
0x15f: {  	[tilespmem:v7+s22+$0x0] =	vst.idx.msk @!p0 vm0, v6  }
0x160: {  	v6 =	vld [tilespmem:s30+$0x10];
	_ =	sdelay $0x4  }
0x161: {  	vm14 =	vge.f32 v6, v3  }
0x162: {  	v62 =	vsel vm14, $0x1, v1  }
0x163: {  	(xrf0) =	vadd.scan.msk.s32 $0xffff, v62;
	_ =	sdelay $0x5  }
0x164: {  	v7, _, _ =	vpop (xrf0)  }
0x165: {  	(v2sf) =	vpush v7, $0xF;
	_ =	sdelay $0xe  }
0x166: {  	s21 =	spop (v2sf)  }
0x167: {  	s0 =	sadd.s32 s0, s1;
	p0 =	slt.s32 s21, $0x1  }
0x168: {  	s1 =	sadd.s32 @!p0 $0xFFFFFFFF, s0  }
0x169: {  	v7 =	vadd.s32 @!p0 s1, v7  }
0x16a: {  	vm0 =	vge.f32 @!p0 v6, v3;
	vm1 =	vlt.s32 @!p0 v7, $0x1FF  }
0x16b: {  	v7 =	vnsel @!p0 vm1, $0x1FF, v7;
	_ =	sdelay $0x1  }
0x16c: {  	v8 =	vshll.u32 @!p0 v4, $0x4  }
0x16d: {  	v9 =	vmul.u32 @!p0 $0x50, v5;
	v10 =	vlaneseq.u32 @!p0  }
0x16e: {  	v10 =	vor.u32 @!p0 $0x30, v10;
	s1 =	simm.s32 @!p0 $0x17E20  }
0x16f: {  	v9 =	vadd.s32 @!p0 v10, v9;
	[tilespmem:v7+s1+$0x0] =	vst.idx.msk @!p0 vm0, v6;
	s1 =	simm.s32 @!p0 $0x18020  }
0x170: {  	[tilespmem:v7+s1+$0x0] =	vst.idx.msk @!p0 vm0, v9;
	s1 =	simm.s32 @!p0 $0x14620  }
0x171: {  	v7 =	vshll.u32 @!p0 v7, $0x3;
	v6 =	vld.idx.msk @!p0 [tilespmem:v8+s1+$0x0], $0xffff  }
0x172: {  	v9 =	vor.u32 @!p0 $0x1, v8;
	_ =	sdelay $0x2  }
0x173: {  	s22 =	simm.s32 @!p0 $0x18220  }
0x174: {  	[tilespmem:v7+s22+$0x0] =	vst.idx.msk @!p0 vm0, v6  }
0x175: {  	v6 =	vld.idx.msk @!p0 [tilespmem:v9+s1+$0x0], $0xffff;
	v9 =	vor.u32 @!p0 $0x1, v7  }
0x176: {  	v10 =	vor.u32 @!p0 $0x2, v8;
	_ =	sdelay $0x3  }
0x177: {  	[tilespmem:v9+s22+$0x0] =	vst.idx.msk @!p0 vm0, v6  }
0x178: {  	v9 =	vor.u32 @!p0 $0x2, v7;
	v6 =	vld.idx.msk @!p0 [tilespmem:v10+s1+$0x0], $0xffff  }
0x179: {  	v8 =	vor.u32 @!p0 $0x3, v8;
	_ =	sdelay $0x3  }
0x17a: {  	[tilespmem:v9+s22+$0x0] =	vst.idx.msk @!p0 vm0, v6  }
0x17b: {  	v7 =	vor.u32 @!p0 $0x3, v7;
	v6 =	vld.idx.msk @!p0 [tilespmem:v8+s1+$0x0], $0xffff;
	_ =	sdelay $0x4  }
0x17c: {  	[tilespmem:v7+s22+$0x0] =	vst.idx.msk @!p0 vm0, v6  }
0x17d: {  	v6 =	vld [tilespmem:s30+$0x20];
	_ =	sdelay $0x4  }
0x17e: {  	vm15 =	vge.f32 v6, v3  }
0x17f: {  	v63 =	vsel vm15, $0x1, v1  }
0x180: {  	(xrf0) =	vadd.scan.msk.s32 $0xffff, v63;
	_ =	sdelay $0x5  }
0x181: {  	v7, _, _ =	vpop (xrf0)  }
0x182: {  	(v2sf) =	vpush v7, $0xF;
	_ =	sdelay $0xe  }
0x183: {  	s1 =	spop (v2sf)  }
0x184: {  	s0 =	sadd.s32 s0, s21;
	p0 =	slt.s32 s1, $0x1  }
0x185: {  	s21 =	sadd.s32 @!p0 $0xFFFFFFFF, s0  }
0x186: {  	v7 =	vadd.s32 @!p0 s21, v7  }
0x187: {  	vm0 =	vge.f32 @!p0 v6, v3;
	vm1 =	vlt.s32 @!p0 v7, $0x1FF  }
0x188: {  	v7 =	vnsel @!p0 vm1, $0x1FF, v7;
	_ =	sdelay $0x1  }
0x189: {  	v4 =	vshll.u32 @!p0 v4, $0x4  }
0x18a: {  	v5 =	vmul.u32 @!p0 $0x50, v5;
	v8 =	vlaneseq.u32 @!p0  }
0x18b: {  	v8 =	vor.u32 @!p0 $0x40, v8;
	s21 =	simm.s32 @!p0 $0x17E20  }
0x18c: {  	v5 =	vadd.s32 @!p0 v8, v5;
	[tilespmem:v7+s21+$0x0] =	vst.idx.msk @!p0 vm0, v6;
	s21 =	simm.s32 @!p0 $0x18020  }
0x18d: {  	[tilespmem:v7+s21+$0x0] =	vst.idx.msk @!p0 vm0, v5;
	s21 =	simm.s32 @!p0 $0x14620  }
0x18e: {  	v6 =	vshll.u32 @!p0 v7, $0x3;
	v5 =	vld.idx.msk @!p0 [tilespmem:v4+s21+$0x0], $0xffff  }
0x18f: {  	v7 =	vor.u32 @!p0 $0x1, v4;
	_ =	sdelay $0x2  }
0x190: {  	s22 =	simm.s32 @!p0 $0x18220  }
0x191: {  	[tilespmem:v6+s22+$0x0] =	vst.idx.msk @!p0 vm0, v5  }
0x192: {  	v5 =	vld.idx.msk @!p0 [tilespmem:v7+s21+$0x0], $0xffff;
	v7 =	vor.u32 @!p0 $0x1, v6  }
0x193: {  	v8 =	vor.u32 @!p0 $0x2, v4;
	_ =	sdelay $0x3  }
0x194: {  	[tilespmem:v7+s22+$0x0] =	vst.idx.msk @!p0 vm0, v5  }
0x195: {  	v7 =	vor.u32 @!p0 $0x2, v6;
	v5 =	vld.idx.msk @!p0 [tilespmem:v8+s21+$0x0], $0xffff  }
0x196: {  	v4 =	vor.u32 @!p0 $0x3, v4;
	_ =	sdelay $0x3  }
0x197: {  	[tilespmem:v7+s22+$0x0] =	vst.idx.msk @!p0 vm0, v5  }
0x198: {  	s31 =	sadd.s32 $0x1, s31;
	v4 =	vld.idx.msk @!p0 [tilespmem:v4+s21+$0x0], $0xffff;
	s21 =	rddreg [dreg:$0x5]  }
0x199: {  	v5 =	vor.u32 @!p0 $0x3, v6;
	p1 =	sne.s32 s21, s31  }
.Ltmp18:
0x19a: {  	_ = 	snop;
	(pc) =	sbr.rel @p1 .LBB2_21-.Ltmp18, $2  }
0x19b: {  	_ =	sdelay $0x2  }
0x19c: {  	s30 =	sadd.s32 $0x50, s30;
	s1 =	sadd.s32 s0, s1;
	[tilespmem:v5+s22+$0x0] =	vst.idx.msk @!p0 vm0, v4  }
.Ltmp19:
0x19d: {  	(pc) =	sbr.rel .LBB2_23-.Ltmp19, $3  }
0x19e: {  	_ =	sdelay $0x1  }
0x19f: {  	p0 =	slt.s32 s1, $0x200  }
0x1a0: {  	s1 =	simm.s32 @!p0 $0x200  }
.LBB2_24:
0x1a1: {  	_ =	sfence.sel $0x180000  }
0x1a2: {  	[bflag:$0x0] =	sbarrier.arrive $0xFFFF  }
0x1a3: {  	_ =	strace $0x90000047  }
0x1a4: {  	s0 =	stileid.u32;
	[bflag:$0x2] =	sbarrier.arrive $0xFFFF  }
0x1a5: {  	p0 =	sne.s32 s0, $0x0;
	s0 =	rddreg [dreg:$0x4]  }
0x1a6: {  	s0 =	sadd.s32 @!p0 $0x100000, s0  }
0x1a7: {  	[sflag:s0] =	ssyncadd.tile.s32 @!p0 $0x1;
	_ =	shalt  }
.Lfunc_end2:
_tile_overlayer_lowered:
.L_overlay_start_2:
0x1a8: {  	(tag) =	ssettag $0x2  }
0x1a9: {  	s0 =	rddreg [dreg:$0x0];
	s2 =	stileid.u32  }
0x1aa: {  	s1 =	rddreg [dreg:$0x1];
	p0 =	sne.s32 s2, $0x0  }
0x1ab: {  	s3 =	rddreg [dreg:$0x2];
	[bflag:$0x3] =	sbarrier.arrive $0xFFFF;
	s2 =	simm.s32 @!p0 $0x1C02  }
0x1ac: {  	[timem:s3], [sflag:s2] =	dma.local @!p0 [hbm:s0], s1  }
0x1ad: {  	s0 =	simm.s32 @!p0 $0x2  }
0x1ae: {  	_ =	swait.ge @!p0 [sflag:s0], s1  }
0x1af: {  	s1 =	ssub.s32 @!p0 $0x0, s1;
	[sflag:s0] =	ssyncset.done @!p0 $0x0  }
0x1b0: {  	[sflag:s0] =	ssyncadd.s32 @!p0 s1  }
0x1b1: {  	[bflag:$0x3] =	sbarrier.arrive $0xFFFF  }
0x1b2: {  	_ =	shalt  }

</sc_bundles>
